<compile_context>
chip_gen: v7x
topology: tpu7x:2x2x1
jax: 0.10.2.dev20260603
libtpu: 0.0.44.dev20260713+nightly
codegen_flags: <defaults>
</compile_context>

<pallas_src>
import functools

import jax
import jax.numpy as jnp
from jax import lax
from jax.experimental import pallas as pl
from jax.experimental.pallas import tpu as pltpu
from jax.experimental.pallas import tpu_sc as plsc

BATCH = 16384
FACTOR = 32
NC = 2
NS = 16
NW = NC * NS
BPW = BATCH // NW
RING = 8
NGRP = BPW // 16

_mesh = plsc.VectorSubcoreMesh(core_axis_name="c", subcore_axis_name="s")


@functools.partial(
    pl.kernel,
    out_type=jax.ShapeDtypeStruct((BATCH,), jnp.float32),
    mesh=_mesh,
    compiler_params=pltpu.CompilerParams(
        needs_layout_passes=False, use_tc_tiling_on_sc=True),
    scratch_types=[
        pltpu.VMEM((BPW,), jnp.int32),
        pltpu.VMEM((BPW,), jnp.int32),
        pltpu.VMEM((FACTOR, RING * 256), jnp.float32),
        pltpu.VMEM((BPW,), jnp.float32),
    ] + [pltpu.SemaphoreType.DMA] * RING,
)
def _mf_kernel(user_hbm, item_hbm, uft_hbm, ift_hbm, out_hbm,
               uidx_v, iidx_v, cols_v, out_v, *sems):
    wid = lax.axis_index("s") * NC + lax.axis_index("c")
    base = wid * BPW

    pltpu.sync_copy(user_hbm.at[pl.ds(base, BPW)], uidx_v)
    pltpu.sync_copy(item_hbm.at[pl.ds(base, BPW)], iidx_v)

    lane = lax.iota(jnp.int32, 16)

    def fire(slot, iu, iv):
        cu = pl.multiple_of((iu >> 7) << 7, 128)
        ci = pl.multiple_of((iv >> 7) << 7, 128)
        pltpu.async_copy(uft_hbm.at[:, pl.ds(cu, 128)],
                         cols_v.at[:, pl.ds(slot * 256, 128)], sems[slot])
        pltpu.async_copy(ift_hbm.at[:, pl.ds(ci, 128)],
                         cols_v.at[:, pl.ds(slot * 256 + 128, 128)],
                         sems[slot])

    def wait_slot(slot):
        for _ in range(2):
            pltpu.make_async_copy(
                uft_hbm.at[:, pl.ds(0, 128)],
                cols_v.at[:, pl.ds(slot * 256, 128)], sems[slot]).wait()

    uvec0 = uidx_v[pl.ds(0, 16)]
    ivec0 = iidx_v[pl.ds(0, 16)]
    for j in range(RING):
        fire(j, uvec0[j], ivec0[j])

    def group_body(g, _):
        uvec = uidx_v[pl.ds(g * 16, 16)]
        ivec = iidx_v[pl.ds(g * 16, 16)]
        nxt = lax.rem((g + 1) * 16, BPW)
        nuvec = uidx_v[pl.ds(nxt, 16)]
        nivec = iidx_v[pl.ds(nxt, 16)]
        acc = jnp.zeros((16,), jnp.float32)
        for j in range(16):
            slot = j % RING
            wait_slot(slot)
            ucol = jnp.full((16,), slot * 256, jnp.int32) + (uvec[j] & 127)
            icol = jnp.full((16,), slot * 256 + 128, jnp.int32) + (ivec[j] & 127)
            u0 = plsc.load_gather(cols_v, [lane, ucol])
            u1 = plsc.load_gather(cols_v, [lane + 16, ucol])
            v0 = plsc.load_gather(cols_v, [lane, icol])
            v1 = plsc.load_gather(cols_v, [lane + 16, icol])
            p = u0 * v0 + u1 * v1
            s = jnp.sum(p)
            acc = jnp.where(lane == j, s, acc)
            if j < RING:
                @pl.when(g * 16 + j + RING < BPW)
                def _():
                    fire(slot, uvec[j + RING], ivec[j + RING])
            else:
                @pl.when((g + 1) * 16 + (j - RING) < BPW)
                def _():
                    fire(slot, nuvec[j - RING], nivec[j - RING])
        out_v[pl.ds(g * 16, 16)] = acc
        return 0

    lax.fori_loop(0, NGRP, group_body, 0)

    pltpu.sync_copy(out_v, out_hbm.at[pl.ds(base, BPW)])


def kernel(user, item, user_factors, item_factors):
    return _mf_kernel(user, item, user_factors.T, item_factors.T)

# --- scband reference (transcript-rebuilt; emitter-appended) ---
"""Pipeline reference for scband-matrix-factorization-87960930222831 (READ-ONLY COPY).

The authoritative reference and input builder live on the scoring server;
editing this copy changes nothing except your own understanding.
"""

import jax, jax.numpy as jnp
import numpy as np

USER_NUM = 1000000
ITEM_NUM = 1000000
FACTOR_NUM = 32
BATCH = 16384


def setup_inputs(seed: int = 0) -> dict:
    key = jax.random.key(seed)
    k1, k2, k3, k4 = jax.random.split(key, 4)
    user = jax.random.randint(k1, (BATCH,), 0, USER_NUM, dtype=jnp.int64 if jax.config.jax_enable_x64 else jnp.int32).astype(jnp.int32)
    item = jax.random.randint(k2, (BATCH,), 0, ITEM_NUM, dtype=jnp.int32)
    user_factors = jax.random.normal(k3, (USER_NUM, FACTOR_NUM), dtype=jnp.float32)
    item_factors = jax.random.normal(k4, (ITEM_NUM, FACTOR_NUM), dtype=jnp.float32)
    return {"user": user, "item": item, "user_factors": user_factors, "item_factors": item_factors}


def reference(user, item, user_factors, item_factors):
    u = jnp.take(user_factors, user, axis=0)
    v = jnp.take(item_factors, item, axis=0)
    return (u * v).sum(axis=1)

if __name__ == "__main__":
    import jax
    _d = setup_inputs()
    print(jax.jit(kernel)(*tuple(_d.values())))

</pallas_src>

<mosaic_0001>
#map = affine_map<(d0, d1) -> (0)>
#map1 = affine_map<(d0, d1) -> (0, 0)>
module attributes {stable_mosaic.version = 14 : i64} {
  func.func @_mf_kernel(%arg0: i32, %arg1: i32, %arg2: memref<16384xi32, #tpu.memory_space<hbm>>, %arg3: memref<16384xi32, #tpu.memory_space<hbm>>, %arg4: memref<32x1000000xf32, #tpu.memory_space<hbm>>, %arg5: memref<32x1000000xf32, #tpu.memory_space<hbm>>, %arg6: memref<16384xf32, #tpu.memory_space<hbm>>, %arg7: memref<512xi32, #tpu.memory_space<vmem>>, %arg8: memref<512xi32, #tpu.memory_space<vmem>>, %arg9: memref<32x2048xf32, #tpu.memory_space<vmem>>, %arg10: memref<512xf32, #tpu.memory_space<vmem>>, %arg11: memref<!tpu.dma_semaphore, #tpu.memory_space<semaphore_mem>>, %arg12: memref<!tpu.dma_semaphore, #tpu.memory_space<semaphore_mem>>, %arg13: memref<!tpu.dma_semaphore, #tpu.memory_space<semaphore_mem>>, %arg14: memref<!tpu.dma_semaphore, #tpu.memory_space<semaphore_mem>>, %arg15: memref<!tpu.dma_semaphore, #tpu.memory_space<semaphore_mem>>, %arg16: memref<!tpu.dma_semaphore, #tpu.memory_space<semaphore_mem>>, %arg17: memref<!tpu.dma_semaphore, #tpu.memory_space<semaphore_mem>>, %arg18: memref<!tpu.dma_semaphore, #tpu.memory_space<semaphore_mem>>) attributes {dimension_semantics = [#tpu.dimension_semantics<core_parallel>, #tpu.dimension_semantics<subcore_parallel>], iteration_bounds = array<i64: 2, 16>, scalar_prefetch = 0 : i64, scratch_operands = 12 : i64, tpu.core_type = #tpu.core_type<sc_vector_subcore>, window_params = [{transform_indices = #map}, {transform_indices = #map}, {transform_indices = #map1}, {transform_indices = #map1}, {transform_indices = #map}]} {
    %mul3A = arith.constant 2 : i32
    %mul3A_0 = arith.muli %arg1, %mul3A : i32
    %add3A = arith.addi %mul3A_0, %arg0 : i32
    %mul3A_1 = arith.constant 512 : i32
    %mul3A_2 = arith.muli %add3A, %mul3A_1 : i32
    "tpu.region"() ({
      %run_scoped3A = tpu.sem_alloc : memref<!tpu.dma_semaphore, #tpu.memory_space<semaphore_mem>>
      %dma_start3A_278 = tpu.memref_slice %arg2[%mul3A_2] : memref<16384xi32, #tpu.memory_space<hbm>> -> memref<512xi32, #tpu.memory_space<hbm>>
      %dma_start3A_279 = tpu.memref_slice %arg2[%mul3A_2] : memref<16384xi32, #tpu.memory_space<hbm>> -> memref<512xi32, #tpu.memory_space<hbm>>
      tpu.enqueue_dma source(%dma_start3A_279 : memref<512xi32, #tpu.memory_space<hbm>>) target(%arg7 : memref<512xi32, #tpu.memory_space<vmem>>) target_semaphore(%run_scoped3A : memref<!tpu.dma_semaphore, #tpu.memory_space<semaphore_mem>>)
      %dma_wait3A = tpu.memref_slice %arg2[%mul3A_2] : memref<16384xi32, #tpu.memory_space<hbm>> -> memref<512xi32, #tpu.memory_space<hbm>>
      %dma_wait3A_280 = tpu.memref_slice %arg2[%mul3A_2] : memref<16384xi32, #tpu.memory_space<hbm>> -> memref<512xi32, #tpu.memory_space<hbm>>
      tpu.wait_dma2 semaphore(%run_scoped3A : memref<!tpu.dma_semaphore, #tpu.memory_space<semaphore_mem>>) src(%dma_wait3A_280 : memref<512xi32, #tpu.memory_space<hbm>>) dst(%arg7 : memref<512xi32, #tpu.memory_space<vmem>>)
      tpu.yield
    }) : () -> ()
    "tpu.region"() ({
      %run_scoped3A = tpu.sem_alloc : memref<!tpu.dma_semaphore, #tpu.memory_space<semaphore_mem>>
      %dma_start3A_278 = tpu.memref_slice %arg3[%mul3A_2] : memref<16384xi32, #tpu.memory_space<hbm>> -> memref<512xi32, #tpu.memory_space<hbm>>
      %dma_start3A_279 = tpu.memref_slice %arg3[%mul3A_2] : memref<16384xi32, #tpu.memory_space<hbm>> -> memref<512xi32, #tpu.memory_space<hbm>>
      tpu.enqueue_dma source(%dma_start3A_279 : memref<512xi32, #tpu.memory_space<hbm>>) target(%arg8 : memref<512xi32, #tpu.memory_space<vmem>>) target_semaphore(%run_scoped3A : memref<!tpu.dma_semaphore, #tpu.memory_space<semaphore_mem>>)
      %dma_wait3A = tpu.memref_slice %arg3[%mul3A_2] : memref<16384xi32, #tpu.memory_space<hbm>> -> memref<512xi32, #tpu.memory_space<hbm>>
      %dma_wait3A_280 = tpu.memref_slice %arg3[%mul3A_2] : memref<16384xi32, #tpu.memory_space<hbm>> -> memref<512xi32, #tpu.memory_space<hbm>>
      tpu.wait_dma2 semaphore(%run_scoped3A : memref<!tpu.dma_semaphore, #tpu.memory_space<semaphore_mem>>) src(%dma_wait3A_280 : memref<512xi32, #tpu.memory_space<hbm>>) dst(%arg8 : memref<512xi32, #tpu.memory_space<vmem>>)
      tpu.yield
    }) : () -> ()
    %iota3A = tpu.iota {dimensions = array<i32: 0>} : vector<16xi32>
    %get3A = arith.constant 0 : index
    %get3A_3 = tpu.vector_load %arg7[%get3A] {strides = array<i32>} : memref<512xi32, #tpu.memory_space<vmem>>, vector<16xi32>,
    %get3A_4 = arith.constant 0 : index
    %get3A_5 = tpu.vector_load %arg8[%get3A_4] {strides = array<i32>} : memref<512xi32, #tpu.memory_space<vmem>>, vector<16xi32>,
    %slice3A = vector.extract_strided_slice %get3A_3 {offsets = [0], sizes = [1], strides = [1]} : vector<16xi32> to vector<1xi32>
    %squeeze3A = vector.extract %slice3A[0] : i32 from vector<1xi32>
    %slice3A_6 = vector.extract_strided_slice %get3A_5 {offsets = [0], sizes = [1], strides = [1]} : vector<16xi32> to vector<1xi32>
    %squeeze3A_7 = vector.extract %slice3A_6[0] : i32 from vector<1xi32>
    %shift_right_arithmetic3A = arith.constant 7 : i32
    %shift_right_arithmetic3A_8 = arith.shrsi %squeeze3A, %shift_right_arithmetic3A : i32
    %shift_left3A = arith.constant 7 : i32
    %shift_left3A_9 = arith.shli %shift_right_arithmetic3A_8, %shift_left3A : i32
    %multiple_of3A = tpu.assume_multiple %shift_left3A_9, 128 : i32
    %shift_right_arithmetic3A_10 = arith.constant 7 : i32
    %shift_right_arithmetic3A_11 = arith.shrsi %squeeze3A_7, %shift_right_arithmetic3A_10 : i32
    %shift_left3A_12 = arith.constant 7 : i32
    %shift_left3A_13 = arith.shli %shift_right_arithmetic3A_11, %shift_left3A_12 : i32
    %multiple_of3A_14 = tpu.assume_multiple %shift_left3A_13, 128 : i32
    %dma_start3A = arith.constant 0 : i32
    %dma_start3A_15 = arith.constant 0 : i32
    %dma_start3A_16 = tpu.memref_slice %arg9[%dma_start3A, %dma_start3A_15] : memref<32x2048xf32, #tpu.memory_space<vmem>> -> memref<32x128xf32, #tpu.memory_space<vmem>>
    %dma_start3A_17 = arith.constant 0 : i32
    %dma_start3A_18 = tpu.memref_slice %arg4[%dma_start3A_17, %multiple_of3A] : memref<32x1000000xf32, #tpu.memory_space<hbm>> -> memref<32x128xf32, #tpu.memory_space<hbm>>
    %dma_start3A_19 = arith.constant 0 : i32
    %dma_start3A_20 = arith.constant 0 : i32
    %dma_start3A_21 = tpu.memref_slice %arg9[%dma_start3A_19, %dma_start3A_20] : memref<32x2048xf32, #tpu.memory_space<vmem>> -> memref<32x128xf32, #tpu.memory_space<vmem>>
    %dma_start3A_22 = arith.constant 0 : i32
    %dma_start3A_23 = tpu.memref_slice %arg4[%dma_start3A_22, %multiple_of3A] : memref<32x1000000xf32, #tpu.memory_space<hbm>> -> memref<32x128xf32, #tpu.memory_space<hbm>>
    tpu.enqueue_dma source(%dma_start3A_23 : memref<32x128xf32, #tpu.memory_space<hbm>>) target(%dma_start3A_21 : memref<32x128xf32, #tpu.memory_space<vmem>>) target_semaphore(%arg11 : memref<!tpu.dma_semaphore, #tpu.memory_space<semaphore_mem>>)
    %dma_start3A_24 = arith.constant 0 : i32
    %dma_start3A_25 = arith.constant 128 : i32
    %dma_start3A_26 = tpu.memref_slice %arg9[%dma_start3A_24, %dma_start3A_25] : memref<32x2048xf32, #tpu.memory_space<vmem>> -> memref<32x128xf32, #tpu.memory_space<vmem>>
    %dma_start3A_27 = arith.constant 0 : i32
    %dma_start3A_28 = tpu.memref_slice %arg5[%dma_start3A_27, %multiple_of3A_14] : memref<32x1000000xf32, #tpu.memory_space<hbm>> -> memref<32x128xf32, #tpu.memory_space<hbm>>
    %dma_start3A_29 = arith.constant 0 : i32
    %dma_start3A_30 = arith.constant 128 : i32
    %dma_start3A_31 = tpu.memref_slice %arg9[%dma_start3A_29, %dma_start3A_30] : memref<32x2048xf32, #tpu.memory_space<vmem>> -> memref<32x128xf32, #tpu.memory_space<vmem>>
    %dma_start3A_32 = arith.constant 0 : i32
    %dma_start3A_33 = tpu.memref_slice %arg5[%dma_start3A_32, %multiple_of3A_14] : memref<32x1000000xf32, #tpu.memory_space<hbm>> -> memref<32x128xf32, #tpu.memory_space<hbm>>
    tpu.enqueue_dma source(%dma_start3A_33 : memref<32x128xf32, #tpu.memory_space<hbm>>) target(%dma_start3A_31 : memref<32x128xf32, #tpu.memory_space<vmem>>) target_semaphore(%arg11 : memref<!tpu.dma_semaphore, #tpu.memory_space<semaphore_mem>>)
    %slice3A_34 = vector.extract_strided_slice %get3A_3 {offsets = [1], sizes = [1], strides = [1]} : vector<16xi32> to vector<1xi32>
    %squeeze3A_35 = vector.extract %slice3A_34[0] : i32 from vector<1xi32>
    %slice3A_36 = vector.extract_strided_slice %get3A_5 {offsets = [1], sizes = [1], strides = [1]} : vector<16xi32> to vector<1xi32>
    %squeeze3A_37 = vector.extract %slice3A_36[0] : i32 from vector<1xi32>
    %shift_right_arithmetic3A_38 = arith.constant 7 : i32
    %shift_right_arithmetic3A_39 = arith.shrsi %squeeze3A_35, %shift_right_arithmetic3A_38 : i32
    %shift_left3A_40 = arith.constant 7 : i32
    %shift_left3A_41 = arith.shli %shift_right_arithmetic3A_39, %shift_left3A_40 : i32
    %multiple_of3A_42 = tpu.assume_multiple %shift_left3A_41, 128 : i32
    %shift_right_arithmetic3A_43 = arith.constant 7 : i32
    %shift_right_arithmetic3A_44 = arith.shrsi %squeeze3A_37, %shift_right_arithmetic3A_43 : i32
    %shift_left3A_45 = arith.constant 7 : i32
    %shift_left3A_46 = arith.shli %shift_right_arithmetic3A_44, %shift_left3A_45 : i32
    %multiple_of3A_47 = tpu.assume_multiple %shift_left3A_46, 128 : i32
    %dma_start3A_48 = arith.constant 0 : i32
    %dma_start3A_49 = arith.constant 256 : i32
    %dma_start3A_50 = tpu.memref_slice %arg9[%dma_start3A_48, %dma_start3A_49] : memref<32x2048xf32, #tpu.memory_space<vmem>> -> memref<32x128xf32, #tpu.memory_space<vmem>>
    %dma_start3A_51 = arith.constant 0 : i32
    %dma_start3A_52 = tpu.memref_slice %arg4[%dma_start3A_51, %multiple_of3A_42] : memref<32x1000000xf32, #tpu.memory_space<hbm>> -> memref<32x128xf32, #tpu.memory_space<hbm>>
    %dma_start3A_53 = arith.constant 0 : i32
    %dma_start3A_54 = arith.constant 256 : i32
    %dma_start3A_55 = tpu.memref_slice %arg9[%dma_start3A_53, %dma_start3A_54] : memref<32x2048xf32, #tpu.memory_space<vmem>> -> memref<32x128xf32, #tpu.memory_space<vmem>>
    %dma_start3A_56 = arith.constant 0 : i32
    %dma_start3A_57 = tpu.memref_slice %arg4[%dma_start3A_56, %multiple_of3A_42] : memref<32x1000000xf32, #tpu.memory_space<hbm>> -> memref<32x128xf32, #tpu.memory_space<hbm>>
    tpu.enqueue_dma source(%dma_start3A_57 : memref<32x128xf32, #tpu.memory_space<hbm>>) target(%dma_start3A_55 : memref<32x128xf32, #tpu.memory_space<vmem>>) target_semaphore(%arg12 : memref<!tpu.dma_semaphore, #tpu.memory_space<semaphore_mem>>)
    %dma_start3A_58 = arith.constant 0 : i32
    %dma_start3A_59 = arith.constant 384 : i32
    %dma_start3A_60 = tpu.memref_slice %arg9[%dma_start3A_58, %dma_start3A_59] : memref<32x2048xf32, #tpu.memory_space<vmem>> -> memref<32x128xf32, #tpu.memory_space<vmem>>
    %dma_start3A_61 = arith.constant 0 : i32
    %dma_start3A_62 = tpu.memref_slice %arg5[%dma_start3A_61, %multiple_of3A_47] : memref<32x1000000xf32, #tpu.memory_space<hbm>> -> memref<32x128xf32, #tpu.memory_space<hbm>>
    %dma_start3A_63 = arith.constant 0 : i32
    %dma_start3A_64 = arith.constant 384 : i32
    %dma_start3A_65 = tpu.memref_slice %arg9[%dma_start3A_63, %dma_start3A_64] : memref<32x2048xf32, #tpu.memory_space<vmem>> -> memref<32x128xf32, #tpu.memory_space<vmem>>
    %dma_start3A_66 = arith.constant 0 : i32
    %dma_start3A_67 = tpu.memref_slice %arg5[%dma_start3A_66, %multiple_of3A_47] : memref<32x1000000xf32, #tpu.memory_space<hbm>> -> memref<32x128xf32, #tpu.memory_space<hbm>>
    tpu.enqueue_dma source(%dma_start3A_67 : memref<32x128xf32, #tpu.memory_space<hbm>>) target(%dma_start3A_65 : memref<32x128xf32, #tpu.memory_space<vmem>>) target_semaphore(%arg12 : memref<!tpu.dma_semaphore, #tpu.memory_space<semaphore_mem>>)
    %slice3A_68 = vector.extract_strided_slice %get3A_3 {offsets = [2], sizes = [1], strides = [1]} : vector<16xi32> to vector<1xi32>
    %squeeze3A_69 = vector.extract %slice3A_68[0] : i32 from vector<1xi32>
    %slice3A_70 = vector.extract_strided_slice %get3A_5 {offsets = [2], sizes = [1], strides = [1]} : vector<16xi32> to vector<1xi32>
    %squeeze3A_71 = vector.extract %slice3A_70[0] : i32 from vector<1xi32>
    %shift_right_arithmetic3A_72 = arith.constant 7 : i32
    %shift_right_arithmetic3A_73 = arith.shrsi %squeeze3A_69, %shift_right_arithmetic3A_72 : i32
    %shift_left3A_74 = arith.constant 7 : i32
    %shift_left3A_75 = arith.shli %shift_right_arithmetic3A_73, %shift_left3A_74 : i32
    %multiple_of3A_76 = tpu.assume_multiple %shift_left3A_75, 128 : i32
    %shift_right_arithmetic3A_77 = arith.constant 7 : i32
    %shift_right_arithmetic3A_78 = arith.shrsi %squeeze3A_71, %shift_right_arithmetic3A_77 : i32
    %shift_left3A_79 = arith.constant 7 : i32
    %shift_left3A_80 = arith.shli %shift_right_arithmetic3A_78, %shift_left3A_79 : i32
    %multiple_of3A_81 = tpu.assume_multiple %shift_left3A_80, 128 : i32
    %dma_start3A_82 = arith.constant 0 : i32
    %dma_start3A_83 = arith.constant 512 : i32
    %dma_start3A_84 = tpu.memref_slice %arg9[%dma_start3A_82, %dma_start3A_83] : memref<32x2048xf32, #tpu.memory_space<vmem>> -> memref<32x128xf32, #tpu.memory_space<vmem>>
    %dma_start3A_85 = arith.constant 0 : i32
    %dma_start3A_86 = tpu.memref_slice %arg4[%dma_start3A_85, %multiple_of3A_76] : memref<32x1000000xf32, #tpu.memory_space<hbm>> -> memref<32x128xf32, #tpu.memory_space<hbm>>
    %dma_start3A_87 = arith.constant 0 : i32
    %dma_start3A_88 = arith.constant 512 : i32
    %dma_start3A_89 = tpu.memref_slice %arg9[%dma_start3A_87, %dma_start3A_88] : memref<32x2048xf32, #tpu.memory_space<vmem>> -> memref<32x128xf32, #tpu.memory_space<vmem>>
    %dma_start3A_90 = arith.constant 0 : i32
    %dma_start3A_91 = tpu.memref_slice %arg4[%dma_start3A_90, %multiple_of3A_76] : memref<32x1000000xf32, #tpu.memory_space<hbm>> -> memref<32x128xf32, #tpu.memory_space<hbm>>
    tpu.enqueue_dma source(%dma_start3A_91 : memref<32x128xf32, #tpu.memory_space<hbm>>) target(%dma_start3A_89 : memref<32x128xf32, #tpu.memory_space<vmem>>) target_semaphore(%arg13 : memref<!tpu.dma_semaphore, #tpu.memory_space<semaphore_mem>>)
    %dma_start3A_92 = arith.constant 0 : i32
    %dma_start3A_93 = arith.constant 640 : i32
    %dma_start3A_94 = tpu.memref_slice %arg9[%dma_start3A_92, %dma_start3A_93] : memref<32x2048xf32, #tpu.memory_space<vmem>> -> memref<32x128xf32, #tpu.memory_space<vmem>>
    %dma_start3A_95 = arith.constant 0 : i32
    %dma_start3A_96 = tpu.memref_slice %arg5[%dma_start3A_95, %multiple_of3A_81] : memref<32x1000000xf32, #tpu.memory_space<hbm>> -> memref<32x128xf32, #tpu.memory_space<hbm>>
    %dma_start3A_97 = arith.constant 0 : i32
    %dma_start3A_98 = arith.constant 640 : i32
    %dma_start3A_99 = tpu.memref_slice %arg9[%dma_start3A_97, %dma_start3A_98] : memref<32x2048xf32, #tpu.memory_space<vmem>> -> memref<32x128xf32, #tpu.memory_space<vmem>>
    %dma_start3A_100 = arith.constant 0 : i32
    %dma_start3A_101 = tpu.memref_slice %arg5[%dma_start3A_100, %multiple_of3A_81] : memref<32x1000000xf32, #tpu.memory_space<hbm>> -> memref<32x128xf32, #tpu.memory_space<hbm>>
    tpu.enqueue_dma source(%dma_start3A_101 : memref<32x128xf32, #tpu.memory_space<hbm>>) target(%dma_start3A_99 : memref<32x128xf32, #tpu.memory_space<vmem>>) target_semaphore(%arg13 : memref<!tpu.dma_semaphore, #tpu.memory_space<semaphore_mem>>)
    %slice3A_102 = vector.extract_strided_slice %get3A_3 {offsets = [3], sizes = [1], strides = [1]} : vector<16xi32> to vector<1xi32>
    %squeeze3A_103 = vector.extract %slice3A_102[0] : i32 from vector<1xi32>
    %slice3A_104 = vector.extract_strided_slice %get3A_5 {offsets = [3], sizes = [1], strides = [1]} : vector<16xi32> to vector<1xi32>
    %squeeze3A_105 = vector.extract %slice3A_104[0] : i32 from vector<1xi32>
    %shift_right_arithmetic3A_106 = arith.constant 7 : i32
    %shift_right_arithmetic3A_107 = arith.shrsi %squeeze3A_103, %shift_right_arithmetic3A_106 : i32
    %shift_left3A_108 = arith.constant 7 : i32
    %shift_left3A_109 = arith.shli %shift_right_arithmetic3A_107, %shift_left3A_108 : i32
    %multiple_of3A_110 = tpu.assume_multiple %shift_left3A_109, 128 : i32
    %shift_right_arithmetic3A_111 = arith.constant 7 : i32
    %shift_right_arithmetic3A_112 = arith.shrsi %squeeze3A_105, %shift_right_arithmetic3A_111 : i32
    %shift_left3A_113 = arith.constant 7 : i32
    %shift_left3A_114 = arith.shli %shift_right_arithmetic3A_112, %shift_left3A_113 : i32
    %multiple_of3A_115 = tpu.assume_multiple %shift_left3A_114, 128 : i32
    %dma_start3A_116 = arith.constant 0 : i32
    %dma_start3A_117 = arith.constant 768 : i32
    %dma_start3A_118 = tpu.memref_slice %arg9[%dma_start3A_116, %dma_start3A_117] : memref<32x2048xf32, #tpu.memory_space<vmem>> -> memref<32x128xf32, #tpu.memory_space<vmem>>
    %dma_start3A_119 = arith.constant 0 : i32
    %dma_start3A_120 = tpu.memref_slice %arg4[%dma_start3A_119, %multiple_of3A_110] : memref<32x1000000xf32, #tpu.memory_space<hbm>> -> memref<32x128xf32, #tpu.memory_space<hbm>>
    %dma_start3A_121 = arith.constant 0 : i32
    %dma_start3A_122 = arith.constant 768 : i32
    %dma_start3A_123 = tpu.memref_slice %arg9[%dma_start3A_121, %dma_start3A_122] : memref<32x2048xf32, #tpu.memory_space<vmem>> -> memref<32x128xf32, #tpu.memory_space<vmem>>
    %dma_start3A_124 = arith.constant 0 : i32
    %dma_start3A_125 = tpu.memref_slice %arg4[%dma_start3A_124, %multiple_of3A_110] : memref<32x1000000xf32, #tpu.memory_space<hbm>> -> memref<32x128xf32, #tpu.memory_space<hbm>>
    tpu.enqueue_dma source(%dma_start3A_125 : memref<32x128xf32, #tpu.memory_space<hbm>>) target(%dma_start3A_123 : memref<32x128xf32, #tpu.memory_space<vmem>>) target_semaphore(%arg14 : memref<!tpu.dma_semaphore, #tpu.memory_space<semaphore_mem>>)
    %dma_start3A_126 = arith.constant 0 : i32
    %dma_start3A_127 = arith.constant 896 : i32
    %dma_start3A_128 = tpu.memref_slice %arg9[%dma_start3A_126, %dma_start3A_127] : memref<32x2048xf32, #tpu.memory_space<vmem>> -> memref<32x128xf32, #tpu.memory_space<vmem>>
    %dma_start3A_129 = arith.constant 0 : i32
    %dma_start3A_130 = tpu.memref_slice %arg5[%dma_start3A_129, %multiple_of3A_115] : memref<32x1000000xf32, #tpu.memory_space<hbm>> -> memref<32x128xf32, #tpu.memory_space<hbm>>
    %dma_start3A_131 = arith.constant 0 : i32
    %dma_start3A_132 = arith.constant 896 : i32
    %dma_start3A_133 = tpu.memref_slice %arg9[%dma_start3A_131, %dma_start3A_132] : memref<32x2048xf32, #tpu.memory_space<vmem>> -> memref<32x128xf32, #tpu.memory_space<vmem>>
    %dma_start3A_134 = arith.constant 0 : i32
    %dma_start3A_135 = tpu.memref_slice %arg5[%dma_start3A_134, %multiple_of3A_115] : memref<32x1000000xf32, #tpu.memory_space<hbm>> -> memref<32x128xf32, #tpu.memory_space<hbm>>
    tpu.enqueue_dma source(%dma_start3A_135 : memref<32x128xf32, #tpu.memory_space<hbm>>) target(%dma_start3A_133 : memref<32x128xf32, #tpu.memory_space<vmem>>) target_semaphore(%arg14 : memref<!tpu.dma_semaphore, #tpu.memory_space<semaphore_mem>>)
    %slice3A_136 = vector.extract_strided_slice %get3A_3 {offsets = [4], sizes = [1], strides = [1]} : vector<16xi32> to vector<1xi32>
    %squeeze3A_137 = vector.extract %slice3A_136[0] : i32 from vector<1xi32>
    %slice3A_138 = vector.extract_strided_slice %get3A_5 {offsets = [4], sizes = [1], strides = [1]} : vector<16xi32> to vector<1xi32>
    %squeeze3A_139 = vector.extract %slice3A_138[0] : i32 from vector<1xi32>
    %shift_right_arithmetic3A_140 = arith.constant 7 : i32
    %shift_right_arithmetic3A_141 = arith.shrsi %squeeze3A_137, %shift_right_arithmetic3A_140 : i32
    %shift_left3A_142 = arith.constant 7 : i32
    %shift_left3A_143 = arith.shli %shift_right_arithmetic3A_141, %shift_left3A_142 : i32
    %multiple_of3A_144 = tpu.assume_multiple %shift_left3A_143, 128 : i32
    %shift_right_arithmetic3A_145 = arith.constant 7 : i32
    %shift_right_arithmetic3A_146 = arith.shrsi %squeeze3A_139, %shift_right_arithmetic3A_145 : i32
    %shift_left3A_147 = arith.constant 7 : i32
    %shift_left3A_148 = arith.shli %shift_right_arithmetic3A_146, %shift_left3A_147 : i32
    %multiple_of3A_149 = tpu.assume_multiple %shift_left3A_148, 128 : i32
    %dma_start3A_150 = arith.constant 0 : i32
    %dma_start3A_151 = arith.constant 1024 : i32
    %dma_start3A_152 = tpu.memref_slice %arg9[%dma_start3A_150, %dma_start3A_151] : memref<32x2048xf32, #tpu.memory_space<vmem>> -> memref<32x128xf32, #tpu.memory_space<vmem>>
    %dma_start3A_153 = arith.constant 0 : i32
    %dma_start3A_154 = tpu.memref_slice %arg4[%dma_start3A_153, %multiple_of3A_144] : memref<32x1000000xf32, #tpu.memory_space<hbm>> -> memref<32x128xf32, #tpu.memory_space<hbm>>
    %dma_start3A_155 = arith.constant 0 : i32
    %dma_start3A_156 = arith.constant 1024 : i32
    %dma_start3A_157 = tpu.memref_slice %arg9[%dma_start3A_155, %dma_start3A_156] : memref<32x2048xf32, #tpu.memory_space<vmem>> -> memref<32x128xf32, #tpu.memory_space<vmem>>
    %dma_start3A_158 = arith.constant 0 : i32
    %dma_start3A_159 = tpu.memref_slice %arg4[%dma_start3A_158, %multiple_of3A_144] : memref<32x1000000xf32, #tpu.memory_space<hbm>> -> memref<32x128xf32, #tpu.memory_space<hbm>>
    tpu.enqueue_dma source(%dma_start3A_159 : memref<32x128xf32, #tpu.memory_space<hbm>>) target(%dma_start3A_157 : memref<32x128xf32, #tpu.memory_space<vmem>>) target_semaphore(%arg15 : memref<!tpu.dma_semaphore, #tpu.memory_space<semaphore_mem>>)
    %dma_start3A_160 = arith.constant 0 : i32
    %dma_start3A_161 = arith.constant 1152 : i32
    %dma_start3A_162 = tpu.memref_slice %arg9[%dma_start3A_160, %dma_start3A_161] : memref<32x2048xf32, #tpu.memory_space<vmem>> -> memref<32x128xf32, #tpu.memory_space<vmem>>
    %dma_start3A_163 = arith.constant 0 : i32
    %dma_start3A_164 = tpu.memref_slice %arg5[%dma_start3A_163, %multiple_of3A_149] : memref<32x1000000xf32, #tpu.memory_space<hbm>> -> memref<32x128xf32, #tpu.memory_space<hbm>>
    %dma_start3A_165 = arith.constant 0 : i32
    %dma_start3A_166 = arith.constant 1152 : i32
    %dma_start3A_167 = tpu.memref_slice %arg9[%dma_start3A_165, %dma_start3A_166] : memref<32x2048xf32, #tpu.memory_space<vmem>> -> memref<32x128xf32, #tpu.memory_space<vmem>>
    %dma_start3A_168 = arith.constant 0 : i32
    %dma_start3A_169 = tpu.memref_slice %arg5[%dma_start3A_168, %multiple_of3A_149] : memref<32x1000000xf32, #tpu.memory_space<hbm>> -> memref<32x128xf32, #tpu.memory_space<hbm>>
    tpu.enqueue_dma source(%dma_start3A_169 : memref<32x128xf32, #tpu.memory_space<hbm>>) target(%dma_start3A_167 : memref<32x128xf32, #tpu.memory_space<vmem>>) target_semaphore(%arg15 : memref<!tpu.dma_semaphore, #tpu.memory_space<semaphore_mem>>)
    %slice3A_170 = vector.extract_strided_slice %get3A_3 {offsets = [5], sizes = [1], strides = [1]} : vector<16xi32> to vector<1xi32>
    %squeeze3A_171 = vector.extract %slice3A_170[0] : i32 from vector<1xi32>
    %slice3A_172 = vector.extract_strided_slice %get3A_5 {offsets = [5], sizes = [1], strides = [1]} : vector<16xi32> to vector<1xi32>
    %squeeze3A_173 = vector.extract %slice3A_172[0] : i32 from vector<1xi32>
    %shift_right_arithmetic3A_174 = arith.constant 7 : i32
    %shift_right_arithmetic3A_175 = arith.shrsi %squeeze3A_171, %shift_right_arithmetic3A_174 : i32
    %shift_left3A_176 = arith.constant 7 : i32
    %shift_left3A_177 = arith.shli %shift_right_arithmetic3A_175, %shift_left3A_176 : i32
    %multiple_of3A_178 = tpu.assume_multiple %shift_left3A_177, 128 : i32
    %shift_right_arithmetic3A_179 = arith.constant 7 : i32
    %shift_right_arithmetic3A_180 = arith.shrsi %squeeze3A_173, %shift_right_arithmetic3A_179 : i32
    %shift_left3A_181 = arith.constant 7 : i32
    %shift_left3A_182 = arith.shli %shift_right_arithmetic3A_180, %shift_left3A_181 : i32
    %multiple_of3A_183 = tpu.assume_multiple %shift_left3A_182, 128 : i32
    %dma_start3A_184 = arith.constant 0 : i32
    %dma_start3A_185 = arith.constant 1280 : i32
    %dma_start3A_186 = tpu.memref_slice %arg9[%dma_start3A_184, %dma_start3A_185] : memref<32x2048xf32, #tpu.memory_space<vmem>> -> memref<32x128xf32, #tpu.memory_space<vmem>>
    %dma_start3A_187 = arith.constant 0 : i32
    %dma_start3A_188 = tpu.memref_slice %arg4[%dma_start3A_187, %multiple_of3A_178] : memref<32x1000000xf32, #tpu.memory_space<hbm>> -> memref<32x128xf32, #tpu.memory_space<hbm>>
    %dma_start3A_189 = arith.constant 0 : i32
    %dma_start3A_190 = arith.constant 1280 : i32
    %dma_start3A_191 = tpu.memref_slice %arg9[%dma_start3A_189, %dma_start3A_190] : memref<32x2048xf32, #tpu.memory_space<vmem>> -> memref<32x128xf32, #tpu.memory_space<vmem>>
    %dma_start3A_192 = arith.constant 0 : i32
    %dma_start3A_193 = tpu.memref_slice %arg4[%dma_start3A_192, %multiple_of3A_178] : memref<32x1000000xf32, #tpu.memory_space<hbm>> -> memref<32x128xf32, #tpu.memory_space<hbm>>
    tpu.enqueue_dma source(%dma_start3A_193 : memref<32x128xf32, #tpu.memory_space<hbm>>) target(%dma_start3A_191 : memref<32x128xf32, #tpu.memory_space<vmem>>) target_semaphore(%arg16 : memref<!tpu.dma_semaphore, #tpu.memory_space<semaphore_mem>>)
    %dma_start3A_194 = arith.constant 0 : i32
    %dma_start3A_195 = arith.constant 1408 : i32
    %dma_start3A_196 = tpu.memref_slice %arg9[%dma_start3A_194, %dma_start3A_195] : memref<32x2048xf32, #tpu.memory_space<vmem>> -> memref<32x128xf32, #tpu.memory_space<vmem>>
    %dma_start3A_197 = arith.constant 0 : i32
    %dma_start3A_198 = tpu.memref_slice %arg5[%dma_start3A_197, %multiple_of3A_183] : memref<32x1000000xf32, #tpu.memory_space<hbm>> -> memref<32x128xf32, #tpu.memory_space<hbm>>
    %dma_start3A_199 = arith.constant 0 : i32
    %dma_start3A_200 = arith.constant 1408 : i32
    %dma_start3A_201 = tpu.memref_slice %arg9[%dma_start3A_199, %dma_start3A_200] : memref<32x2048xf32, #tpu.memory_space<vmem>> -> memref<32x128xf32, #tpu.memory_space<vmem>>
    %dma_start3A_202 = arith.constant 0 : i32
    %dma_start3A_203 = tpu.memref_slice %arg5[%dma_start3A_202, %multiple_of3A_183] : memref<32x1000000xf32, #tpu.memory_space<hbm>> -> memref<32x128xf32, #tpu.memory_space<hbm>>
    tpu.enqueue_dma source(%dma_start3A_203 : memref<32x128xf32, #tpu.memory_space<hbm>>) target(%dma_start3A_201 : memref<32x128xf32, #tpu.memory_space<vmem>>) target_semaphore(%arg16 : memref<!tpu.dma_semaphore, #tpu.memory_space<semaphore_mem>>)
    %slice3A_204 = vector.extract_strided_slice %get3A_3 {offsets = [6], sizes = [1], strides = [1]} : vector<16xi32> to vector<1xi32>
    %squeeze3A_205 = vector.extract %slice3A_204[0] : i32 from vector<1xi32>
    %slice3A_206 = vector.extract_strided_slice %get3A_5 {offsets = [6], sizes = [1], strides = [1]} : vector<16xi32> to vector<1xi32>
    %squeeze3A_207 = vector.extract %slice3A_206[0] : i32 from vector<1xi32>
    %shift_right_arithmetic3A_208 = arith.constant 7 : i32
    %shift_right_arithmetic3A_209 = arith.shrsi %squeeze3A_205, %shift_right_arithmetic3A_208 : i32
    %shift_left3A_210 = arith.constant 7 : i32
    %shift_left3A_211 = arith.shli %shift_right_arithmetic3A_209, %shift_left3A_210 : i32
    %multiple_of3A_212 = tpu.assume_multiple %shift_left3A_211, 128 : i32
    %shift_right_arithmetic3A_213 = arith.constant 7 : i32
    %shift_right_arithmetic3A_214 = arith.shrsi %squeeze3A_207, %shift_right_arithmetic3A_213 : i32
    %shift_left3A_215 = arith.constant 7 : i32
    %shift_left3A_216 = arith.shli %shift_right_arithmetic3A_214, %shift_left3A_215 : i32
    %multiple_of3A_217 = tpu.assume_multiple %shift_left3A_216, 128 : i32
    %dma_start3A_218 = arith.constant 0 : i32
    %dma_start3A_219 = arith.constant 1536 : i32
    %dma_start3A_220 = tpu.memref_slice %arg9[%dma_start3A_218, %dma_start3A_219] : memref<32x2048xf32, #tpu.memory_space<vmem>> -> memref<32x128xf32, #tpu.memory_space<vmem>>
    %dma_start3A_221 = arith.constant 0 : i32
    %dma_start3A_222 = tpu.memref_slice %arg4[%dma_start3A_221, %multiple_of3A_212] : memref<32x1000000xf32, #tpu.memory_space<hbm>> -> memref<32x128xf32, #tpu.memory_space<hbm>>
    %dma_start3A_223 = arith.constant 0 : i32
    %dma_start3A_224 = arith.constant 1536 : i32
    %dma_start3A_225 = tpu.memref_slice %arg9[%dma_start3A_223, %dma_start3A_224] : memref<32x2048xf32, #tpu.memory_space<vmem>> -> memref<32x128xf32, #tpu.memory_space<vmem>>
    %dma_start3A_226 = arith.constant 0 : i32
    %dma_start3A_227 = tpu.memref_slice %arg4[%dma_start3A_226, %multiple_of3A_212] : memref<32x1000000xf32, #tpu.memory_space<hbm>> -> memref<32x128xf32, #tpu.memory_space<hbm>>
    tpu.enqueue_dma source(%dma_start3A_227 : memref<32x128xf32, #tpu.memory_space<hbm>>) target(%dma_start3A_225 : memref<32x128xf32, #tpu.memory_space<vmem>>) target_semaphore(%arg17 : memref<!tpu.dma_semaphore, #tpu.memory_space<semaphore_mem>>)
    %dma_start3A_228 = arith.constant 0 : i32
    %dma_start3A_229 = arith.constant 1664 : i32
    %dma_start3A_230 = tpu.memref_slice %arg9[%dma_start3A_228, %dma_start3A_229] : memref<32x2048xf32, #tpu.memory_space<vmem>> -> memref<32x128xf32, #tpu.memory_space<vmem>>
    %dma_start3A_231 = arith.constant 0 : i32
    %dma_start3A_232 = tpu.memref_slice %arg5[%dma_start3A_231, %multiple_of3A_217] : memref<32x1000000xf32, #tpu.memory_space<hbm>> -> memref<32x128xf32, #tpu.memory_space<hbm>>
    %dma_start3A_233 = arith.constant 0 : i32
    %dma_start3A_234 = arith.constant 1664 : i32
    %dma_start3A_235 = tpu.memref_slice %arg9[%dma_start3A_233, %dma_start3A_234] : memref<32x2048xf32, #tpu.memory_space<vmem>> -> memref<32x128xf32, #tpu.memory_space<vmem>>
    %dma_start3A_236 = arith.constant 0 : i32
    %dma_start3A_237 = tpu.memref_slice %arg5[%dma_start3A_236, %multiple_of3A_217] : memref<32x1000000xf32, #tpu.memory_space<hbm>> -> memref<32x128xf32, #tpu.memory_space<hbm>>
    tpu.enqueue_dma source(%dma_start3A_237 : memref<32x128xf32, #tpu.memory_space<hbm>>) target(%dma_start3A_235 : memref<32x128xf32, #tpu.memory_space<vmem>>) target_semaphore(%arg17 : memref<!tpu.dma_semaphore, #tpu.memory_space<semaphore_mem>>)
    %slice3A_238 = vector.extract_strided_slice %get3A_3 {offsets = [7], sizes = [1], strides = [1]} : vector<16xi32> to vector<1xi32>
    %squeeze3A_239 = vector.extract %slice3A_238[0] : i32 from vector<1xi32>
    %slice3A_240 = vector.extract_strided_slice %get3A_5 {offsets = [7], sizes = [1], strides = [1]} : vector<16xi32> to vector<1xi32>
    %squeeze3A_241 = vector.extract %slice3A_240[0] : i32 from vector<1xi32>
    %shift_right_arithmetic3A_242 = arith.constant 7 : i32
    %shift_right_arithmetic3A_243 = arith.shrsi %squeeze3A_239, %shift_right_arithmetic3A_242 : i32
    %shift_left3A_244 = arith.constant 7 : i32
    %shift_left3A_245 = arith.shli %shift_right_arithmetic3A_243, %shift_left3A_244 : i32
    %multiple_of3A_246 = tpu.assume_multiple %shift_left3A_245, 128 : i32
    %shift_right_arithmetic3A_247 = arith.constant 7 : i32
    %shift_right_arithmetic3A_248 = arith.shrsi %squeeze3A_241, %shift_right_arithmetic3A_247 : i32
    %shift_left3A_249 = arith.constant 7 : i32
    %shift_left3A_250 = arith.shli %shift_right_arithmetic3A_248, %shift_left3A_249 : i32
    %multiple_of3A_251 = tpu.assume_multiple %shift_left3A_250, 128 : i32
    %dma_start3A_252 = arith.constant 0 : i32
    %dma_start3A_253 = arith.constant 1792 : i32
    %dma_start3A_254 = tpu.memref_slice %arg9[%dma_start3A_252, %dma_start3A_253] : memref<32x2048xf32, #tpu.memory_space<vmem>> -> memref<32x128xf32, #tpu.memory_space<vmem>>
    %dma_start3A_255 = arith.constant 0 : i32
    %dma_start3A_256 = tpu.memref_slice %arg4[%dma_start3A_255, %multiple_of3A_246] : memref<32x1000000xf32, #tpu.memory_space<hbm>> -> memref<32x128xf32, #tpu.memory_space<hbm>>
    %dma_start3A_257 = arith.constant 0 : i32
    %dma_start3A_258 = arith.constant 1792 : i32
    %dma_start3A_259 = tpu.memref_slice %arg9[%dma_start3A_257, %dma_start3A_258] : memref<32x2048xf32, #tpu.memory_space<vmem>> -> memref<32x128xf32, #tpu.memory_space<vmem>>
    %dma_start3A_260 = arith.constant 0 : i32
    %dma_start3A_261 = tpu.memref_slice %arg4[%dma_start3A_260, %multiple_of3A_246] : memref<32x1000000xf32, #tpu.memory_space<hbm>> -> memref<32x128xf32, #tpu.memory_space<hbm>>
    tpu.enqueue_dma source(%dma_start3A_261 : memref<32x128xf32, #tpu.memory_space<hbm>>) target(%dma_start3A_259 : memref<32x128xf32, #tpu.memory_space<vmem>>) target_semaphore(%arg18 : memref<!tpu.dma_semaphore, #tpu.memory_space<semaphore_mem>>)
    %dma_start3A_262 = arith.constant 0 : i32
    %dma_start3A_263 = arith.constant 1920 : i32
    %dma_start3A_264 = tpu.memref_slice %arg9[%dma_start3A_262, %dma_start3A_263] : memref<32x2048xf32, #tpu.memory_space<vmem>> -> memref<32x128xf32, #tpu.memory_space<vmem>>
    %dma_start3A_265 = arith.constant 0 : i32
    %dma_start3A_266 = tpu.memref_slice %arg5[%dma_start3A_265, %multiple_of3A_251] : memref<32x1000000xf32, #tpu.memory_space<hbm>> -> memref<32x128xf32, #tpu.memory_space<hbm>>
    %dma_start3A_267 = arith.constant 0 : i32
    %dma_start3A_268 = arith.constant 1920 : i32
    %dma_start3A_269 = tpu.memref_slice %arg9[%dma_start3A_267, %dma_start3A_268] : memref<32x2048xf32, #tpu.memory_space<vmem>> -> memref<32x128xf32, #tpu.memory_space<vmem>>
    %dma_start3A_270 = arith.constant 0 : i32
    %dma_start3A_271 = tpu.memref_slice %arg5[%dma_start3A_270, %multiple_of3A_251] : memref<32x1000000xf32, #tpu.memory_space<hbm>> -> memref<32x128xf32, #tpu.memory_space<hbm>>
    tpu.enqueue_dma source(%dma_start3A_271 : memref<32x128xf32, #tpu.memory_space<hbm>>) target(%dma_start3A_269 : memref<32x128xf32, #tpu.memory_space<vmem>>) target_semaphore(%arg18 : memref<!tpu.dma_semaphore, #tpu.memory_space<semaphore_mem>>)
    %scan3A = arith.constant 0 : i32
    %scan3A_272 = arith.constant 0 : i32
    %scan3A_273 = arith.constant 32 : i32
    %scan3A_274 = arith.addi %scan3A_272, %scan3A_273 : i32
    %scan3A_275 = arith.constant 1 : i32
    %scan3A_276 = scf.for %scan3A_278 = %scan3A_272 to %scan3A_274 step %scan3A_275 iter_args(%scan3A_279 = %scan3A) -> (i32)  : i32 {
      %mul3A_280 = arith.constant 16 : i32
      %mul3A_281 = arith.muli %scan3A_278, %mul3A_280 : i32
      %get3A_282 = arith.index_cast %mul3A_281 : i32 to index
      %get3A_283 = tpu.vector_load %arg7[%get3A_282] {strides = array<i32>} : memref<512xi32, #tpu.memory_space<vmem>>, vector<16xi32>,
      %mul3A_284 = arith.constant 16 : i32
      %mul3A_285 = arith.muli %scan3A_278, %mul3A_284 : i32
      %get3A_286 = arith.index_cast %mul3A_285 : i32 to index
      %get3A_287 = tpu.vector_load %arg8[%get3A_286] {strides = array<i32>} : memref<512xi32, #tpu.memory_space<vmem>>, vector<16xi32>,
      %add3A_288 = arith.constant 1 : i32
      %add3A_289 = arith.addi %scan3A_278, %add3A_288 : i32
      %mul3A_290 = arith.constant 16 : i32
      %mul3A_291 = arith.muli %add3A_289, %mul3A_290 : i32
      %rem3A = arith.constant 512 : i32
      %rem3A_292 = arith.remsi %mul3A_291, %rem3A : i32
      %get3A_293 = arith.index_cast %rem3A_292 : i32 to index
      %get3A_294 = tpu.vector_load %arg7[%get3A_293] {strides = array<i32>} : memref<512xi32, #tpu.memory_space<vmem>>, vector<16xi32>,
      %get3A_295 = arith.index_cast %rem3A_292 : i32 to index
      %get3A_296 = tpu.vector_load %arg8[%get3A_295] {strides = array<i32>} : memref<512xi32, #tpu.memory_space<vmem>>, vector<16xi32>,
      %broadcast_in_dim3A = arith.constant 0.000000e+00 : f32
      %broadcast_in_dim3A_297 = vector.broadcast %broadcast_in_dim3A : f32 to vector<16xf32>
      %dma_wait3A = arith.constant 0 : i32
      %dma_wait3A_298 = arith.constant 0 : i32
      %dma_wait3A_299 = tpu.memref_slice %arg9[%dma_wait3A, %dma_wait3A_298] : memref<32x2048xf32, #tpu.memory_space<vmem>> -> memref<32x128xf32, #tpu.memory_space<vmem>>
      %dma_wait3A_300 = arith.constant 0 : i32
      %dma_wait3A_301 = arith.constant 0 : i32
      %dma_wait3A_302 = tpu.memref_slice %arg4[%dma_wait3A_300, %dma_wait3A_301] : memref<32x1000000xf32, #tpu.memory_space<hbm>> -> memref<32x128xf32, #tpu.memory_space<hbm>>
      %dma_wait3A_303 = arith.constant 0 : i32
      %dma_wait3A_304 = arith.constant 0 : i32
      %dma_wait3A_305 = tpu.memref_slice %arg9[%dma_wait3A_303, %dma_wait3A_304] : memref<32x2048xf32, #tpu.memory_space<vmem>> -> memref<32x128xf32, #tpu.memory_space<vmem>>
      %dma_wait3A_306 = arith.constant 0 : i32
      %dma_wait3A_307 = arith.constant 0 : i32
      %dma_wait3A_308 = tpu.memref_slice %arg4[%dma_wait3A_306, %dma_wait3A_307] : memref<32x1000000xf32, #tpu.memory_space<hbm>> -> memref<32x128xf32, #tpu.memory_space<hbm>>
      tpu.wait_dma2 semaphore(%arg11 : memref<!tpu.dma_semaphore, #tpu.memory_space<semaphore_mem>>) src(%dma_wait3A_308 : memref<32x128xf32, #tpu.memory_space<hbm>>) dst(%dma_wait3A_305 : memref<32x128xf32, #tpu.memory_space<vmem>>)
      %dma_wait3A_309 = arith.constant 0 : i32
      %dma_wait3A_310 = arith.constant 0 : i32
      %dma_wait3A_311 = tpu.memref_slice %arg9[%dma_wait3A_309, %dma_wait3A_310] : memref<32x2048xf32, #tpu.memory_space<vmem>> -> memref<32x128xf32, #tpu.memory_space<vmem>>
      %dma_wait3A_312 = arith.constant 0 : i32
      %dma_wait3A_313 = arith.constant 0 : i32
      %dma_wait3A_314 = tpu.memref_slice %arg4[%dma_wait3A_312, %dma_wait3A_313] : memref<32x1000000xf32, #tpu.memory_space<hbm>> -> memref<32x128xf32, #tpu.memory_space<hbm>>
      %dma_wait3A_315 = arith.constant 0 : i32
      %dma_wait3A_316 = arith.constant 0 : i32
      %dma_wait3A_317 = tpu.memref_slice %arg9[%dma_wait3A_315, %dma_wait3A_316] : memref<32x2048xf32, #tpu.memory_space<vmem>> -> memref<32x128xf32, #tpu.memory_space<vmem>>
      %dma_wait3A_318 = arith.constant 0 : i32
      %dma_wait3A_319 = arith.constant 0 : i32
      %dma_wait3A_320 = tpu.memref_slice %arg4[%dma_wait3A_318, %dma_wait3A_319] : memref<32x1000000xf32, #tpu.memory_space<hbm>> -> memref<32x128xf32, #tpu.memory_space<hbm>>
      tpu.wait_dma2 semaphore(%arg11 : memref<!tpu.dma_semaphore, #tpu.memory_space<semaphore_mem>>) src(%dma_wait3A_320 : memref<32x128xf32, #tpu.memory_space<hbm>>) dst(%dma_wait3A_317 : memref<32x128xf32, #tpu.memory_space<vmem>>)
      %broadcast_in_dim3A_321 = arith.constant 0 : i32
      %broadcast_in_dim3A_322 = vector.broadcast %broadcast_in_dim3A_321 : i32 to vector<16xi32>
      %slice3A_323 = vector.extract_strided_slice %get3A_283 {offsets = [0], sizes = [1], strides = [1]} : vector<16xi32> to vector<1xi32>
      %squeeze3A_324 = vector.extract %slice3A_323[0] : i32 from vector<1xi32>
      %and3A = arith.constant 127 : i32
      %and3A_325 = arith.andi %squeeze3A_324, %and3A : i32
      %add3A_326 = vector.broadcast %and3A_325 : i32 to vector<16xi32>
      %add3A_327 = arith.addi %broadcast_in_dim3A_322, %add3A_326 : vector<16xi32>
      %broadcast_in_dim3A_328 = arith.constant 128 : i32
      %broadcast_in_dim3A_329 = vector.broadcast %broadcast_in_dim3A_328 : i32 to vector<16xi32>
      %slice3A_330 = vector.extract_strided_slice %get3A_287 {offsets = [0], sizes = [1], strides = [1]} : vector<16xi32> to vector<1xi32>
      %squeeze3A_331 = vector.extract %slice3A_330[0] : i32 from vector<1xi32>
      %and3A_332 = arith.constant 127 : i32
      %and3A_333 = arith.andi %squeeze3A_331, %and3A_332 : i32
      %add3A_334 = vector.broadcast %and3A_333 : i32 to vector<16xi32>
      %add3A_335 = arith.addi %broadcast_in_dim3A_329, %add3A_334 : vector<16xi32>
      %gather3A = tpu.vector_load_idx %arg9[%iota3A, %add3A_327] : memref<32x2048xf32, #tpu.memory_space<vmem>>[vector<16xi32>, vector<16xi32>], vector<16xf32>,
      %add3A_336 = arith.constant 16 : i32
      %add3A_337 = vector.broadcast %add3A_336 : i32 to vector<16xi32>
      %add3A_338 = arith.addi %iota3A, %add3A_337 : vector<16xi32>
      %gather3A_339 = tpu.vector_load_idx %arg9[%add3A_338, %add3A_327] : memref<32x2048xf32, #tpu.memory_space<vmem>>[vector<16xi32>, vector<16xi32>], vector<16xf32>,
      %gather3A_340 = tpu.vector_load_idx %arg9[%iota3A, %add3A_335] : memref<32x2048xf32, #tpu.memory_space<vmem>>[vector<16xi32>, vector<16xi32>], vector<16xf32>,
      %add3A_341 = arith.constant 16 : i32
      %add3A_342 = vector.broadcast %add3A_341 : i32 to vector<16xi32>
      %add3A_343 = arith.addi %iota3A, %add3A_342 : vector<16xi32>
      %gather3A_344 = tpu.vector_load_idx %arg9[%add3A_343, %add3A_335] : memref<32x2048xf32, #tpu.memory_space<vmem>>[vector<16xi32>, vector<16xi32>], vector<16xf32>,
      %mul3A_345 = arith.mulf %gather3A, %gather3A_340 : vector<16xf32>
      %mul3A_346 = arith.mulf %gather3A_339, %gather3A_344 : vector<16xf32>
      %add3A_347 = arith.addf %mul3A_345, %mul3A_346 : vector<16xf32>
      %reduce_sum3A = arith.constant true
      %reduce_sum3A_348 = vector.broadcast %reduce_sum3A : i1 to vector<16xi1>
      %reduce_sum3A_349 = tpu.scan <sum>, %add3A_347 masked %reduce_sum3A_348 : vector<16xf32>, vector<16xi1> -> vector<16xf32>
      %reduce_sum3A_350 = vector.extract %reduce_sum3A_349[15] : f32 from vector<16xf32>
      %eq3A = arith.constant 0 : i32
      %eq3A_351 = vector.broadcast %eq3A : i32 to vector<16xi32>
      %eq3A_352 = arith.cmpi eq, %iota3A, %eq3A_351 : vector<16xi32>
      %broadcast_in_dim3A_353 = vector.broadcast %reduce_sum3A_350 : f32 to vector<16xf32>
      %select_n3A = arith.select %eq3A_352, %broadcast_in_dim3A_353, %broadcast_in_dim3A_297 : vector<16xi1>, vector<16xf32>
      %mul3A_354 = arith.constant 16 : i32
      %mul3A_355 = arith.muli %scan3A_278, %mul3A_354 : i32
      %add3A_356 = arith.constant 0 : i32
      %add3A_357 = arith.addi %mul3A_355, %add3A_356 : i32
      %add3A_358 = arith.constant 8 : i32
      %add3A_359 = arith.addi %add3A_357, %add3A_358 : i32
      %lt3A = arith.constant 512 : i32
      %lt3A_360 = arith.cmpi slt, %add3A_359, %lt3A : i32
      %convert_element_type3A = arith.extui %lt3A_360 : i1 to i32
      %cond3A = arith.constant 0 : i32
      %cond3A_361 = arith.cmpi ne, %convert_element_type3A, %cond3A : i32
      scf.if %cond3A_361 {
        %slice3A_1461 = vector.extract_strided_slice %get3A_283 {offsets = [8], sizes = [1], strides = [1]} : vector<16xi32> to vector<1xi32>
        %squeeze3A_1462 = vector.extract %slice3A_1461[0] : i32 from vector<1xi32>
        %slice3A_1463 = vector.extract_strided_slice %get3A_287 {offsets = [8], sizes = [1], strides = [1]} : vector<16xi32> to vector<1xi32>
        %squeeze3A_1464 = vector.extract %slice3A_1463[0] : i32 from vector<1xi32>
        %shift_right_arithmetic3A_1465 = arith.constant 7 : i32
        %shift_right_arithmetic3A_1466 = arith.shrsi %squeeze3A_1462, %shift_right_arithmetic3A_1465 : i32
        %shift_left3A_1467 = arith.constant 7 : i32
        %shift_left3A_1468 = arith.shli %shift_right_arithmetic3A_1466, %shift_left3A_1467 : i32
        %multiple_of3A_1469 = tpu.assume_multiple %shift_left3A_1468, 128 : i32
        %shift_right_arithmetic3A_1470 = arith.constant 7 : i32
        %shift_right_arithmetic3A_1471 = arith.shrsi %squeeze3A_1464, %shift_right_arithmetic3A_1470 : i32
        %shift_left3A_1472 = arith.constant 7 : i32
        %shift_left3A_1473 = arith.shli %shift_right_arithmetic3A_1471, %shift_left3A_1472 : i32
        %multiple_of3A_1474 = tpu.assume_multiple %shift_left3A_1473, 128 : i32
        %dma_start3A_1475 = arith.constant 0 : i32
        %dma_start3A_1476 = arith.constant 0 : i32
        %dma_start3A_1477 = tpu.memref_slice %arg9[%dma_start3A_1475, %dma_start3A_1476] : memref<32x2048xf32, #tpu.memory_space<vmem>> -> memref<32x128xf32, #tpu.memory_space<vmem>>
        %dma_start3A_1478 = arith.constant 0 : i32
        %dma_start3A_1479 = tpu.memref_slice %arg4[%dma_start3A_1478, %multiple_of3A_1469] : memref<32x1000000xf32, #tpu.memory_space<hbm>> -> memref<32x128xf32, #tpu.memory_space<hbm>>
        %dma_start3A_1480 = arith.constant 0 : i32
        %dma_start3A_1481 = arith.constant 0 : i32
        %dma_start3A_1482 = tpu.memref_slice %arg9[%dma_start3A_1480, %dma_start3A_1481] : memref<32x2048xf32, #tpu.memory_space<vmem>> -> memref<32x128xf32, #tpu.memory_space<vmem>>
        %dma_start3A_1483 = arith.constant 0 : i32
        %dma_start3A_1484 = tpu.memref_slice %arg4[%dma_start3A_1483, %multiple_of3A_1469] : memref<32x1000000xf32, #tpu.memory_space<hbm>> -> memref<32x128xf32, #tpu.memory_space<hbm>>
        tpu.enqueue_dma source(%dma_start3A_1484 : memref<32x128xf32, #tpu.memory_space<hbm>>) target(%dma_start3A_1482 : memref<32x128xf32, #tpu.memory_space<vmem>>) target_semaphore(%arg11 : memref<!tpu.dma_semaphore, #tpu.memory_space<semaphore_mem>>)
        %dma_start3A_1485 = arith.constant 0 : i32
        %dma_start3A_1486 = arith.constant 128 : i32
        %dma_start3A_1487 = tpu.memref_slice %arg9[%dma_start3A_1485, %dma_start3A_1486] : memref<32x2048xf32, #tpu.memory_space<vmem>> -> memref<32x128xf32, #tpu.memory_space<vmem>>
        %dma_start3A_1488 = arith.constant 0 : i32
        %dma_start3A_1489 = tpu.memref_slice %arg5[%dma_start3A_1488, %multiple_of3A_1474] : memref<32x1000000xf32, #tpu.memory_space<hbm>> -> memref<32x128xf32, #tpu.memory_space<hbm>>
        %dma_start3A_1490 = arith.constant 0 : i32
        %dma_start3A_1491 = arith.constant 128 : i32
        %dma_start3A_1492 = tpu.memref_slice %arg9[%dma_start3A_1490, %dma_start3A_1491] : memref<32x2048xf32, #tpu.memory_space<vmem>> -> memref<32x128xf32, #tpu.memory_space<vmem>>
        %dma_start3A_1493 = arith.constant 0 : i32
        %dma_start3A_1494 = tpu.memref_slice %arg5[%dma_start3A_1493, %multiple_of3A_1474] : memref<32x1000000xf32, #tpu.memory_space<hbm>> -> memref<32x128xf32, #tpu.memory_space<hbm>>
        tpu.enqueue_dma source(%dma_start3A_1494 : memref<32x128xf32, #tpu.memory_space<hbm>>) target(%dma_start3A_1492 : memref<32x128xf32, #tpu.memory_space<vmem>>) target_semaphore(%arg11 : memref<!tpu.dma_semaphore, #tpu.memory_space<semaphore_mem>>)
      } else {
      }
      %dma_wait3A_362 = arith.constant 0 : i32
      %dma_wait3A_363 = arith.constant 256 : i32
      %dma_wait3A_364 = tpu.memref_slice %arg9[%dma_wait3A_362, %dma_wait3A_363] : memref<32x2048xf32, #tpu.memory_space<vmem>> -> memref<32x128xf32, #tpu.memory_space<vmem>>
      %dma_wait3A_365 = arith.constant 0 : i32
      %dma_wait3A_366 = arith.constant 0 : i32
      %dma_wait3A_367 = tpu.memref_slice %arg4[%dma_wait3A_365, %dma_wait3A_366] : memref<32x1000000xf32, #tpu.memory_space<hbm>> -> memref<32x128xf32, #tpu.memory_space<hbm>>
      %dma_wait3A_368 = arith.constant 0 : i32
      %dma_wait3A_369 = arith.constant 256 : i32
      %dma_wait3A_370 = tpu.memref_slice %arg9[%dma_wait3A_368, %dma_wait3A_369] : memref<32x2048xf32, #tpu.memory_space<vmem>> -> memref<32x128xf32, #tpu.memory_space<vmem>>
      %dma_wait3A_371 = arith.constant 0 : i32
      %dma_wait3A_372 = arith.constant 0 : i32
      %dma_wait3A_373 = tpu.memref_slice %arg4[%dma_wait3A_371, %dma_wait3A_372] : memref<32x1000000xf32, #tpu.memory_space<hbm>> -> memref<32x128xf32, #tpu.memory_space<hbm>>
      tpu.wait_dma2 semaphore(%arg12 : memref<!tpu.dma_semaphore, #tpu.memory_space<semaphore_mem>>) src(%dma_wait3A_373 : memref<32x128xf32, #tpu.memory_space<hbm>>) dst(%dma_wait3A_370 : memref<32x128xf32, #tpu.memory_space<vmem>>)
      %dma_wait3A_374 = arith.constant 0 : i32
      %dma_wait3A_375 = arith.constant 256 : i32
      %dma_wait3A_376 = tpu.memref_slice %arg9[%dma_wait3A_374, %dma_wait3A_375] : memref<32x2048xf32, #tpu.memory_space<vmem>> -> memref<32x128xf32, #tpu.memory_space<vmem>>
      %dma_wait3A_377 = arith.constant 0 : i32
      %dma_wait3A_378 = arith.constant 0 : i32
      %dma_wait3A_379 = tpu.memref_slice %arg4[%dma_wait3A_377, %dma_wait3A_378] : memref<32x1000000xf32, #tpu.memory_space<hbm>> -> memref<32x128xf32, #tpu.memory_space<hbm>>
      %dma_wait3A_380 = arith.constant 0 : i32
      %dma_wait3A_381 = arith.constant 256 : i32
      %dma_wait3A_382 = tpu.memref_slice %arg9[%dma_wait3A_380, %dma_wait3A_381] : memref<32x2048xf32, #tpu.memory_space<vmem>> -> memref<32x128xf32, #tpu.memory_space<vmem>>
      %dma_wait3A_383 = arith.constant 0 : i32
      %dma_wait3A_384 = arith.constant 0 : i32
      %dma_wait3A_385 = tpu.memref_slice %arg4[%dma_wait3A_383, %dma_wait3A_384] : memref<32x1000000xf32, #tpu.memory_space<hbm>> -> memref<32x128xf32, #tpu.memory_space<hbm>>
      tpu.wait_dma2 semaphore(%arg12 : memref<!tpu.dma_semaphore, #tpu.memory_space<semaphore_mem>>) src(%dma_wait3A_385 : memref<32x128xf32, #tpu.memory_space<hbm>>) dst(%dma_wait3A_382 : memref<32x128xf32, #tpu.memory_space<vmem>>)
      %broadcast_in_dim3A_386 = arith.constant 256 : i32
      %broadcast_in_dim3A_387 = vector.broadcast %broadcast_in_dim3A_386 : i32 to vector<16xi32>
      %slice3A_388 = vector.extract_strided_slice %get3A_283 {offsets = [1], sizes = [1], strides = [1]} : vector<16xi32> to vector<1xi32>
      %squeeze3A_389 = vector.extract %slice3A_388[0] : i32 from vector<1xi32>
      %and3A_390 = arith.constant 127 : i32
      %and3A_391 = arith.andi %squeeze3A_389, %and3A_390 : i32
      %add3A_392 = vector.broadcast %and3A_391 : i32 to vector<16xi32>
      %add3A_393 = arith.addi %broadcast_in_dim3A_387, %add3A_392 : vector<16xi32>
      %broadcast_in_dim3A_394 = arith.constant 384 : i32
      %broadcast_in_dim3A_395 = vector.broadcast %broadcast_in_dim3A_394 : i32 to vector<16xi32>
      %slice3A_396 = vector.extract_strided_slice %get3A_287 {offsets = [1], sizes = [1], strides = [1]} : vector<16xi32> to vector<1xi32>
      %squeeze3A_397 = vector.extract %slice3A_396[0] : i32 from vector<1xi32>
      %and3A_398 = arith.constant 127 : i32
      %and3A_399 = arith.andi %squeeze3A_397, %and3A_398 : i32
      %add3A_400 = vector.broadcast %and3A_399 : i32 to vector<16xi32>
      %add3A_401 = arith.addi %broadcast_in_dim3A_395, %add3A_400 : vector<16xi32>
      %gather3A_402 = tpu.vector_load_idx %arg9[%iota3A, %add3A_393] : memref<32x2048xf32, #tpu.memory_space<vmem>>[vector<16xi32>, vector<16xi32>], vector<16xf32>,
      %add3A_403 = arith.constant 16 : i32
      %add3A_404 = vector.broadcast %add3A_403 : i32 to vector<16xi32>
      %add3A_405 = arith.addi %iota3A, %add3A_404 : vector<16xi32>
      %gather3A_406 = tpu.vector_load_idx %arg9[%add3A_405, %add3A_393] : memref<32x2048xf32, #tpu.memory_space<vmem>>[vector<16xi32>, vector<16xi32>], vector<16xf32>,
      %gather3A_407 = tpu.vector_load_idx %arg9[%iota3A, %add3A_401] : memref<32x2048xf32, #tpu.memory_space<vmem>>[vector<16xi32>, vector<16xi32>], vector<16xf32>,
      %add3A_408 = arith.constant 16 : i32
      %add3A_409 = vector.broadcast %add3A_408 : i32 to vector<16xi32>
      %add3A_410 = arith.addi %iota3A, %add3A_409 : vector<16xi32>
      %gather3A_411 = tpu.vector_load_idx %arg9[%add3A_410, %add3A_401] : memref<32x2048xf32, #tpu.memory_space<vmem>>[vector<16xi32>, vector<16xi32>], vector<16xf32>,
      %mul3A_412 = arith.mulf %gather3A_402, %gather3A_407 : vector<16xf32>
      %mul3A_413 = arith.mulf %gather3A_406, %gather3A_411 : vector<16xf32>
      %add3A_414 = arith.addf %mul3A_412, %mul3A_413 : vector<16xf32>
      %reduce_sum3A_415 = arith.constant true
      %reduce_sum3A_416 = vector.broadcast %reduce_sum3A_415 : i1 to vector<16xi1>
      %reduce_sum3A_417 = tpu.scan <sum>, %add3A_414 masked %reduce_sum3A_416 : vector<16xf32>, vector<16xi1> -> vector<16xf32>
      %reduce_sum3A_418 = vector.extract %reduce_sum3A_417[15] : f32 from vector<16xf32>
      %eq3A_419 = arith.constant 1 : i32
      %eq3A_420 = vector.broadcast %eq3A_419 : i32 to vector<16xi32>
      %eq3A_421 = arith.cmpi eq, %iota3A, %eq3A_420 : vector<16xi32>
      %broadcast_in_dim3A_422 = vector.broadcast %reduce_sum3A_418 : f32 to vector<16xf32>
      %select_n3A_423 = arith.select %eq3A_421, %broadcast_in_dim3A_422, %select_n3A : vector<16xi1>, vector<16xf32>
      %mul3A_424 = arith.constant 16 : i32
      %mul3A_425 = arith.muli %scan3A_278, %mul3A_424 : i32
      %add3A_426 = arith.constant 1 : i32
      %add3A_427 = arith.addi %mul3A_425, %add3A_426 : i32
      %add3A_428 = arith.constant 8 : i32
      %add3A_429 = arith.addi %add3A_427, %add3A_428 : i32
      %lt3A_430 = arith.constant 512 : i32
      %lt3A_431 = arith.cmpi slt, %add3A_429, %lt3A_430 : i32
      %convert_element_type3A_432 = arith.extui %lt3A_431 : i1 to i32
      %cond3A_433 = arith.constant 0 : i32
      %cond3A_434 = arith.cmpi ne, %convert_element_type3A_432, %cond3A_433 : i32
      scf.if %cond3A_434 {
        %slice3A_1461 = vector.extract_strided_slice %get3A_283 {offsets = [9], sizes = [1], strides = [1]} : vector<16xi32> to vector<1xi32>
        %squeeze3A_1462 = vector.extract %slice3A_1461[0] : i32 from vector<1xi32>
        %slice3A_1463 = vector.extract_strided_slice %get3A_287 {offsets = [9], sizes = [1], strides = [1]} : vector<16xi32> to vector<1xi32>
        %squeeze3A_1464 = vector.extract %slice3A_1463[0] : i32 from vector<1xi32>
        %shift_right_arithmetic3A_1465 = arith.constant 7 : i32
        %shift_right_arithmetic3A_1466 = arith.shrsi %squeeze3A_1462, %shift_right_arithmetic3A_1465 : i32
        %shift_left3A_1467 = arith.constant 7 : i32
        %shift_left3A_1468 = arith.shli %shift_right_arithmetic3A_1466, %shift_left3A_1467 : i32
        %multiple_of3A_1469 = tpu.assume_multiple %shift_left3A_1468, 128 : i32
        %shift_right_arithmetic3A_1470 = arith.constant 7 : i32
        %shift_right_arithmetic3A_1471 = arith.shrsi %squeeze3A_1464, %shift_right_arithmetic3A_1470 : i32
        %shift_left3A_1472 = arith.constant 7 : i32
        %shift_left3A_1473 = arith.shli %shift_right_arithmetic3A_1471, %shift_left3A_1472 : i32
        %multiple_of3A_1474 = tpu.assume_multiple %shift_left3A_1473, 128 : i32
        %dma_start3A_1475 = arith.constant 0 : i32
        %dma_start3A_1476 = arith.constant 256 : i32
        %dma_start3A_1477 = tpu.memref_slice %arg9[%dma_start3A_1475, %dma_start3A_1476] : memref<32x2048xf32, #tpu.memory_space<vmem>> -> memref<32x128xf32, #tpu.memory_space<vmem>>
        %dma_start3A_1478 = arith.constant 0 : i32
        %dma_start3A_1479 = tpu.memref_slice %arg4[%dma_start3A_1478, %multiple_of3A_1469] : memref<32x1000000xf32, #tpu.memory_space<hbm>> -> memref<32x128xf32, #tpu.memory_space<hbm>>
        %dma_start3A_1480 = arith.constant 0 : i32
        %dma_start3A_1481 = arith.constant 256 : i32
        %dma_start3A_1482 = tpu.memref_slice %arg9[%dma_start3A_1480, %dma_start3A_1481] : memref<32x2048xf32, #tpu.memory_space<vmem>> -> memref<32x128xf32, #tpu.memory_space<vmem>>
        %dma_start3A_1483 = arith.constant 0 : i32
        %dma_start3A_1484 = tpu.memref_slice %arg4[%dma_start3A_1483, %multiple_of3A_1469] : memref<32x1000000xf32, #tpu.memory_space<hbm>> -> memref<32x128xf32, #tpu.memory_space<hbm>>
        tpu.enqueue_dma source(%dma_start3A_1484 : memref<32x128xf32, #tpu.memory_space<hbm>>) target(%dma_start3A_1482 : memref<32x128xf32, #tpu.memory_space<vmem>>) target_semaphore(%arg12 : memref<!tpu.dma_semaphore, #tpu.memory_space<semaphore_mem>>)
        %dma_start3A_1485 = arith.constant 0 : i32
        %dma_start3A_1486 = arith.constant 384 : i32
        %dma_start3A_1487 = tpu.memref_slice %arg9[%dma_start3A_1485, %dma_start3A_1486] : memref<32x2048xf32, #tpu.memory_space<vmem>> -> memref<32x128xf32, #tpu.memory_space<vmem>>
        %dma_start3A_1488 = arith.constant 0 : i32
        %dma_start3A_1489 = tpu.memref_slice %arg5[%dma_start3A_1488, %multiple_of3A_1474] : memref<32x1000000xf32, #tpu.memory_space<hbm>> -> memref<32x128xf32, #tpu.memory_space<hbm>>
        %dma_start3A_1490 = arith.constant 0 : i32
        %dma_start3A_1491 = arith.constant 384 : i32
        %dma_start3A_1492 = tpu.memref_slice %arg9[%dma_start3A_1490, %dma_start3A_1491] : memref<32x2048xf32, #tpu.memory_space<vmem>> -> memref<32x128xf32, #tpu.memory_space<vmem>>
        %dma_start3A_1493 = arith.constant 0 : i32
        %dma_start3A_1494 = tpu.memref_slice %arg5[%dma_start3A_1493, %multiple_of3A_1474] : memref<32x1000000xf32, #tpu.memory_space<hbm>> -> memref<32x128xf32, #tpu.memory_space<hbm>>
        tpu.enqueue_dma source(%dma_start3A_1494 : memref<32x128xf32, #tpu.memory_space<hbm>>) target(%dma_start3A_1492 : memref<32x128xf32, #tpu.memory_space<vmem>>) target_semaphore(%arg12 : memref<!tpu.dma_semaphore, #tpu.memory_space<semaphore_mem>>)
      } else {
      }
      %dma_wait3A_435 = arith.constant 0 : i32
      %dma_wait3A_436 = arith.constant 512 : i32
      %dma_wait3A_437 = tpu.memref_slice %arg9[%dma_wait3A_435, %dma_wait3A_436] : memref<32x2048xf32, #tpu.memory_space<vmem>> -> memref<32x128xf32, #tpu.memory_space<vmem>>
      %dma_wait3A_438 = arith.constant 0 : i32
      %dma_wait3A_439 = arith.constant 0 : i32
      %dma_wait3A_440 = tpu.memref_slice %arg4[%dma_wait3A_438, %dma_wait3A_439] : memref<32x1000000xf32, #tpu.memory_space<hbm>> -> memref<32x128xf32, #tpu.memory_space<hbm>>
      %dma_wait3A_441 = arith.constant 0 : i32
      %dma_wait3A_442 = arith.constant 512 : i32
      %dma_wait3A_443 = tpu.memref_slice %arg9[%dma_wait3A_441, %dma_wait3A_442] : memref<32x2048xf32, #tpu.memory_space<vmem>> -> memref<32x128xf32, #tpu.memory_space<vmem>>
      %dma_wait3A_444 = arith.constant 0 : i32
      %dma_wait3A_445 = arith.constant 0 : i32
      %dma_wait3A_446 = tpu.memref_slice %arg4[%dma_wait3A_444, %dma_wait3A_445] : memref<32x1000000xf32, #tpu.memory_space<hbm>> -> memref<32x128xf32, #tpu.memory_space<hbm>>
      tpu.wait_dma2 semaphore(%arg13 : memref<!tpu.dma_semaphore, #tpu.memory_space<semaphore_mem>>) src(%dma_wait3A_446 : memref<32x128xf32, #tpu.memory_space<hbm>>) dst(%dma_wait3A_443 : memref<32x128xf32, #tpu.memory_space<vmem>>)
      %dma_wait3A_447 = arith.constant 0 : i32
      %dma_wait3A_448 = arith.constant 512 : i32
      %dma_wait3A_449 = tpu.memref_slice %arg9[%dma_wait3A_447, %dma_wait3A_448] : memref<32x2048xf32, #tpu.memory_space<vmem>> -> memref<32x128xf32, #tpu.memory_space<vmem>>
      %dma_wait3A_450 = arith.constant 0 : i32
      %dma_wait3A_451 = arith.constant 0 : i32
      %dma_wait3A_452 = tpu.memref_slice %arg4[%dma_wait3A_450, %dma_wait3A_451] : memref<32x1000000xf32, #tpu.memory_space<hbm>> -> memref<32x128xf32, #tpu.memory_space<hbm>>
      %dma_wait3A_453 = arith.constant 0 : i32
      %dma_wait3A_454 = arith.constant 512 : i32
      %dma_wait3A_455 = tpu.memref_slice %arg9[%dma_wait3A_453, %dma_wait3A_454] : memref<32x2048xf32, #tpu.memory_space<vmem>> -> memref<32x128xf32, #tpu.memory_space<vmem>>
      %dma_wait3A_456 = arith.constant 0 : i32
      %dma_wait3A_457 = arith.constant 0 : i32
      %dma_wait3A_458 = tpu.memref_slice %arg4[%dma_wait3A_456, %dma_wait3A_457] : memref<32x1000000xf32, #tpu.memory_space<hbm>> -> memref<32x128xf32, #tpu.memory_space<hbm>>
      tpu.wait_dma2 semaphore(%arg13 : memref<!tpu.dma_semaphore, #tpu.memory_space<semaphore_mem>>) src(%dma_wait3A_458 : memref<32x128xf32, #tpu.memory_space<hbm>>) dst(%dma_wait3A_455 : memref<32x128xf32, #tpu.memory_space<vmem>>)
      %broadcast_in_dim3A_459 = arith.constant 512 : i32
      %broadcast_in_dim3A_460 = vector.broadcast %broadcast_in_dim3A_459 : i32 to vector<16xi32>
      %slice3A_461 = vector.extract_strided_slice %get3A_283 {offsets = [2], sizes = [1], strides = [1]} : vector<16xi32> to vector<1xi32>
      %squeeze3A_462 = vector.extract %slice3A_461[0] : i32 from vector<1xi32>
      %and3A_463 = arith.constant 127 : i32
      %and3A_464 = arith.andi %squeeze3A_462, %and3A_463 : i32
      %add3A_465 = vector.broadcast %and3A_464 : i32 to vector<16xi32>
      %add3A_466 = arith.addi %broadcast_in_dim3A_460, %add3A_465 : vector<16xi32>
      %broadcast_in_dim3A_467 = arith.constant 640 : i32
      %broadcast_in_dim3A_468 = vector.broadcast %broadcast_in_dim3A_467 : i32 to vector<16xi32>
      %slice3A_469 = vector.extract_strided_slice %get3A_287 {offsets = [2], sizes = [1], strides = [1]} : vector<16xi32> to vector<1xi32>
      %squeeze3A_470 = vector.extract %slice3A_469[0] : i32 from vector<1xi32>
      %and3A_471 = arith.constant 127 : i32
      %and3A_472 = arith.andi %squeeze3A_470, %and3A_471 : i32
      %add3A_473 = vector.broadcast %and3A_472 : i32 to vector<16xi32>
      %add3A_474 = arith.addi %broadcast_in_dim3A_468, %add3A_473 : vector<16xi32>
      %gather3A_475 = tpu.vector_load_idx %arg9[%iota3A, %add3A_466] : memref<32x2048xf32, #tpu.memory_space<vmem>>[vector<16xi32>, vector<16xi32>], vector<16xf32>,
      %add3A_476 = arith.constant 16 : i32
      %add3A_477 = vector.broadcast %add3A_476 : i32 to vector<16xi32>
      %add3A_478 = arith.addi %iota3A, %add3A_477 : vector<16xi32>
      %gather3A_479 = tpu.vector_load_idx %arg9[%add3A_478, %add3A_466] : memref<32x2048xf32, #tpu.memory_space<vmem>>[vector<16xi32>, vector<16xi32>], vector<16xf32>,
      %gather3A_480 = tpu.vector_load_idx %arg9[%iota3A, %add3A_474] : memref<32x2048xf32, #tpu.memory_space<vmem>>[vector<16xi32>, vector<16xi32>], vector<16xf32>,
      %add3A_481 = arith.constant 16 : i32
      %add3A_482 = vector.broadcast %add3A_481 : i32 to vector<16xi32>
      %add3A_483 = arith.addi %iota3A, %add3A_482 : vector<16xi32>
      %gather3A_484 = tpu.vector_load_idx %arg9[%add3A_483, %add3A_474] : memref<32x2048xf32, #tpu.memory_space<vmem>>[vector<16xi32>, vector<16xi32>], vector<16xf32>,
      %mul3A_485 = arith.mulf %gather3A_475, %gather3A_480 : vector<16xf32>
      %mul3A_486 = arith.mulf %gather3A_479, %gather3A_484 : vector<16xf32>
      %add3A_487 = arith.addf %mul3A_485, %mul3A_486 : vector<16xf32>
      %reduce_sum3A_488 = arith.constant true
      %reduce_sum3A_489 = vector.broadcast %reduce_sum3A_488 : i1 to vector<16xi1>
      %reduce_sum3A_490 = tpu.scan <sum>, %add3A_487 masked %reduce_sum3A_489 : vector<16xf32>, vector<16xi1> -> vector<16xf32>
      %reduce_sum3A_491 = vector.extract %reduce_sum3A_490[15] : f32 from vector<16xf32>
      %eq3A_492 = arith.constant 2 : i32
      %eq3A_493 = vector.broadcast %eq3A_492 : i32 to vector<16xi32>
      %eq3A_494 = arith.cmpi eq, %iota3A, %eq3A_493 : vector<16xi32>
      %broadcast_in_dim3A_495 = vector.broadcast %reduce_sum3A_491 : f32 to vector<16xf32>
      %select_n3A_496 = arith.select %eq3A_494, %broadcast_in_dim3A_495, %select_n3A_423 : vector<16xi1>, vector<16xf32>
      %mul3A_497 = arith.constant 16 : i32
      %mul3A_498 = arith.muli %scan3A_278, %mul3A_497 : i32
      %add3A_499 = arith.constant 2 : i32
      %add3A_500 = arith.addi %mul3A_498, %add3A_499 : i32
      %add3A_501 = arith.constant 8 : i32
      %add3A_502 = arith.addi %add3A_500, %add3A_501 : i32
      %lt3A_503 = arith.constant 512 : i32
      %lt3A_504 = arith.cmpi slt, %add3A_502, %lt3A_503 : i32
      %convert_element_type3A_505 = arith.extui %lt3A_504 : i1 to i32
      %cond3A_506 = arith.constant 0 : i32
      %cond3A_507 = arith.cmpi ne, %convert_element_type3A_505, %cond3A_506 : i32
      scf.if %cond3A_507 {
        %slice3A_1461 = vector.extract_strided_slice %get3A_283 {offsets = [10], sizes = [1], strides = [1]} : vector<16xi32> to vector<1xi32>
        %squeeze3A_1462 = vector.extract %slice3A_1461[0] : i32 from vector<1xi32>
        %slice3A_1463 = vector.extract_strided_slice %get3A_287 {offsets = [10], sizes = [1], strides = [1]} : vector<16xi32> to vector<1xi32>
        %squeeze3A_1464 = vector.extract %slice3A_1463[0] : i32 from vector<1xi32>
        %shift_right_arithmetic3A_1465 = arith.constant 7 : i32
        %shift_right_arithmetic3A_1466 = arith.shrsi %squeeze3A_1462, %shift_right_arithmetic3A_1465 : i32
        %shift_left3A_1467 = arith.constant 7 : i32
        %shift_left3A_1468 = arith.shli %shift_right_arithmetic3A_1466, %shift_left3A_1467 : i32
        %multiple_of3A_1469 = tpu.assume_multiple %shift_left3A_1468, 128 : i32
        %shift_right_arithmetic3A_1470 = arith.constant 7 : i32
        %shift_right_arithmetic3A_1471 = arith.shrsi %squeeze3A_1464, %shift_right_arithmetic3A_1470 : i32
        %shift_left3A_1472 = arith.constant 7 : i32
        %shift_left3A_1473 = arith.shli %shift_right_arithmetic3A_1471, %shift_left3A_1472 : i32
        %multiple_of3A_1474 = tpu.assume_multiple %shift_left3A_1473, 128 : i32
        %dma_start3A_1475 = arith.constant 0 : i32
        %dma_start3A_1476 = arith.constant 512 : i32
        %dma_start3A_1477 = tpu.memref_slice %arg9[%dma_start3A_1475, %dma_start3A_1476] : memref<32x2048xf32, #tpu.memory_space<vmem>> -> memref<32x128xf32, #tpu.memory_space<vmem>>
        %dma_start3A_1478 = arith.constant 0 : i32
        %dma_start3A_1479 = tpu.memref_slice %arg4[%dma_start3A_1478, %multiple_of3A_1469] : memref<32x1000000xf32, #tpu.memory_space<hbm>> -> memref<32x128xf32, #tpu.memory_space<hbm>>
        %dma_start3A_1480 = arith.constant 0 : i32
        %dma_start3A_1481 = arith.constant 512 : i32
        %dma_start3A_1482 = tpu.memref_slice %arg9[%dma_start3A_1480, %dma_start3A_1481] : memref<32x2048xf32, #tpu.memory_space<vmem>> -> memref<32x128xf32, #tpu.memory_space<vmem>>
        %dma_start3A_1483 = arith.constant 0 : i32
        %dma_start3A_1484 = tpu.memref_slice %arg4[%dma_start3A_1483, %multiple_of3A_1469] : memref<32x1000000xf32, #tpu.memory_space<hbm>> -> memref<32x128xf32, #tpu.memory_space<hbm>>
        tpu.enqueue_dma source(%dma_start3A_1484 : memref<32x128xf32, #tpu.memory_space<hbm>>) target(%dma_start3A_1482 : memref<32x128xf32, #tpu.memory_space<vmem>>) target_semaphore(%arg13 : memref<!tpu.dma_semaphore, #tpu.memory_space<semaphore_mem>>)
        %dma_start3A_1485 = arith.constant 0 : i32
        %dma_start3A_1486 = arith.constant 640 : i32
        %dma_start3A_1487 = tpu.memref_slice %arg9[%dma_start3A_1485, %dma_start3A_1486] : memref<32x2048xf32, #tpu.memory_space<vmem>> -> memref<32x128xf32, #tpu.memory_space<vmem>>
        %dma_start3A_1488 = arith.constant 0 : i32
        %dma_start3A_1489 = tpu.memref_slice %arg5[%dma_start3A_1488, %multiple_of3A_1474] : memref<32x1000000xf32, #tpu.memory_space<hbm>> -> memref<32x128xf32, #tpu.memory_space<hbm>>
        %dma_start3A_1490 = arith.constant 0 : i32
        %dma_start3A_1491 = arith.constant 640 : i32
        %dma_start3A_1492 = tpu.memref_slice %arg9[%dma_start3A_1490, %dma_start3A_1491] : memref<32x2048xf32, #tpu.memory_space<vmem>> -> memref<32x128xf32, #tpu.memory_space<vmem>>
        %dma_start3A_1493 = arith.constant 0 : i32
        %dma_start3A_1494 = tpu.memref_slice %arg5[%dma_start3A_1493, %multiple_of3A_1474] : memref<32x1000000xf32, #tpu.memory_space<hbm>> -> memref<32x128xf32, #tpu.memory_space<hbm>>
        tpu.enqueue_dma source(%dma_start3A_1494 : memref<32x128xf32, #tpu.memory_space<hbm>>) target(%dma_start3A_1492 : memref<32x128xf32, #tpu.memory_space<vmem>>) target_semaphore(%arg13 : memref<!tpu.dma_semaphore, #tpu.memory_space<semaphore_mem>>)
      } else {
      }
      %dma_wait3A_508 = arith.constant 0 : i32
      %dma_wait3A_509 = arith.constant 768 : i32
      %dma_wait3A_510 = tpu.memref_slice %arg9[%dma_wait3A_508, %dma_wait3A_509] : memref<32x2048xf32, #tpu.memory_space<vmem>> -> memref<32x128xf32, #tpu.memory_space<vmem>>
      %dma_wait3A_511 = arith.constant 0 : i32
      %dma_wait3A_512 = arith.constant 0 : i32
      %dma_wait3A_513 = tpu.memref_slice %arg4[%dma_wait3A_511, %dma_wait3A_512] : memref<32x1000000xf32, #tpu.memory_space<hbm>> -> memref<32x128xf32, #tpu.memory_space<hbm>>
      %dma_wait3A_514 = arith.constant 0 : i32
      %dma_wait3A_515 = arith.constant 768 : i32
      %dma_wait3A_516 = tpu.memref_slice %arg9[%dma_wait3A_514, %dma_wait3A_515] : memref<32x2048xf32, #tpu.memory_space<vmem>> -> memref<32x128xf32, #tpu.memory_space<vmem>>
      %dma_wait3A_517 = arith.constant 0 : i32
      %dma_wait3A_518 = arith.constant 0 : i32
      %dma_wait3A_519 = tpu.memref_slice %arg4[%dma_wait3A_517, %dma_wait3A_518] : memref<32x1000000xf32, #tpu.memory_space<hbm>> -> memref<32x128xf32, #tpu.memory_space<hbm>>
      tpu.wait_dma2 semaphore(%arg14 : memref<!tpu.dma_semaphore, #tpu.memory_space<semaphore_mem>>) src(%dma_wait3A_519 : memref<32x128xf32, #tpu.memory_space<hbm>>) dst(%dma_wait3A_516 : memref<32x128xf32, #tpu.memory_space<vmem>>)
      %dma_wait3A_520 = arith.constant 0 : i32
      %dma_wait3A_521 = arith.constant 768 : i32
      %dma_wait3A_522 = tpu.memref_slice %arg9[%dma_wait3A_520, %dma_wait3A_521] : memref<32x2048xf32, #tpu.memory_space<vmem>> -> memref<32x128xf32, #tpu.memory_space<vmem>>
      %dma_wait3A_523 = arith.constant 0 : i32
      %dma_wait3A_524 = arith.constant 0 : i32
      %dma_wait3A_525 = tpu.memref_slice %arg4[%dma_wait3A_523, %dma_wait3A_524] : memref<32x1000000xf32, #tpu.memory_space<hbm>> -> memref<32x128xf32, #tpu.memory_space<hbm>>
      %dma_wait3A_526 = arith.constant 0 : i32
      %dma_wait3A_527 = arith.constant 768 : i32
      %dma_wait3A_528 = tpu.memref_slice %arg9[%dma_wait3A_526, %dma_wait3A_527] : memref<32x2048xf32, #tpu.memory_space<vmem>> -> memref<32x128xf32, #tpu.memory_space<vmem>>
      %dma_wait3A_529 = arith.constant 0 : i32
      %dma_wait3A_530 = arith.constant 0 : i32
      %dma_wait3A_531 = tpu.memref_slice %arg4[%dma_wait3A_529, %dma_wait3A_530] : memref<32x1000000xf32, #tpu.memory_space<hbm>> -> memref<32x128xf32, #tpu.memory_space<hbm>>
      tpu.wait_dma2 semaphore(%arg14 : memref<!tpu.dma_semaphore, #tpu.memory_space<semaphore_mem>>) src(%dma_wait3A_531 : memref<32x128xf32, #tpu.memory_space<hbm>>) dst(%dma_wait3A_528 : memref<32x128xf32, #tpu.memory_space<vmem>>)
      %broadcast_in_dim3A_532 = arith.constant 768 : i32
      %broadcast_in_dim3A_533 = vector.broadcast %broadcast_in_dim3A_532 : i32 to vector<16xi32>
      %slice3A_534 = vector.extract_strided_slice %get3A_283 {offsets = [3], sizes = [1], strides = [1]} : vector<16xi32> to vector<1xi32>
      %squeeze3A_535 = vector.extract %slice3A_534[0] : i32 from vector<1xi32>
      %and3A_536 = arith.constant 127 : i32
      %and3A_537 = arith.andi %squeeze3A_535, %and3A_536 : i32
      %add3A_538 = vector.broadcast %and3A_537 : i32 to vector<16xi32>
      %add3A_539 = arith.addi %broadcast_in_dim3A_533, %add3A_538 : vector<16xi32>
      %broadcast_in_dim3A_540 = arith.constant 896 : i32
      %broadcast_in_dim3A_541 = vector.broadcast %broadcast_in_dim3A_540 : i32 to vector<16xi32>
      %slice3A_542 = vector.extract_strided_slice %get3A_287 {offsets = [3], sizes = [1], strides = [1]} : vector<16xi32> to vector<1xi32>
      %squeeze3A_543 = vector.extract %slice3A_542[0] : i32 from vector<1xi32>
      %and3A_544 = arith.constant 127 : i32
      %and3A_545 = arith.andi %squeeze3A_543, %and3A_544 : i32
      %add3A_546 = vector.broadcast %and3A_545 : i32 to vector<16xi32>
      %add3A_547 = arith.addi %broadcast_in_dim3A_541, %add3A_546 : vector<16xi32>
      %gather3A_548 = tpu.vector_load_idx %arg9[%iota3A, %add3A_539] : memref<32x2048xf32, #tpu.memory_space<vmem>>[vector<16xi32>, vector<16xi32>], vector<16xf32>,
      %add3A_549 = arith.constant 16 : i32
      %add3A_550 = vector.broadcast %add3A_549 : i32 to vector<16xi32>
      %add3A_551 = arith.addi %iota3A, %add3A_550 : vector<16xi32>
      %gather3A_552 = tpu.vector_load_idx %arg9[%add3A_551, %add3A_539] : memref<32x2048xf32, #tpu.memory_space<vmem>>[vector<16xi32>, vector<16xi32>], vector<16xf32>,
      %gather3A_553 = tpu.vector_load_idx %arg9[%iota3A, %add3A_547] : memref<32x2048xf32, #tpu.memory_space<vmem>>[vector<16xi32>, vector<16xi32>], vector<16xf32>,
      %add3A_554 = arith.constant 16 : i32
      %add3A_555 = vector.broadcast %add3A_554 : i32 to vector<16xi32>
      %add3A_556 = arith.addi %iota3A, %add3A_555 : vector<16xi32>
      %gather3A_557 = tpu.vector_load_idx %arg9[%add3A_556, %add3A_547] : memref<32x2048xf32, #tpu.memory_space<vmem>>[vector<16xi32>, vector<16xi32>], vector<16xf32>,
      %mul3A_558 = arith.mulf %gather3A_548, %gather3A_553 : vector<16xf32>
      %mul3A_559 = arith.mulf %gather3A_552, %gather3A_557 : vector<16xf32>
      %add3A_560 = arith.addf %mul3A_558, %mul3A_559 : vector<16xf32>
      %reduce_sum3A_561 = arith.constant true
      %reduce_sum3A_562 = vector.broadcast %reduce_sum3A_561 : i1 to vector<16xi1>
      %reduce_sum3A_563 = tpu.scan <sum>, %add3A_560 masked %reduce_sum3A_562 : vector<16xf32>, vector<16xi1> -> vector<16xf32>
      %reduce_sum3A_564 = vector.extract %reduce_sum3A_563[15] : f32 from vector<16xf32>
      %eq3A_565 = arith.constant 3 : i32
      %eq3A_566 = vector.broadcast %eq3A_565 : i32 to vector<16xi32>
      %eq3A_567 = arith.cmpi eq, %iota3A, %eq3A_566 : vector<16xi32>
      %broadcast_in_dim3A_568 = vector.broadcast %reduce_sum3A_564 : f32 to vector<16xf32>
      %select_n3A_569 = arith.select %eq3A_567, %broadcast_in_dim3A_568, %select_n3A_496 : vector<16xi1>, vector<16xf32>
      %mul3A_570 = arith.constant 16 : i32
      %mul3A_571 = arith.muli %scan3A_278, %mul3A_570 : i32
      %add3A_572 = arith.constant 3 : i32
      %add3A_573 = arith.addi %mul3A_571, %add3A_572 : i32
      %add3A_574 = arith.constant 8 : i32
      %add3A_575 = arith.addi %add3A_573, %add3A_574 : i32
      %lt3A_576 = arith.constant 512 : i32
      %lt3A_577 = arith.cmpi slt, %add3A_575, %lt3A_576 : i32
      %convert_element_type3A_578 = arith.extui %lt3A_577 : i1 to i32
      %cond3A_579 = arith.constant 0 : i32
      %cond3A_580 = arith.cmpi ne, %convert_element_type3A_578, %cond3A_579 : i32
      scf.if %cond3A_580 {
        %slice3A_1461 = vector.extract_strided_slice %get3A_283 {offsets = [11], sizes = [1], strides = [1]} : vector<16xi32> to vector<1xi32>
        %squeeze3A_1462 = vector.extract %slice3A_1461[0] : i32 from vector<1xi32>
        %slice3A_1463 = vector.extract_strided_slice %get3A_287 {offsets = [11], sizes = [1], strides = [1]} : vector<16xi32> to vector<1xi32>
        %squeeze3A_1464 = vector.extract %slice3A_1463[0] : i32 from vector<1xi32>
        %shift_right_arithmetic3A_1465 = arith.constant 7 : i32
        %shift_right_arithmetic3A_1466 = arith.shrsi %squeeze3A_1462, %shift_right_arithmetic3A_1465 : i32
        %shift_left3A_1467 = arith.constant 7 : i32
        %shift_left3A_1468 = arith.shli %shift_right_arithmetic3A_1466, %shift_left3A_1467 : i32
        %multiple_of3A_1469 = tpu.assume_multiple %shift_left3A_1468, 128 : i32
        %shift_right_arithmetic3A_1470 = arith.constant 7 : i32
        %shift_right_arithmetic3A_1471 = arith.shrsi %squeeze3A_1464, %shift_right_arithmetic3A_1470 : i32
        %shift_left3A_1472 = arith.constant 7 : i32
        %shift_left3A_1473 = arith.shli %shift_right_arithmetic3A_1471, %shift_left3A_1472 : i32
        %multiple_of3A_1474 = tpu.assume_multiple %shift_left3A_1473, 128 : i32
        %dma_start3A_1475 = arith.constant 0 : i32
        %dma_start3A_1476 = arith.constant 768 : i32
        %dma_start3A_1477 = tpu.memref_slice %arg9[%dma_start3A_1475, %dma_start3A_1476] : memref<32x2048xf32, #tpu.memory_space<vmem>> -> memref<32x128xf32, #tpu.memory_space<vmem>>
        %dma_start3A_1478 = arith.constant 0 : i32
        %dma_start3A_1479 = tpu.memref_slice %arg4[%dma_start3A_1478, %multiple_of3A_1469] : memref<32x1000000xf32, #tpu.memory_space<hbm>> -> memref<32x128xf32, #tpu.memory_space<hbm>>
        %dma_start3A_1480 = arith.constant 0 : i32
        %dma_start3A_1481 = arith.constant 768 : i32
        %dma_start3A_1482 = tpu.memref_slice %arg9[%dma_start3A_1480, %dma_start3A_1481] : memref<32x2048xf32, #tpu.memory_space<vmem>> -> memref<32x128xf32, #tpu.memory_space<vmem>>
        %dma_start3A_1483 = arith.constant 0 : i32
        %dma_start3A_1484 = tpu.memref_slice %arg4[%dma_start3A_1483, %multiple_of3A_1469] : memref<32x1000000xf32, #tpu.memory_space<hbm>> -> memref<32x128xf32, #tpu.memory_space<hbm>>
        tpu.enqueue_dma source(%dma_start3A_1484 : memref<32x128xf32, #tpu.memory_space<hbm>>) target(%dma_start3A_1482 : memref<32x128xf32, #tpu.memory_space<vmem>>) target_semaphore(%arg14 : memref<!tpu.dma_semaphore, #tpu.memory_space<semaphore_mem>>)
        %dma_start3A_1485 = arith.constant 0 : i32
        %dma_start3A_1486 = arith.constant 896 : i32
        %dma_start3A_1487 = tpu.memref_slice %arg9[%dma_start3A_1485, %dma_start3A_1486] : memref<32x2048xf32, #tpu.memory_space<vmem>> -> memref<32x128xf32, #tpu.memory_space<vmem>>
        %dma_start3A_1488 = arith.constant 0 : i32
        %dma_start3A_1489 = tpu.memref_slice %arg5[%dma_start3A_1488, %multiple_of3A_1474] : memref<32x1000000xf32, #tpu.memory_space<hbm>> -> memref<32x128xf32, #tpu.memory_space<hbm>>
        %dma_start3A_1490 = arith.constant 0 : i32
        %dma_start3A_1491 = arith.constant 896 : i32
        %dma_start3A_1492 = tpu.memref_slice %arg9[%dma_start3A_1490, %dma_start3A_1491] : memref<32x2048xf32, #tpu.memory_space<vmem>> -> memref<32x128xf32, #tpu.memory_space<vmem>>
        %dma_start3A_1493 = arith.constant 0 : i32
        %dma_start3A_1494 = tpu.memref_slice %arg5[%dma_start3A_1493, %multiple_of3A_1474] : memref<32x1000000xf32, #tpu.memory_space<hbm>> -> memref<32x128xf32, #tpu.memory_space<hbm>>
        tpu.enqueue_dma source(%dma_start3A_1494 : memref<32x128xf32, #tpu.memory_space<hbm>>) target(%dma_start3A_1492 : memref<32x128xf32, #tpu.memory_space<vmem>>) target_semaphore(%arg14 : memref<!tpu.dma_semaphore, #tpu.memory_space<semaphore_mem>>)
      } else {
      }
      %dma_wait3A_581 = arith.constant 0 : i32
      %dma_wait3A_582 = arith.constant 1024 : i32
      %dma_wait3A_583 = tpu.memref_slice %arg9[%dma_wait3A_581, %dma_wait3A_582] : memref<32x2048xf32, #tpu.memory_space<vmem>> -> memref<32x128xf32, #tpu.memory_space<vmem>>
      %dma_wait3A_584 = arith.constant 0 : i32
      %dma_wait3A_585 = arith.constant 0 : i32
      %dma_wait3A_586 = tpu.memref_slice %arg4[%dma_wait3A_584, %dma_wait3A_585] : memref<32x1000000xf32, #tpu.memory_space<hbm>> -> memref<32x128xf32, #tpu.memory_space<hbm>>
      %dma_wait3A_587 = arith.constant 0 : i32
      %dma_wait3A_588 = arith.constant 1024 : i32
      %dma_wait3A_589 = tpu.memref_slice %arg9[%dma_wait3A_587, %dma_wait3A_588] : memref<32x2048xf32, #tpu.memory_space<vmem>> -> memref<32x128xf32, #tpu.memory_space<vmem>>
      %dma_wait3A_590 = arith.constant 0 : i32
      %dma_wait3A_591 = arith.constant 0 : i32
      %dma_wait3A_592 = tpu.memref_slice %arg4[%dma_wait3A_590, %dma_wait3A_591] : memref<32x1000000xf32, #tpu.memory_space<hbm>> -> memref<32x128xf32, #tpu.memory_space<hbm>>
      tpu.wait_dma2 semaphore(%arg15 : memref<!tpu.dma_semaphore, #tpu.memory_space<semaphore_mem>>) src(%dma_wait3A_592 : memref<32x128xf32, #tpu.memory_space<hbm>>) dst(%dma_wait3A_589 : memref<32x128xf32, #tpu.memory_space<vmem>>)
      %dma_wait3A_593 = arith.constant 0 : i32
      %dma_wait3A_594 = arith.constant 1024 : i32
      %dma_wait3A_595 = tpu.memref_slice %arg9[%dma_wait3A_593, %dma_wait3A_594] : memref<32x2048xf32, #tpu.memory_space<vmem>> -> memref<32x128xf32, #tpu.memory_space<vmem>>
      %dma_wait3A_596 = arith.constant 0 : i32
      %dma_wait3A_597 = arith.constant 0 : i32
      %dma_wait3A_598 = tpu.memref_slice %arg4[%dma_wait3A_596, %dma_wait3A_597] : memref<32x1000000xf32, #tpu.memory_space<hbm>> -> memref<32x128xf32, #tpu.memory_space<hbm>>
      %dma_wait3A_599 = arith.constant 0 : i32
      %dma_wait3A_600 = arith.constant 1024 : i32
      %dma_wait3A_601 = tpu.memref_slice %arg9[%dma_wait3A_599, %dma_wait3A_600] : memref<32x2048xf32, #tpu.memory_space<vmem>> -> memref<32x128xf32, #tpu.memory_space<vmem>>
      %dma_wait3A_602 = arith.constant 0 : i32
      %dma_wait3A_603 = arith.constant 0 : i32
      %dma_wait3A_604 = tpu.memref_slice %arg4[%dma_wait3A_602, %dma_wait3A_603] : memref<32x1000000xf32, #tpu.memory_space<hbm>> -> memref<32x128xf32, #tpu.memory_space<hbm>>
      tpu.wait_dma2 semaphore(%arg15 : memref<!tpu.dma_semaphore, #tpu.memory_space<semaphore_mem>>) src(%dma_wait3A_604 : memref<32x128xf32, #tpu.memory_space<hbm>>) dst(%dma_wait3A_601 : memref<32x128xf32, #tpu.memory_space<vmem>>)
      %broadcast_in_dim3A_605 = arith.constant 1024 : i32
      %broadcast_in_dim3A_606 = vector.broadcast %broadcast_in_dim3A_605 : i32 to vector<16xi32>
      %slice3A_607 = vector.extract_strided_slice %get3A_283 {offsets = [4], sizes = [1], strides = [1]} : vector<16xi32> to vector<1xi32>
      %squeeze3A_608 = vector.extract %slice3A_607[0] : i32 from vector<1xi32>
      %and3A_609 = arith.constant 127 : i32
      %and3A_610 = arith.andi %squeeze3A_608, %and3A_609 : i32
      %add3A_611 = vector.broadcast %and3A_610 : i32 to vector<16xi32>
      %add3A_612 = arith.addi %broadcast_in_dim3A_606, %add3A_611 : vector<16xi32>
      %broadcast_in_dim3A_613 = arith.constant 1152 : i32
      %broadcast_in_dim3A_614 = vector.broadcast %broadcast_in_dim3A_613 : i32 to vector<16xi32>
      %slice3A_615 = vector.extract_strided_slice %get3A_287 {offsets = [4], sizes = [1], strides = [1]} : vector<16xi32> to vector<1xi32>
      %squeeze3A_616 = vector.extract %slice3A_615[0] : i32 from vector<1xi32>
      %and3A_617 = arith.constant 127 : i32
      %and3A_618 = arith.andi %squeeze3A_616, %and3A_617 : i32
      %add3A_619 = vector.broadcast %and3A_618 : i32 to vector<16xi32>
      %add3A_620 = arith.addi %broadcast_in_dim3A_614, %add3A_619 : vector<16xi32>
      %gather3A_621 = tpu.vector_load_idx %arg9[%iota3A, %add3A_612] : memref<32x2048xf32, #tpu.memory_space<vmem>>[vector<16xi32>, vector<16xi32>], vector<16xf32>,
      %add3A_622 = arith.constant 16 : i32
      %add3A_623 = vector.broadcast %add3A_622 : i32 to vector<16xi32>
      %add3A_624 = arith.addi %iota3A, %add3A_623 : vector<16xi32>
      %gather3A_625 = tpu.vector_load_idx %arg9[%add3A_624, %add3A_612] : memref<32x2048xf32, #tpu.memory_space<vmem>>[vector<16xi32>, vector<16xi32>], vector<16xf32>,
      %gather3A_626 = tpu.vector_load_idx %arg9[%iota3A, %add3A_620] : memref<32x2048xf32, #tpu.memory_space<vmem>>[vector<16xi32>, vector<16xi32>], vector<16xf32>,
      %add3A_627 = arith.constant 16 : i32
      %add3A_628 = vector.broadcast %add3A_627 : i32 to vector<16xi32>
      %add3A_629 = arith.addi %iota3A, %add3A_628 : vector<16xi32>
      %gather3A_630 = tpu.vector_load_idx %arg9[%add3A_629, %add3A_620] : memref<32x2048xf32, #tpu.memory_space<vmem>>[vector<16xi32>, vector<16xi32>], vector<16xf32>,
      %mul3A_631 = arith.mulf %gather3A_621, %gather3A_626 : vector<16xf32>
      %mul3A_632 = arith.mulf %gather3A_625, %gather3A_630 : vector<16xf32>
      %add3A_633 = arith.addf %mul3A_631, %mul3A_632 : vector<16xf32>
      %reduce_sum3A_634 = arith.constant true
      %reduce_sum3A_635 = vector.broadcast %reduce_sum3A_634 : i1 to vector<16xi1>
      %reduce_sum3A_636 = tpu.scan <sum>, %add3A_633 masked %reduce_sum3A_635 : vector<16xf32>, vector<16xi1> -> vector<16xf32>
      %reduce_sum3A_637 = vector.extract %reduce_sum3A_636[15] : f32 from vector<16xf32>
      %eq3A_638 = arith.constant 4 : i32
      %eq3A_639 = vector.broadcast %eq3A_638 : i32 to vector<16xi32>
      %eq3A_640 = arith.cmpi eq, %iota3A, %eq3A_639 : vector<16xi32>
      %broadcast_in_dim3A_641 = vector.broadcast %reduce_sum3A_637 : f32 to vector<16xf32>
      %select_n3A_642 = arith.select %eq3A_640, %broadcast_in_dim3A_641, %select_n3A_569 : vector<16xi1>, vector<16xf32>
      %mul3A_643 = arith.constant 16 : i32
      %mul3A_644 = arith.muli %scan3A_278, %mul3A_643 : i32
      %add3A_645 = arith.constant 4 : i32
      %add3A_646 = arith.addi %mul3A_644, %add3A_645 : i32
      %add3A_647 = arith.constant 8 : i32
      %add3A_648 = arith.addi %add3A_646, %add3A_647 : i32
      %lt3A_649 = arith.constant 512 : i32
      %lt3A_650 = arith.cmpi slt, %add3A_648, %lt3A_649 : i32
      %convert_element_type3A_651 = arith.extui %lt3A_650 : i1 to i32
      %cond3A_652 = arith.constant 0 : i32
      %cond3A_653 = arith.cmpi ne, %convert_element_type3A_651, %cond3A_652 : i32
      scf.if %cond3A_653 {
        %slice3A_1461 = vector.extract_strided_slice %get3A_283 {offsets = [12], sizes = [1], strides = [1]} : vector<16xi32> to vector<1xi32>
        %squeeze3A_1462 = vector.extract %slice3A_1461[0] : i32 from vector<1xi32>
        %slice3A_1463 = vector.extract_strided_slice %get3A_287 {offsets = [12], sizes = [1], strides = [1]} : vector<16xi32> to vector<1xi32>
        %squeeze3A_1464 = vector.extract %slice3A_1463[0] : i32 from vector<1xi32>
        %shift_right_arithmetic3A_1465 = arith.constant 7 : i32
        %shift_right_arithmetic3A_1466 = arith.shrsi %squeeze3A_1462, %shift_right_arithmetic3A_1465 : i32
        %shift_left3A_1467 = arith.constant 7 : i32
        %shift_left3A_1468 = arith.shli %shift_right_arithmetic3A_1466, %shift_left3A_1467 : i32
        %multiple_of3A_1469 = tpu.assume_multiple %shift_left3A_1468, 128 : i32
        %shift_right_arithmetic3A_1470 = arith.constant 7 : i32
        %shift_right_arithmetic3A_1471 = arith.shrsi %squeeze3A_1464, %shift_right_arithmetic3A_1470 : i32
        %shift_left3A_1472 = arith.constant 7 : i32
        %shift_left3A_1473 = arith.shli %shift_right_arithmetic3A_1471, %shift_left3A_1472 : i32
        %multiple_of3A_1474 = tpu.assume_multiple %shift_left3A_1473, 128 : i32
        %dma_start3A_1475 = arith.constant 0 : i32
        %dma_start3A_1476 = arith.constant 1024 : i32
        %dma_start3A_1477 = tpu.memref_slice %arg9[%dma_start3A_1475, %dma_start3A_1476] : memref<32x2048xf32, #tpu.memory_space<vmem>> -> memref<32x128xf32, #tpu.memory_space<vmem>>
        %dma_start3A_1478 = arith.constant 0 : i32
        %dma_start3A_1479 = tpu.memref_slice %arg4[%dma_start3A_1478, %multiple_of3A_1469] : memref<32x1000000xf32, #tpu.memory_space<hbm>> -> memref<32x128xf32, #tpu.memory_space<hbm>>
        %dma_start3A_1480 = arith.constant 0 : i32
        %dma_start3A_1481 = arith.constant 1024 : i32
        %dma_start3A_1482 = tpu.memref_slice %arg9[%dma_start3A_1480, %dma_start3A_1481] : memref<32x2048xf32, #tpu.memory_space<vmem>> -> memref<32x128xf32, #tpu.memory_space<vmem>>
        %dma_start3A_1483 = arith.constant 0 : i32
        %dma_start3A_1484 = tpu.memref_slice %arg4[%dma_start3A_1483, %multiple_of3A_1469] : memref<32x1000000xf32, #tpu.memory_space<hbm>> -> memref<32x128xf32, #tpu.memory_space<hbm>>
        tpu.enqueue_dma source(%dma_start3A_1484 : memref<32x128xf32, #tpu.memory_space<hbm>>) target(%dma_start3A_1482 : memref<32x128xf32, #tpu.memory_space<vmem>>) target_semaphore(%arg15 : memref<!tpu.dma_semaphore, #tpu.memory_space<semaphore_mem>>)
        %dma_start3A_1485 = arith.constant 0 : i32
        %dma_start3A_1486 = arith.constant 1152 : i32
        %dma_start3A_1487 = tpu.memref_slice %arg9[%dma_start3A_1485, %dma_start3A_1486] : memref<32x2048xf32, #tpu.memory_space<vmem>> -> memref<32x128xf32, #tpu.memory_space<vmem>>
        %dma_start3A_1488 = arith.constant 0 : i32
        %dma_start3A_1489 = tpu.memref_slice %arg5[%dma_start3A_1488, %multiple_of3A_1474] : memref<32x1000000xf32, #tpu.memory_space<hbm>> -> memref<32x128xf32, #tpu.memory_space<hbm>>
        %dma_start3A_1490 = arith.constant 0 : i32
        %dma_start3A_1491 = arith.constant 1152 : i32
        %dma_start3A_1492 = tpu.memref_slice %arg9[%dma_start3A_1490, %dma_start3A_1491] : memref<32x2048xf32, #tpu.memory_space<vmem>> -> memref<32x128xf32, #tpu.memory_space<vmem>>
        %dma_start3A_1493 = arith.constant 0 : i32
        %dma_start3A_1494 = tpu.memref_slice %arg5[%dma_start3A_1493, %multiple_of3A_1474] : memref<32x1000000xf32, #tpu.memory_space<hbm>> -> memref<32x128xf32, #tpu.memory_space<hbm>>
        tpu.enqueue_dma source(%dma_start3A_1494 : memref<32x128xf32, #tpu.memory_space<hbm>>) target(%dma_start3A_1492 : memref<32x128xf32, #tpu.memory_space<vmem>>) target_semaphore(%arg15 : memref<!tpu.dma_semaphore, #tpu.memory_space<semaphore_mem>>)
      } else {
      }
      %dma_wait3A_654 = arith.constant 0 : i32
      %dma_wait3A_655 = arith.constant 1280 : i32
      %dma_wait3A_656 = tpu.memref_slice %arg9[%dma_wait3A_654, %dma_wait3A_655] : memref<32x2048xf32, #tpu.memory_space<vmem>> -> memref<32x128xf32, #tpu.memory_space<vmem>>
      %dma_wait3A_657 = arith.constant 0 : i32
      %dma_wait3A_658 = arith.constant 0 : i32
      %dma_wait3A_659 = tpu.memref_slice %arg4[%dma_wait3A_657, %dma_wait3A_658] : memref<32x1000000xf32, #tpu.memory_space<hbm>> -> memref<32x128xf32, #tpu.memory_space<hbm>>
      %dma_wait3A_660 = arith.constant 0 : i32
      %dma_wait3A_661 = arith.constant 1280 : i32
      %dma_wait3A_662 = tpu.memref_slice %arg9[%dma_wait3A_660, %dma_wait3A_661] : memref<32x2048xf32, #tpu.memory_space<vmem>> -> memref<32x128xf32, #tpu.memory_space<vmem>>
      %dma_wait3A_663 = arith.constant 0 : i32
      %dma_wait3A_664 = arith.constant 0 : i32
      %dma_wait3A_665 = tpu.memref_slice %arg4[%dma_wait3A_663, %dma_wait3A_664] : memref<32x1000000xf32, #tpu.memory_space<hbm>> -> memref<32x128xf32, #tpu.memory_space<hbm>>
      tpu.wait_dma2 semaphore(%arg16 : memref<!tpu.dma_semaphore, #tpu.memory_space<semaphore_mem>>) src(%dma_wait3A_665 : memref<32x128xf32, #tpu.memory_space<hbm>>) dst(%dma_wait3A_662 : memref<32x128xf32, #tpu.memory_space<vmem>>)
      %dma_wait3A_666 = arith.constant 0 : i32
      %dma_wait3A_667 = arith.constant 1280 : i32
      %dma_wait3A_668 = tpu.memref_slice %arg9[%dma_wait3A_666, %dma_wait3A_667] : memref<32x2048xf32, #tpu.memory_space<vmem>> -> memref<32x128xf32, #tpu.memory_space<vmem>>
      %dma_wait3A_669 = arith.constant 0 : i32
      %dma_wait3A_670 = arith.constant 0 : i32
      %dma_wait3A_671 = tpu.memref_slice %arg4[%dma_wait3A_669, %dma_wait3A_670] : memref<32x1000000xf32, #tpu.memory_space<hbm>> -> memref<32x128xf32, #tpu.memory_space<hbm>>
      %dma_wait3A_672 = arith.constant 0 : i32
      %dma_wait3A_673 = arith.constant 1280 : i32
      %dma_wait3A_674 = tpu.memref_slice %arg9[%dma_wait3A_672, %dma_wait3A_673] : memref<32x2048xf32, #tpu.memory_space<vmem>> -> memref<32x128xf32, #tpu.memory_space<vmem>>
      %dma_wait3A_675 = arith.constant 0 : i32
      %dma_wait3A_676 = arith.constant 0 : i32
      %dma_wait3A_677 = tpu.memref_slice %arg4[%dma_wait3A_675, %dma_wait3A_676] : memref<32x1000000xf32, #tpu.memory_space<hbm>> -> memref<32x128xf32, #tpu.memory_space<hbm>>
      tpu.wait_dma2 semaphore(%arg16 : memref<!tpu.dma_semaphore, #tpu.memory_space<semaphore_mem>>) src(%dma_wait3A_677 : memref<32x128xf32, #tpu.memory_space<hbm>>) dst(%dma_wait3A_674 : memref<32x128xf32, #tpu.memory_space<vmem>>)
      %broadcast_in_dim3A_678 = arith.constant 1280 : i32
      %broadcast_in_dim3A_679 = vector.broadcast %broadcast_in_dim3A_678 : i32 to vector<16xi32>
      %slice3A_680 = vector.extract_strided_slice %get3A_283 {offsets = [5], sizes = [1], strides = [1]} : vector<16xi32> to vector<1xi32>
      %squeeze3A_681 = vector.extract %slice3A_680[0] : i32 from vector<1xi32>
      %and3A_682 = arith.constant 127 : i32
      %and3A_683 = arith.andi %squeeze3A_681, %and3A_682 : i32
      %add3A_684 = vector.broadcast %and3A_683 : i32 to vector<16xi32>
      %add3A_685 = arith.addi %broadcast_in_dim3A_679, %add3A_684 : vector<16xi32>
      %broadcast_in_dim3A_686 = arith.constant 1408 : i32
      %broadcast_in_dim3A_687 = vector.broadcast %broadcast_in_dim3A_686 : i32 to vector<16xi32>
      %slice3A_688 = vector.extract_strided_slice %get3A_287 {offsets = [5], sizes = [1], strides = [1]} : vector<16xi32> to vector<1xi32>
      %squeeze3A_689 = vector.extract %slice3A_688[0] : i32 from vector<1xi32>
      %and3A_690 = arith.constant 127 : i32
      %and3A_691 = arith.andi %squeeze3A_689, %and3A_690 : i32
      %add3A_692 = vector.broadcast %and3A_691 : i32 to vector<16xi32>
      %add3A_693 = arith.addi %broadcast_in_dim3A_687, %add3A_692 : vector<16xi32>
      %gather3A_694 = tpu.vector_load_idx %arg9[%iota3A, %add3A_685] : memref<32x2048xf32, #tpu.memory_space<vmem>>[vector<16xi32>, vector<16xi32>], vector<16xf32>,
      %add3A_695 = arith.constant 16 : i32
      %add3A_696 = vector.broadcast %add3A_695 : i32 to vector<16xi32>
      %add3A_697 = arith.addi %iota3A, %add3A_696 : vector<16xi32>
      %gather3A_698 = tpu.vector_load_idx %arg9[%add3A_697, %add3A_685] : memref<32x2048xf32, #tpu.memory_space<vmem>>[vector<16xi32>, vector<16xi32>], vector<16xf32>,
      %gather3A_699 = tpu.vector_load_idx %arg9[%iota3A, %add3A_693] : memref<32x2048xf32, #tpu.memory_space<vmem>>[vector<16xi32>, vector<16xi32>], vector<16xf32>,
      %add3A_700 = arith.constant 16 : i32
      %add3A_701 = vector.broadcast %add3A_700 : i32 to vector<16xi32>
      %add3A_702 = arith.addi %iota3A, %add3A_701 : vector<16xi32>
      %gather3A_703 = tpu.vector_load_idx %arg9[%add3A_702, %add3A_693] : memref<32x2048xf32, #tpu.memory_space<vmem>>[vector<16xi32>, vector<16xi32>], vector<16xf32>,
      %mul3A_704 = arith.mulf %gather3A_694, %gather3A_699 : vector<16xf32>
      %mul3A_705 = arith.mulf %gather3A_698, %gather3A_703 : vector<16xf32>
      %add3A_706 = arith.addf %mul3A_704, %mul3A_705 : vector<16xf32>
      %reduce_sum3A_707 = arith.constant true
      %reduce_sum3A_708 = vector.broadcast %reduce_sum3A_707 : i1 to vector<16xi1>
      %reduce_sum3A_709 = tpu.scan <sum>, %add3A_706 masked %reduce_sum3A_708 : vector<16xf32>, vector<16xi1> -> vector<16xf32>
      %reduce_sum3A_710 = vector.extract %reduce_sum3A_709[15] : f32 from vector<16xf32>
      %eq3A_711 = arith.constant 5 : i32
      %eq3A_712 = vector.broadcast %eq3A_711 : i32 to vector<16xi32>
      %eq3A_713 = arith.cmpi eq, %iota3A, %eq3A_712 : vector<16xi32>
      %broadcast_in_dim3A_714 = vector.broadcast %reduce_sum3A_710 : f32 to vector<16xf32>
      %select_n3A_715 = arith.select %eq3A_713, %broadcast_in_dim3A_714, %select_n3A_642 : vector<16xi1>, vector<16xf32>
      %mul3A_716 = arith.constant 16 : i32
      %mul3A_717 = arith.muli %scan3A_278, %mul3A_716 : i32
      %add3A_718 = arith.constant 5 : i32
      %add3A_719 = arith.addi %mul3A_717, %add3A_718 : i32
      %add3A_720 = arith.constant 8 : i32
      %add3A_721 = arith.addi %add3A_719, %add3A_720 : i32
      %lt3A_722 = arith.constant 512 : i32
      %lt3A_723 = arith.cmpi slt, %add3A_721, %lt3A_722 : i32
      %convert_element_type3A_724 = arith.extui %lt3A_723 : i1 to i32
      %cond3A_725 = arith.constant 0 : i32
      %cond3A_726 = arith.cmpi ne, %convert_element_type3A_724, %cond3A_725 : i32
      scf.if %cond3A_726 {
        %slice3A_1461 = vector.extract_strided_slice %get3A_283 {offsets = [13], sizes = [1], strides = [1]} : vector<16xi32> to vector<1xi32>
        %squeeze3A_1462 = vector.extract %slice3A_1461[0] : i32 from vector<1xi32>
        %slice3A_1463 = vector.extract_strided_slice %get3A_287 {offsets = [13], sizes = [1], strides = [1]} : vector<16xi32> to vector<1xi32>
        %squeeze3A_1464 = vector.extract %slice3A_1463[0] : i32 from vector<1xi32>
        %shift_right_arithmetic3A_1465 = arith.constant 7 : i32
        %shift_right_arithmetic3A_1466 = arith.shrsi %squeeze3A_1462, %shift_right_arithmetic3A_1465 : i32
        %shift_left3A_1467 = arith.constant 7 : i32
        %shift_left3A_1468 = arith.shli %shift_right_arithmetic3A_1466, %shift_left3A_1467 : i32
        %multiple_of3A_1469 = tpu.assume_multiple %shift_left3A_1468, 128 : i32
        %shift_right_arithmetic3A_1470 = arith.constant 7 : i32
        %shift_right_arithmetic3A_1471 = arith.shrsi %squeeze3A_1464, %shift_right_arithmetic3A_1470 : i32
        %shift_left3A_1472 = arith.constant 7 : i32
        %shift_left3A_1473 = arith.shli %shift_right_arithmetic3A_1471, %shift_left3A_1472 : i32
        %multiple_of3A_1474 = tpu.assume_multiple %shift_left3A_1473, 128 : i32
        %dma_start3A_1475 = arith.constant 0 : i32
        %dma_start3A_1476 = arith.constant 1280 : i32
        %dma_start3A_1477 = tpu.memref_slice %arg9[%dma_start3A_1475, %dma_start3A_1476] : memref<32x2048xf32, #tpu.memory_space<vmem>> -> memref<32x128xf32, #tpu.memory_space<vmem>>
        %dma_start3A_1478 = arith.constant 0 : i32
        %dma_start3A_1479 = tpu.memref_slice %arg4[%dma_start3A_1478, %multiple_of3A_1469] : memref<32x1000000xf32, #tpu.memory_space<hbm>> -> memref<32x128xf32, #tpu.memory_space<hbm>>
        %dma_start3A_1480 = arith.constant 0 : i32
        %dma_start3A_1481 = arith.constant 1280 : i32
        %dma_start3A_1482 = tpu.memref_slice %arg9[%dma_start3A_1480, %dma_start3A_1481] : memref<32x2048xf32, #tpu.memory_space<vmem>> -> memref<32x128xf32, #tpu.memory_space<vmem>>
        %dma_start3A_1483 = arith.constant 0 : i32
        %dma_start3A_1484 = tpu.memref_slice %arg4[%dma_start3A_1483, %multiple_of3A_1469] : memref<32x1000000xf32, #tpu.memory_space<hbm>> -> memref<32x128xf32, #tpu.memory_space<hbm>>
        tpu.enqueue_dma source(%dma_start3A_1484 : memref<32x128xf32, #tpu.memory_space<hbm>>) target(%dma_start3A_1482 : memref<32x128xf32, #tpu.memory_space<vmem>>) target_semaphore(%arg16 : memref<!tpu.dma_semaphore, #tpu.memory_space<semaphore_mem>>)
        %dma_start3A_1485 = arith.constant 0 : i32
        %dma_start3A_1486 = arith.constant 1408 : i32
        %dma_start3A_1487 = tpu.memref_slice %arg9[%dma_start3A_1485, %dma_start3A_1486] : memref<32x2048xf32, #tpu.memory_space<vmem>> -> memref<32x128xf32, #tpu.memory_space<vmem>>
        %dma_start3A_1488 = arith.constant 0 : i32
        %dma_start3A_1489 = tpu.memref_slice %arg5[%dma_start3A_1488, %multiple_of3A_1474] : memref<32x1000000xf32, #tpu.memory_space<hbm>> -> memref<32x128xf32, #tpu.memory_space<hbm>>
        %dma_start3A_1490 = arith.constant 0 : i32
        %dma_start3A_1491 = arith.constant 1408 : i32
        %dma_start3A_1492 = tpu.memref_slice %arg9[%dma_start3A_1490, %dma_start3A_1491] : memref<32x2048xf32, #tpu.memory_space<vmem>> -> memref<32x128xf32, #tpu.memory_space<vmem>>
        %dma_start3A_1493 = arith.constant 0 : i32
        %dma_start3A_1494 = tpu.memref_slice %arg5[%dma_start3A_1493, %multiple_of3A_1474] : memref<32x1000000xf32, #tpu.memory_space<hbm>> -> memref<32x128xf32, #tpu.memory_space<hbm>>
        tpu.enqueue_dma source(%dma_start3A_1494 : memref<32x128xf32, #tpu.memory_space<hbm>>) target(%dma_start3A_1492 : memref<32x128xf32, #tpu.memory_space<vmem>>) target_semaphore(%arg16 : memref<!tpu.dma_semaphore, #tpu.memory_space<semaphore_mem>>)
      } else {
      }
      %dma_wait3A_727 = arith.constant 0 : i32
      %dma_wait3A_728 = arith.constant 1536 : i32
      %dma_wait3A_729 = tpu.memref_slice %arg9[%dma_wait3A_727, %dma_wait3A_728] : memref<32x2048xf32, #tpu.memory_space<vmem>> -> memref<32x128xf32, #tpu.memory_space<vmem>>
      %dma_wait3A_730 = arith.constant 0 : i32
      %dma_wait3A_731 = arith.constant 0 : i32
      %dma_wait3A_732 = tpu.memref_slice %arg4[%dma_wait3A_730, %dma_wait3A_731] : memref<32x1000000xf32, #tpu.memory_space<hbm>> -> memref<32x128xf32, #tpu.memory_space<hbm>>
      %dma_wait3A_733 = arith.constant 0 : i32
      %dma_wait3A_734 = arith.constant 1536 : i32
      %dma_wait3A_735 = tpu.memref_slice %arg9[%dma_wait3A_733, %dma_wait3A_734] : memref<32x2048xf32, #tpu.memory_space<vmem>> -> memref<32x128xf32, #tpu.memory_space<vmem>>
      %dma_wait3A_736 = arith.constant 0 : i32
      %dma_wait3A_737 = arith.constant 0 : i32
      %dma_wait3A_738 = tpu.memref_slice %arg4[%dma_wait3A_736, %dma_wait3A_737] : memref<32x1000000xf32, #tpu.memory_space<hbm>> -> memref<32x128xf32, #tpu.memory_space<hbm>>
      tpu.wait_dma2 semaphore(%arg17 : memref<!tpu.dma_semaphore, #tpu.memory_space<semaphore_mem>>) src(%dma_wait3A_738 : memref<32x128xf32, #tpu.memory_space<hbm>>) dst(%dma_wait3A_735 : memref<32x128xf32, #tpu.memory_space<vmem>>)
      %dma_wait3A_739 = arith.constant 0 : i32
      %dma_wait3A_740 = arith.constant 1536 : i32
      %dma_wait3A_741 = tpu.memref_slice %arg9[%dma_wait3A_739, %dma_wait3A_740] : memref<32x2048xf32, #tpu.memory_space<vmem>> -> memref<32x128xf32, #tpu.memory_space<vmem>>
      %dma_wait3A_742 = arith.constant 0 : i32
      %dma_wait3A_743 = arith.constant 0 : i32
      %dma_wait3A_744 = tpu.memref_slice %arg4[%dma_wait3A_742, %dma_wait3A_743] : memref<32x1000000xf32, #tpu.memory_space<hbm>> -> memref<32x128xf32, #tpu.memory_space<hbm>>
      %dma_wait3A_745 = arith.constant 0 : i32
      %dma_wait3A_746 = arith.constant 1536 : i32
      %dma_wait3A_747 = tpu.memref_slice %arg9[%dma_wait3A_745, %dma_wait3A_746] : memref<32x2048xf32, #tpu.memory_space<vmem>> -> memref<32x128xf32, #tpu.memory_space<vmem>>
      %dma_wait3A_748 = arith.constant 0 : i32
      %dma_wait3A_749 = arith.constant 0 : i32
      %dma_wait3A_750 = tpu.memref_slice %arg4[%dma_wait3A_748, %dma_wait3A_749] : memref<32x1000000xf32, #tpu.memory_space<hbm>> -> memref<32x128xf32, #tpu.memory_space<hbm>>
      tpu.wait_dma2 semaphore(%arg17 : memref<!tpu.dma_semaphore, #tpu.memory_space<semaphore_mem>>) src(%dma_wait3A_750 : memref<32x128xf32, #tpu.memory_space<hbm>>) dst(%dma_wait3A_747 : memref<32x128xf32, #tpu.memory_space<vmem>>)
      %broadcast_in_dim3A_751 = arith.constant 1536 : i32
      %broadcast_in_dim3A_752 = vector.broadcast %broadcast_in_dim3A_751 : i32 to vector<16xi32>
      %slice3A_753 = vector.extract_strided_slice %get3A_283 {offsets = [6], sizes = [1], strides = [1]} : vector<16xi32> to vector<1xi32>
      %squeeze3A_754 = vector.extract %slice3A_753[0] : i32 from vector<1xi32>
      %and3A_755 = arith.constant 127 : i32
      %and3A_756 = arith.andi %squeeze3A_754, %and3A_755 : i32
      %add3A_757 = vector.broadcast %and3A_756 : i32 to vector<16xi32>
      %add3A_758 = arith.addi %broadcast_in_dim3A_752, %add3A_757 : vector<16xi32>
      %broadcast_in_dim3A_759 = arith.constant 1664 : i32
      %broadcast_in_dim3A_760 = vector.broadcast %broadcast_in_dim3A_759 : i32 to vector<16xi32>
      %slice3A_761 = vector.extract_strided_slice %get3A_287 {offsets = [6], sizes = [1], strides = [1]} : vector<16xi32> to vector<1xi32>
      %squeeze3A_762 = vector.extract %slice3A_761[0] : i32 from vector<1xi32>
      %and3A_763 = arith.constant 127 : i32
      %and3A_764 = arith.andi %squeeze3A_762, %and3A_763 : i32
      %add3A_765 = vector.broadcast %and3A_764 : i32 to vector<16xi32>
      %add3A_766 = arith.addi %broadcast_in_dim3A_760, %add3A_765 : vector<16xi32>
      %gather3A_767 = tpu.vector_load_idx %arg9[%iota3A, %add3A_758] : memref<32x2048xf32, #tpu.memory_space<vmem>>[vector<16xi32>, vector<16xi32>], vector<16xf32>,
      %add3A_768 = arith.constant 16 : i32
      %add3A_769 = vector.broadcast %add3A_768 : i32 to vector<16xi32>
      %add3A_770 = arith.addi %iota3A, %add3A_769 : vector<16xi32>
      %gather3A_771 = tpu.vector_load_idx %arg9[%add3A_770, %add3A_758] : memref<32x2048xf32, #tpu.memory_space<vmem>>[vector<16xi32>, vector<16xi32>], vector<16xf32>,
      %gather3A_772 = tpu.vector_load_idx %arg9[%iota3A, %add3A_766] : memref<32x2048xf32, #tpu.memory_space<vmem>>[vector<16xi32>, vector<16xi32>], vector<16xf32>,
      %add3A_773 = arith.constant 16 : i32
      %add3A_774 = vector.broadcast %add3A_773 : i32 to vector<16xi32>
      %add3A_775 = arith.addi %iota3A, %add3A_774 : vector<16xi32>
      %gather3A_776 = tpu.vector_load_idx %arg9[%add3A_775, %add3A_766] : memref<32x2048xf32, #tpu.memory_space<vmem>>[vector<16xi32>, vector<16xi32>], vector<16xf32>,
      %mul3A_777 = arith.mulf %gather3A_767, %gather3A_772 : vector<16xf32>
      %mul3A_778 = arith.mulf %gather3A_771, %gather3A_776 : vector<16xf32>
      %add3A_779 = arith.addf %mul3A_777, %mul3A_778 : vector<16xf32>
      %reduce_sum3A_780 = arith.constant true
      %reduce_sum3A_781 = vector.broadcast %reduce_sum3A_780 : i1 to vector<16xi1>
      %reduce_sum3A_782 = tpu.scan <sum>, %add3A_779 masked %reduce_sum3A_781 : vector<16xf32>, vector<16xi1> -> vector<16xf32>
      %reduce_sum3A_783 = vector.extract %reduce_sum3A_782[15] : f32 from vector<16xf32>
      %eq3A_784 = arith.constant 6 : i32
      %eq3A_785 = vector.broadcast %eq3A_784 : i32 to vector<16xi32>
      %eq3A_786 = arith.cmpi eq, %iota3A, %eq3A_785 : vector<16xi32>
      %broadcast_in_dim3A_787 = vector.broadcast %reduce_sum3A_783 : f32 to vector<16xf32>
      %select_n3A_788 = arith.select %eq3A_786, %broadcast_in_dim3A_787, %select_n3A_715 : vector<16xi1>, vector<16xf32>
      %mul3A_789 = arith.constant 16 : i32
      %mul3A_790 = arith.muli %scan3A_278, %mul3A_789 : i32
      %add3A_791 = arith.constant 6 : i32
      %add3A_792 = arith.addi %mul3A_790, %add3A_791 : i32
      %add3A_793 = arith.constant 8 : i32
      %add3A_794 = arith.addi %add3A_792, %add3A_793 : i32
      %lt3A_795 = arith.constant 512 : i32
      %lt3A_796 = arith.cmpi slt, %add3A_794, %lt3A_795 : i32
      %convert_element_type3A_797 = arith.extui %lt3A_796 : i1 to i32
      %cond3A_798 = arith.constant 0 : i32
      %cond3A_799 = arith.cmpi ne, %convert_element_type3A_797, %cond3A_798 : i32
      scf.if %cond3A_799 {
        %slice3A_1461 = vector.extract_strided_slice %get3A_283 {offsets = [14], sizes = [1], strides = [1]} : vector<16xi32> to vector<1xi32>
        %squeeze3A_1462 = vector.extract %slice3A_1461[0] : i32 from vector<1xi32>
        %slice3A_1463 = vector.extract_strided_slice %get3A_287 {offsets = [14], sizes = [1], strides = [1]} : vector<16xi32> to vector<1xi32>
        %squeeze3A_1464 = vector.extract %slice3A_1463[0] : i32 from vector<1xi32>
        %shift_right_arithmetic3A_1465 = arith.constant 7 : i32
        %shift_right_arithmetic3A_1466 = arith.shrsi %squeeze3A_1462, %shift_right_arithmetic3A_1465 : i32
        %shift_left3A_1467 = arith.constant 7 : i32
        %shift_left3A_1468 = arith.shli %shift_right_arithmetic3A_1466, %shift_left3A_1467 : i32
        %multiple_of3A_1469 = tpu.assume_multiple %shift_left3A_1468, 128 : i32
        %shift_right_arithmetic3A_1470 = arith.constant 7 : i32
        %shift_right_arithmetic3A_1471 = arith.shrsi %squeeze3A_1464, %shift_right_arithmetic3A_1470 : i32
        %shift_left3A_1472 = arith.constant 7 : i32
        %shift_left3A_1473 = arith.shli %shift_right_arithmetic3A_1471, %shift_left3A_1472 : i32
        %multiple_of3A_1474 = tpu.assume_multiple %shift_left3A_1473, 128 : i32
        %dma_start3A_1475 = arith.constant 0 : i32
        %dma_start3A_1476 = arith.constant 1536 : i32
        %dma_start3A_1477 = tpu.memref_slice %arg9[%dma_start3A_1475, %dma_start3A_1476] : memref<32x2048xf32, #tpu.memory_space<vmem>> -> memref<32x128xf32, #tpu.memory_space<vmem>>
        %dma_start3A_1478 = arith.constant 0 : i32
        %dma_start3A_1479 = tpu.memref_slice %arg4[%dma_start3A_1478, %multiple_of3A_1469] : memref<32x1000000xf32, #tpu.memory_space<hbm>> -> memref<32x128xf32, #tpu.memory_space<hbm>>
        %dma_start3A_1480 = arith.constant 0 : i32
        %dma_start3A_1481 = arith.constant 1536 : i32
        %dma_start3A_1482 = tpu.memref_slice %arg9[%dma_start3A_1480, %dma_start3A_1481] : memref<32x2048xf32, #tpu.memory_space<vmem>> -> memref<32x128xf32, #tpu.memory_space<vmem>>
        %dma_start3A_1483 = arith.constant 0 : i32
        %dma_start3A_1484 = tpu.memref_slice %arg4[%dma_start3A_1483, %multiple_of3A_1469] : memref<32x1000000xf32, #tpu.memory_space<hbm>> -> memref<32x128xf32, #tpu.memory_space<hbm>>
        tpu.enqueue_dma source(%dma_start3A_1484 : memref<32x128xf32, #tpu.memory_space<hbm>>) target(%dma_start3A_1482 : memref<32x128xf32, #tpu.memory_space<vmem>>) target_semaphore(%arg17 : memref<!tpu.dma_semaphore, #tpu.memory_space<semaphore_mem>>)
        %dma_start3A_1485 = arith.constant 0 : i32
        %dma_start3A_1486 = arith.constant 1664 : i32
        %dma_start3A_1487 = tpu.memref_slice %arg9[%dma_start3A_1485, %dma_start3A_1486] : memref<32x2048xf32, #tpu.memory_space<vmem>> -> memref<32x128xf32, #tpu.memory_space<vmem>>
        %dma_start3A_1488 = arith.constant 0 : i32
        %dma_start3A_1489 = tpu.memref_slice %arg5[%dma_start3A_1488, %multiple_of3A_1474] : memref<32x1000000xf32, #tpu.memory_space<hbm>> -> memref<32x128xf32, #tpu.memory_space<hbm>>
        %dma_start3A_1490 = arith.constant 0 : i32
        %dma_start3A_1491 = arith.constant 1664 : i32
        %dma_start3A_1492 = tpu.memref_slice %arg9[%dma_start3A_1490, %dma_start3A_1491] : memref<32x2048xf32, #tpu.memory_space<vmem>> -> memref<32x128xf32, #tpu.memory_space<vmem>>
        %dma_start3A_1493 = arith.constant 0 : i32
        %dma_start3A_1494 = tpu.memref_slice %arg5[%dma_start3A_1493, %multiple_of3A_1474] : memref<32x1000000xf32, #tpu.memory_space<hbm>> -> memref<32x128xf32, #tpu.memory_space<hbm>>
        tpu.enqueue_dma source(%dma_start3A_1494 : memref<32x128xf32, #tpu.memory_space<hbm>>) target(%dma_start3A_1492 : memref<32x128xf32, #tpu.memory_space<vmem>>) target_semaphore(%arg17 : memref<!tpu.dma_semaphore, #tpu.memory_space<semaphore_mem>>)
      } else {
      }
      %dma_wait3A_800 = arith.constant 0 : i32
      %dma_wait3A_801 = arith.constant 1792 : i32
      %dma_wait3A_802 = tpu.memref_slice %arg9[%dma_wait3A_800, %dma_wait3A_801] : memref<32x2048xf32, #tpu.memory_space<vmem>> -> memref<32x128xf32, #tpu.memory_space<vmem>>
      %dma_wait3A_803 = arith.constant 0 : i32
      %dma_wait3A_804 = arith.constant 0 : i32
      %dma_wait3A_805 = tpu.memref_slice %arg4[%dma_wait3A_803, %dma_wait3A_804] : memref<32x1000000xf32, #tpu.memory_space<hbm>> -> memref<32x128xf32, #tpu.memory_space<hbm>>
      %dma_wait3A_806 = arith.constant 0 : i32
      %dma_wait3A_807 = arith.constant 1792 : i32
      %dma_wait3A_808 = tpu.memref_slice %arg9[%dma_wait3A_806, %dma_wait3A_807] : memref<32x2048xf32, #tpu.memory_space<vmem>> -> memref<32x128xf32, #tpu.memory_space<vmem>>
      %dma_wait3A_809 = arith.constant 0 : i32
      %dma_wait3A_810 = arith.constant 0 : i32
      %dma_wait3A_811 = tpu.memref_slice %arg4[%dma_wait3A_809, %dma_wait3A_810] : memref<32x1000000xf32, #tpu.memory_space<hbm>> -> memref<32x128xf32, #tpu.memory_space<hbm>>
      tpu.wait_dma2 semaphore(%arg18 : memref<!tpu.dma_semaphore, #tpu.memory_space<semaphore_mem>>) src(%dma_wait3A_811 : memref<32x128xf32, #tpu.memory_space<hbm>>) dst(%dma_wait3A_808 : memref<32x128xf32, #tpu.memory_space<vmem>>)
      %dma_wait3A_812 = arith.constant 0 : i32
      %dma_wait3A_813 = arith.constant 1792 : i32
      %dma_wait3A_814 = tpu.memref_slice %arg9[%dma_wait3A_812, %dma_wait3A_813] : memref<32x2048xf32, #tpu.memory_space<vmem>> -> memref<32x128xf32, #tpu.memory_space<vmem>>
      %dma_wait3A_815 = arith.constant 0 : i32
      %dma_wait3A_816 = arith.constant 0 : i32
      %dma_wait3A_817 = tpu.memref_slice %arg4[%dma_wait3A_815, %dma_wait3A_816] : memref<32x1000000xf32, #tpu.memory_space<hbm>> -> memref<32x128xf32, #tpu.memory_space<hbm>>
      %dma_wait3A_818 = arith.constant 0 : i32
      %dma_wait3A_819 = arith.constant 1792 : i32
      %dma_wait3A_820 = tpu.memref_slice %arg9[%dma_wait3A_818, %dma_wait3A_819] : memref<32x2048xf32, #tpu.memory_space<vmem>> -> memref<32x128xf32, #tpu.memory_space<vmem>>
      %dma_wait3A_821 = arith.constant 0 : i32
      %dma_wait3A_822 = arith.constant 0 : i32
      %dma_wait3A_823 = tpu.memref_slice %arg4[%dma_wait3A_821, %dma_wait3A_822] : memref<32x1000000xf32, #tpu.memory_space<hbm>> -> memref<32x128xf32, #tpu.memory_space<hbm>>
      tpu.wait_dma2 semaphore(%arg18 : memref<!tpu.dma_semaphore, #tpu.memory_space<semaphore_mem>>) src(%dma_wait3A_823 : memref<32x128xf32, #tpu.memory_space<hbm>>) dst(%dma_wait3A_820 : memref<32x128xf32, #tpu.memory_space<vmem>>)
      %broadcast_in_dim3A_824 = arith.constant 1792 : i32
      %broadcast_in_dim3A_825 = vector.broadcast %broadcast_in_dim3A_824 : i32 to vector<16xi32>
      %slice3A_826 = vector.extract_strided_slice %get3A_283 {offsets = [7], sizes = [1], strides = [1]} : vector<16xi32> to vector<1xi32>
      %squeeze3A_827 = vector.extract %slice3A_826[0] : i32 from vector<1xi32>
      %and3A_828 = arith.constant 127 : i32
      %and3A_829 = arith.andi %squeeze3A_827, %and3A_828 : i32
      %add3A_830 = vector.broadcast %and3A_829 : i32 to vector<16xi32>
      %add3A_831 = arith.addi %broadcast_in_dim3A_825, %add3A_830 : vector<16xi32>
      %broadcast_in_dim3A_832 = arith.constant 1920 : i32
      %broadcast_in_dim3A_833 = vector.broadcast %broadcast_in_dim3A_832 : i32 to vector<16xi32>
      %slice3A_834 = vector.extract_strided_slice %get3A_287 {offsets = [7], sizes = [1], strides = [1]} : vector<16xi32> to vector<1xi32>
      %squeeze3A_835 = vector.extract %slice3A_834[0] : i32 from vector<1xi32>
      %and3A_836 = arith.constant 127 : i32
      %and3A_837 = arith.andi %squeeze3A_835, %and3A_836 : i32
      %add3A_838 = vector.broadcast %and3A_837 : i32 to vector<16xi32>
      %add3A_839 = arith.addi %broadcast_in_dim3A_833, %add3A_838 : vector<16xi32>
      %gather3A_840 = tpu.vector_load_idx %arg9[%iota3A, %add3A_831] : memref<32x2048xf32, #tpu.memory_space<vmem>>[vector<16xi32>, vector<16xi32>], vector<16xf32>,
      %add3A_841 = arith.constant 16 : i32
      %add3A_842 = vector.broadcast %add3A_841 : i32 to vector<16xi32>
      %add3A_843 = arith.addi %iota3A, %add3A_842 : vector<16xi32>
      %gather3A_844 = tpu.vector_load_idx %arg9[%add3A_843, %add3A_831] : memref<32x2048xf32, #tpu.memory_space<vmem>>[vector<16xi32>, vector<16xi32>], vector<16xf32>,
      %gather3A_845 = tpu.vector_load_idx %arg9[%iota3A, %add3A_839] : memref<32x2048xf32, #tpu.memory_space<vmem>>[vector<16xi32>, vector<16xi32>], vector<16xf32>,
      %add3A_846 = arith.constant 16 : i32
      %add3A_847 = vector.broadcast %add3A_846 : i32 to vector<16xi32>
      %add3A_848 = arith.addi %iota3A, %add3A_847 : vector<16xi32>
      %gather3A_849 = tpu.vector_load_idx %arg9[%add3A_848, %add3A_839] : memref<32x2048xf32, #tpu.memory_space<vmem>>[vector<16xi32>, vector<16xi32>], vector<16xf32>,
      %mul3A_850 = arith.mulf %gather3A_840, %gather3A_845 : vector<16xf32>
      %mul3A_851 = arith.mulf %gather3A_844, %gather3A_849 : vector<16xf32>
      %add3A_852 = arith.addf %mul3A_850, %mul3A_851 : vector<16xf32>
      %reduce_sum3A_853 = arith.constant true
      %reduce_sum3A_854 = vector.broadcast %reduce_sum3A_853 : i1 to vector<16xi1>
      %reduce_sum3A_855 = tpu.scan <sum>, %add3A_852 masked %reduce_sum3A_854 : vector<16xf32>, vector<16xi1> -> vector<16xf32>
      %reduce_sum3A_856 = vector.extract %reduce_sum3A_855[15] : f32 from vector<16xf32>
      %eq3A_857 = arith.constant 7 : i32
      %eq3A_858 = vector.broadcast %eq3A_857 : i32 to vector<16xi32>
      %eq3A_859 = arith.cmpi eq, %iota3A, %eq3A_858 : vector<16xi32>
      %broadcast_in_dim3A_860 = vector.broadcast %reduce_sum3A_856 : f32 to vector<16xf32>
      %select_n3A_861 = arith.select %eq3A_859, %broadcast_in_dim3A_860, %select_n3A_788 : vector<16xi1>, vector<16xf32>
      %mul3A_862 = arith.constant 16 : i32
      %mul3A_863 = arith.muli %scan3A_278, %mul3A_862 : i32
      %add3A_864 = arith.constant 7 : i32
      %add3A_865 = arith.addi %mul3A_863, %add3A_864 : i32
      %add3A_866 = arith.constant 8 : i32
      %add3A_867 = arith.addi %add3A_865, %add3A_866 : i32
      %lt3A_868 = arith.constant 512 : i32
      %lt3A_869 = arith.cmpi slt, %add3A_867, %lt3A_868 : i32
      %convert_element_type3A_870 = arith.extui %lt3A_869 : i1 to i32
      %cond3A_871 = arith.constant 0 : i32
      %cond3A_872 = arith.cmpi ne, %convert_element_type3A_870, %cond3A_871 : i32
      scf.if %cond3A_872 {
        %slice3A_1461 = vector.extract_strided_slice %get3A_283 {offsets = [15], sizes = [1], strides = [1]} : vector<16xi32> to vector<1xi32>
        %squeeze3A_1462 = vector.extract %slice3A_1461[0] : i32 from vector<1xi32>
        %slice3A_1463 = vector.extract_strided_slice %get3A_287 {offsets = [15], sizes = [1], strides = [1]} : vector<16xi32> to vector<1xi32>
        %squeeze3A_1464 = vector.extract %slice3A_1463[0] : i32 from vector<1xi32>
        %shift_right_arithmetic3A_1465 = arith.constant 7 : i32
        %shift_right_arithmetic3A_1466 = arith.shrsi %squeeze3A_1462, %shift_right_arithmetic3A_1465 : i32
        %shift_left3A_1467 = arith.constant 7 : i32
        %shift_left3A_1468 = arith.shli %shift_right_arithmetic3A_1466, %shift_left3A_1467 : i32
        %multiple_of3A_1469 = tpu.assume_multiple %shift_left3A_1468, 128 : i32
        %shift_right_arithmetic3A_1470 = arith.constant 7 : i32
        %shift_right_arithmetic3A_1471 = arith.shrsi %squeeze3A_1464, %shift_right_arithmetic3A_1470 : i32
        %shift_left3A_1472 = arith.constant 7 : i32
        %shift_left3A_1473 = arith.shli %shift_right_arithmetic3A_1471, %shift_left3A_1472 : i32
        %multiple_of3A_1474 = tpu.assume_multiple %shift_left3A_1473, 128 : i32
        %dma_start3A_1475 = arith.constant 0 : i32
        %dma_start3A_1476 = arith.constant 1792 : i32
        %dma_start3A_1477 = tpu.memref_slice %arg9[%dma_start3A_1475, %dma_start3A_1476] : memref<32x2048xf32, #tpu.memory_space<vmem>> -> memref<32x128xf32, #tpu.memory_space<vmem>>
        %dma_start3A_1478 = arith.constant 0 : i32
        %dma_start3A_1479 = tpu.memref_slice %arg4[%dma_start3A_1478, %multiple_of3A_1469] : memref<32x1000000xf32, #tpu.memory_space<hbm>> -> memref<32x128xf32, #tpu.memory_space<hbm>>
        %dma_start3A_1480 = arith.constant 0 : i32
        %dma_start3A_1481 = arith.constant 1792 : i32
        %dma_start3A_1482 = tpu.memref_slice %arg9[%dma_start3A_1480, %dma_start3A_1481] : memref<32x2048xf32, #tpu.memory_space<vmem>> -> memref<32x128xf32, #tpu.memory_space<vmem>>
        %dma_start3A_1483 = arith.constant 0 : i32
        %dma_start3A_1484 = tpu.memref_slice %arg4[%dma_start3A_1483, %multiple_of3A_1469] : memref<32x1000000xf32, #tpu.memory_space<hbm>> -> memref<32x128xf32, #tpu.memory_space<hbm>>
        tpu.enqueue_dma source(%dma_start3A_1484 : memref<32x128xf32, #tpu.memory_space<hbm>>) target(%dma_start3A_1482 : memref<32x128xf32, #tpu.memory_space<vmem>>) target_semaphore(%arg18 : memref<!tpu.dma_semaphore, #tpu.memory_space<semaphore_mem>>)
        %dma_start3A_1485 = arith.constant 0 : i32
        %dma_start3A_1486 = arith.constant 1920 : i32
        %dma_start3A_1487 = tpu.memref_slice %arg9[%dma_start3A_1485, %dma_start3A_1486] : memref<32x2048xf32, #tpu.memory_space<vmem>> -> memref<32x128xf32, #tpu.memory_space<vmem>>
        %dma_start3A_1488 = arith.constant 0 : i32
        %dma_start3A_1489 = tpu.memref_slice %arg5[%dma_start3A_1488, %multiple_of3A_1474] : memref<32x1000000xf32, #tpu.memory_space<hbm>> -> memref<32x128xf32, #tpu.memory_space<hbm>>
        %dma_start3A_1490 = arith.constant 0 : i32
        %dma_start3A_1491 = arith.constant 1920 : i32
        %dma_start3A_1492 = tpu.memref_slice %arg9[%dma_start3A_1490, %dma_start3A_1491] : memref<32x2048xf32, #tpu.memory_space<vmem>> -> memref<32x128xf32, #tpu.memory_space<vmem>>
        %dma_start3A_1493 = arith.constant 0 : i32
        %dma_start3A_1494 = tpu.memref_slice %arg5[%dma_start3A_1493, %multiple_of3A_1474] : memref<32x1000000xf32, #tpu.memory_space<hbm>> -> memref<32x128xf32, #tpu.memory_space<hbm>>
        tpu.enqueue_dma source(%dma_start3A_1494 : memref<32x128xf32, #tpu.memory_space<hbm>>) target(%dma_start3A_1492 : memref<32x128xf32, #tpu.memory_space<vmem>>) target_semaphore(%arg18 : memref<!tpu.dma_semaphore, #tpu.memory_space<semaphore_mem>>)
      } else {
      }
      %dma_wait3A_873 = arith.constant 0 : i32
      %dma_wait3A_874 = arith.constant 0 : i32
      %dma_wait3A_875 = tpu.memref_slice %arg9[%dma_wait3A_873, %dma_wait3A_874] : memref<32x2048xf32, #tpu.memory_space<vmem>> -> memref<32x128xf32, #tpu.memory_space<vmem>>
      %dma_wait3A_876 = arith.constant 0 : i32
      %dma_wait3A_877 = arith.constant 0 : i32
      %dma_wait3A_878 = tpu.memref_slice %arg4[%dma_wait3A_876, %dma_wait3A_877] : memref<32x1000000xf32, #tpu.memory_space<hbm>> -> memref<32x128xf32, #tpu.memory_space<hbm>>
      %dma_wait3A_879 = arith.constant 0 : i32
      %dma_wait3A_880 = arith.constant 0 : i32
      %dma_wait3A_881 = tpu.memref_slice %arg9[%dma_wait3A_879, %dma_wait3A_880] : memref<32x2048xf32, #tpu.memory_space<vmem>> -> memref<32x128xf32, #tpu.memory_space<vmem>>
      %dma_wait3A_882 = arith.constant 0 : i32
      %dma_wait3A_883 = arith.constant 0 : i32
      %dma_wait3A_884 = tpu.memref_slice %arg4[%dma_wait3A_882, %dma_wait3A_883] : memref<32x1000000xf32, #tpu.memory_space<hbm>> -> memref<32x128xf32, #tpu.memory_space<hbm>>
      tpu.wait_dma2 semaphore(%arg11 : memref<!tpu.dma_semaphore, #tpu.memory_space<semaphore_mem>>) src(%dma_wait3A_884 : memref<32x128xf32, #tpu.memory_space<hbm>>) dst(%dma_wait3A_881 : memref<32x128xf32, #tpu.memory_space<vmem>>)
      %dma_wait3A_885 = arith.constant 0 : i32
      %dma_wait3A_886 = arith.constant 0 : i32
      %dma_wait3A_887 = tpu.memref_slice %arg9[%dma_wait3A_885, %dma_wait3A_886] : memref<32x2048xf32, #tpu.memory_space<vmem>> -> memref<32x128xf32, #tpu.memory_space<vmem>>
      %dma_wait3A_888 = arith.constant 0 : i32
      %dma_wait3A_889 = arith.constant 0 : i32
      %dma_wait3A_890 = tpu.memref_slice %arg4[%dma_wait3A_888, %dma_wait3A_889] : memref<32x1000000xf32, #tpu.memory_space<hbm>> -> memref<32x128xf32, #tpu.memory_space<hbm>>
      %dma_wait3A_891 = arith.constant 0 : i32
      %dma_wait3A_892 = arith.constant 0 : i32
      %dma_wait3A_893 = tpu.memref_slice %arg9[%dma_wait3A_891, %dma_wait3A_892] : memref<32x2048xf32, #tpu.memory_space<vmem>> -> memref<32x128xf32, #tpu.memory_space<vmem>>
      %dma_wait3A_894 = arith.constant 0 : i32
      %dma_wait3A_895 = arith.constant 0 : i32
      %dma_wait3A_896 = tpu.memref_slice %arg4[%dma_wait3A_894, %dma_wait3A_895] : memref<32x1000000xf32, #tpu.memory_space<hbm>> -> memref<32x128xf32, #tpu.memory_space<hbm>>
      tpu.wait_dma2 semaphore(%arg11 : memref<!tpu.dma_semaphore, #tpu.memory_space<semaphore_mem>>) src(%dma_wait3A_896 : memref<32x128xf32, #tpu.memory_space<hbm>>) dst(%dma_wait3A_893 : memref<32x128xf32, #tpu.memory_space<vmem>>)
      %broadcast_in_dim3A_897 = arith.constant 0 : i32
      %broadcast_in_dim3A_898 = vector.broadcast %broadcast_in_dim3A_897 : i32 to vector<16xi32>
      %slice3A_899 = vector.extract_strided_slice %get3A_283 {offsets = [8], sizes = [1], strides = [1]} : vector<16xi32> to vector<1xi32>
      %squeeze3A_900 = vector.extract %slice3A_899[0] : i32 from vector<1xi32>
      %and3A_901 = arith.constant 127 : i32
      %and3A_902 = arith.andi %squeeze3A_900, %and3A_901 : i32
      %add3A_903 = vector.broadcast %and3A_902 : i32 to vector<16xi32>
      %add3A_904 = arith.addi %broadcast_in_dim3A_898, %add3A_903 : vector<16xi32>
      %broadcast_in_dim3A_905 = arith.constant 128 : i32
      %broadcast_in_dim3A_906 = vector.broadcast %broadcast_in_dim3A_905 : i32 to vector<16xi32>
      %slice3A_907 = vector.extract_strided_slice %get3A_287 {offsets = [8], sizes = [1], strides = [1]} : vector<16xi32> to vector<1xi32>
      %squeeze3A_908 = vector.extract %slice3A_907[0] : i32 from vector<1xi32>
      %and3A_909 = arith.constant 127 : i32
      %and3A_910 = arith.andi %squeeze3A_908, %and3A_909 : i32
      %add3A_911 = vector.broadcast %and3A_910 : i32 to vector<16xi32>
      %add3A_912 = arith.addi %broadcast_in_dim3A_906, %add3A_911 : vector<16xi32>
      %gather3A_913 = tpu.vector_load_idx %arg9[%iota3A, %add3A_904] : memref<32x2048xf32, #tpu.memory_space<vmem>>[vector<16xi32>, vector<16xi32>], vector<16xf32>,
      %add3A_914 = arith.constant 16 : i32
      %add3A_915 = vector.broadcast %add3A_914 : i32 to vector<16xi32>
      %add3A_916 = arith.addi %iota3A, %add3A_915 : vector<16xi32>
      %gather3A_917 = tpu.vector_load_idx %arg9[%add3A_916, %add3A_904] : memref<32x2048xf32, #tpu.memory_space<vmem>>[vector<16xi32>, vector<16xi32>], vector<16xf32>,
      %gather3A_918 = tpu.vector_load_idx %arg9[%iota3A, %add3A_912] : memref<32x2048xf32, #tpu.memory_space<vmem>>[vector<16xi32>, vector<16xi32>], vector<16xf32>,
      %add3A_919 = arith.constant 16 : i32
      %add3A_920 = vector.broadcast %add3A_919 : i32 to vector<16xi32>
      %add3A_921 = arith.addi %iota3A, %add3A_920 : vector<16xi32>
      %gather3A_922 = tpu.vector_load_idx %arg9[%add3A_921, %add3A_912] : memref<32x2048xf32, #tpu.memory_space<vmem>>[vector<16xi32>, vector<16xi32>], vector<16xf32>,
      %mul3A_923 = arith.mulf %gather3A_913, %gather3A_918 : vector<16xf32>
      %mul3A_924 = arith.mulf %gather3A_917, %gather3A_922 : vector<16xf32>
      %add3A_925 = arith.addf %mul3A_923, %mul3A_924 : vector<16xf32>
      %reduce_sum3A_926 = arith.constant true
      %reduce_sum3A_927 = vector.broadcast %reduce_sum3A_926 : i1 to vector<16xi1>
      %reduce_sum3A_928 = tpu.scan <sum>, %add3A_925 masked %reduce_sum3A_927 : vector<16xf32>, vector<16xi1> -> vector<16xf32>
      %reduce_sum3A_929 = vector.extract %reduce_sum3A_928[15] : f32 from vector<16xf32>
      %eq3A_930 = arith.constant 8 : i32
      %eq3A_931 = vector.broadcast %eq3A_930 : i32 to vector<16xi32>
      %eq3A_932 = arith.cmpi eq, %iota3A, %eq3A_931 : vector<16xi32>
      %broadcast_in_dim3A_933 = vector.broadcast %reduce_sum3A_929 : f32 to vector<16xf32>
      %select_n3A_934 = arith.select %eq3A_932, %broadcast_in_dim3A_933, %select_n3A_861 : vector<16xi1>, vector<16xf32>
      %add3A_935 = arith.constant 1 : i32
      %add3A_936 = arith.addi %scan3A_278, %add3A_935 : i32
      %mul3A_937 = arith.constant 16 : i32
      %mul3A_938 = arith.muli %add3A_936, %mul3A_937 : i32
      %add3A_939 = arith.constant 0 : i32
      %add3A_940 = arith.addi %mul3A_938, %add3A_939 : i32
      %lt3A_941 = arith.constant 512 : i32
      %lt3A_942 = arith.cmpi slt, %add3A_940, %lt3A_941 : i32
      %convert_element_type3A_943 = arith.extui %lt3A_942 : i1 to i32
      %cond3A_944 = arith.constant 0 : i32
      %cond3A_945 = arith.cmpi ne, %convert_element_type3A_943, %cond3A_944 : i32
      scf.if %cond3A_945 {
        %slice3A_1461 = vector.extract_strided_slice %get3A_294 {offsets = [0], sizes = [1], strides = [1]} : vector<16xi32> to vector<1xi32>
        %squeeze3A_1462 = vector.extract %slice3A_1461[0] : i32 from vector<1xi32>
        %slice3A_1463 = vector.extract_strided_slice %get3A_296 {offsets = [0], sizes = [1], strides = [1]} : vector<16xi32> to vector<1xi32>
        %squeeze3A_1464 = vector.extract %slice3A_1463[0] : i32 from vector<1xi32>
        %shift_right_arithmetic3A_1465 = arith.constant 7 : i32
        %shift_right_arithmetic3A_1466 = arith.shrsi %squeeze3A_1462, %shift_right_arithmetic3A_1465 : i32
        %shift_left3A_1467 = arith.constant 7 : i32
        %shift_left3A_1468 = arith.shli %shift_right_arithmetic3A_1466, %shift_left3A_1467 : i32
        %multiple_of3A_1469 = tpu.assume_multiple %shift_left3A_1468, 128 : i32
        %shift_right_arithmetic3A_1470 = arith.constant 7 : i32
        %shift_right_arithmetic3A_1471 = arith.shrsi %squeeze3A_1464, %shift_right_arithmetic3A_1470 : i32
        %shift_left3A_1472 = arith.constant 7 : i32
        %shift_left3A_1473 = arith.shli %shift_right_arithmetic3A_1471, %shift_left3A_1472 : i32
        %multiple_of3A_1474 = tpu.assume_multiple %shift_left3A_1473, 128 : i32
        %dma_start3A_1475 = arith.constant 0 : i32
        %dma_start3A_1476 = arith.constant 0 : i32
        %dma_start3A_1477 = tpu.memref_slice %arg9[%dma_start3A_1475, %dma_start3A_1476] : memref<32x2048xf32, #tpu.memory_space<vmem>> -> memref<32x128xf32, #tpu.memory_space<vmem>>
        %dma_start3A_1478 = arith.constant 0 : i32
        %dma_start3A_1479 = tpu.memref_slice %arg4[%dma_start3A_1478, %multiple_of3A_1469] : memref<32x1000000xf32, #tpu.memory_space<hbm>> -> memref<32x128xf32, #tpu.memory_space<hbm>>
        %dma_start3A_1480 = arith.constant 0 : i32
        %dma_start3A_1481 = arith.constant 0 : i32
        %dma_start3A_1482 = tpu.memref_slice %arg9[%dma_start3A_1480, %dma_start3A_1481] : memref<32x2048xf32, #tpu.memory_space<vmem>> -> memref<32x128xf32, #tpu.memory_space<vmem>>
        %dma_start3A_1483 = arith.constant 0 : i32
        %dma_start3A_1484 = tpu.memref_slice %arg4[%dma_start3A_1483, %multiple_of3A_1469] : memref<32x1000000xf32, #tpu.memory_space<hbm>> -> memref<32x128xf32, #tpu.memory_space<hbm>>
        tpu.enqueue_dma source(%dma_start3A_1484 : memref<32x128xf32, #tpu.memory_space<hbm>>) target(%dma_start3A_1482 : memref<32x128xf32, #tpu.memory_space<vmem>>) target_semaphore(%arg11 : memref<!tpu.dma_semaphore, #tpu.memory_space<semaphore_mem>>)
        %dma_start3A_1485 = arith.constant 0 : i32
        %dma_start3A_1486 = arith.constant 128 : i32
        %dma_start3A_1487 = tpu.memref_slice %arg9[%dma_start3A_1485, %dma_start3A_1486] : memref<32x2048xf32, #tpu.memory_space<vmem>> -> memref<32x128xf32, #tpu.memory_space<vmem>>
        %dma_start3A_1488 = arith.constant 0 : i32
        %dma_start3A_1489 = tpu.memref_slice %arg5[%dma_start3A_1488, %multiple_of3A_1474] : memref<32x1000000xf32, #tpu.memory_space<hbm>> -> memref<32x128xf32, #tpu.memory_space<hbm>>
        %dma_start3A_1490 = arith.constant 0 : i32
        %dma_start3A_1491 = arith.constant 128 : i32
        %dma_start3A_1492 = tpu.memref_slice %arg9[%dma_start3A_1490, %dma_start3A_1491] : memref<32x2048xf32, #tpu.memory_space<vmem>> -> memref<32x128xf32, #tpu.memory_space<vmem>>
        %dma_start3A_1493 = arith.constant 0 : i32
        %dma_start3A_1494 = tpu.memref_slice %arg5[%dma_start3A_1493, %multiple_of3A_1474] : memref<32x1000000xf32, #tpu.memory_space<hbm>> -> memref<32x128xf32, #tpu.memory_space<hbm>>
        tpu.enqueue_dma source(%dma_start3A_1494 : memref<32x128xf32, #tpu.memory_space<hbm>>) target(%dma_start3A_1492 : memref<32x128xf32, #tpu.memory_space<vmem>>) target_semaphore(%arg11 : memref<!tpu.dma_semaphore, #tpu.memory_space<semaphore_mem>>)
      } else {
      }
      %dma_wait3A_946 = arith.constant 0 : i32
      %dma_wait3A_947 = arith.constant 256 : i32
      %dma_wait3A_948 = tpu.memref_slice %arg9[%dma_wait3A_946, %dma_wait3A_947] : memref<32x2048xf32, #tpu.memory_space<vmem>> -> memref<32x128xf32, #tpu.memory_space<vmem>>
      %dma_wait3A_949 = arith.constant 0 : i32
      %dma_wait3A_950 = arith.constant 0 : i32
      %dma_wait3A_951 = tpu.memref_slice %arg4[%dma_wait3A_949, %dma_wait3A_950] : memref<32x1000000xf32, #tpu.memory_space<hbm>> -> memref<32x128xf32, #tpu.memory_space<hbm>>
      %dma_wait3A_952 = arith.constant 0 : i32
      %dma_wait3A_953 = arith.constant 256 : i32
      %dma_wait3A_954 = tpu.memref_slice %arg9[%dma_wait3A_952, %dma_wait3A_953] : memref<32x2048xf32, #tpu.memory_space<vmem>> -> memref<32x128xf32, #tpu.memory_space<vmem>>
      %dma_wait3A_955 = arith.constant 0 : i32
      %dma_wait3A_956 = arith.constant 0 : i32
      %dma_wait3A_957 = tpu.memref_slice %arg4[%dma_wait3A_955, %dma_wait3A_956] : memref<32x1000000xf32, #tpu.memory_space<hbm>> -> memref<32x128xf32, #tpu.memory_space<hbm>>
      tpu.wait_dma2 semaphore(%arg12 : memref<!tpu.dma_semaphore, #tpu.memory_space<semaphore_mem>>) src(%dma_wait3A_957 : memref<32x128xf32, #tpu.memory_space<hbm>>) dst(%dma_wait3A_954 : memref<32x128xf32, #tpu.memory_space<vmem>>)
      %dma_wait3A_958 = arith.constant 0 : i32
      %dma_wait3A_959 = arith.constant 256 : i32
      %dma_wait3A_960 = tpu.memref_slice %arg9[%dma_wait3A_958, %dma_wait3A_959] : memref<32x2048xf32, #tpu.memory_space<vmem>> -> memref<32x128xf32, #tpu.memory_space<vmem>>
      %dma_wait3A_961 = arith.constant 0 : i32
      %dma_wait3A_962 = arith.constant 0 : i32
      %dma_wait3A_963 = tpu.memref_slice %arg4[%dma_wait3A_961, %dma_wait3A_962] : memref<32x1000000xf32, #tpu.memory_space<hbm>> -> memref<32x128xf32, #tpu.memory_space<hbm>>
      %dma_wait3A_964 = arith.constant 0 : i32
      %dma_wait3A_965 = arith.constant 256 : i32
      %dma_wait3A_966 = tpu.memref_slice %arg9[%dma_wait3A_964, %dma_wait3A_965] : memref<32x2048xf32, #tpu.memory_space<vmem>> -> memref<32x128xf32, #tpu.memory_space<vmem>>
      %dma_wait3A_967 = arith.constant 0 : i32
      %dma_wait3A_968 = arith.constant 0 : i32
      %dma_wait3A_969 = tpu.memref_slice %arg4[%dma_wait3A_967, %dma_wait3A_968] : memref<32x1000000xf32, #tpu.memory_space<hbm>> -> memref<32x128xf32, #tpu.memory_space<hbm>>
      tpu.wait_dma2 semaphore(%arg12 : memref<!tpu.dma_semaphore, #tpu.memory_space<semaphore_mem>>) src(%dma_wait3A_969 : memref<32x128xf32, #tpu.memory_space<hbm>>) dst(%dma_wait3A_966 : memref<32x128xf32, #tpu.memory_space<vmem>>)
      %broadcast_in_dim3A_970 = arith.constant 256 : i32
      %broadcast_in_dim3A_971 = vector.broadcast %broadcast_in_dim3A_970 : i32 to vector<16xi32>
      %slice3A_972 = vector.extract_strided_slice %get3A_283 {offsets = [9], sizes = [1], strides = [1]} : vector<16xi32> to vector<1xi32>
      %squeeze3A_973 = vector.extract %slice3A_972[0] : i32 from vector<1xi32>
      %and3A_974 = arith.constant 127 : i32
      %and3A_975 = arith.andi %squeeze3A_973, %and3A_974 : i32
      %add3A_976 = vector.broadcast %and3A_975 : i32 to vector<16xi32>
      %add3A_977 = arith.addi %broadcast_in_dim3A_971, %add3A_976 : vector<16xi32>
      %broadcast_in_dim3A_978 = arith.constant 384 : i32
      %broadcast_in_dim3A_979 = vector.broadcast %broadcast_in_dim3A_978 : i32 to vector<16xi32>
      %slice3A_980 = vector.extract_strided_slice %get3A_287 {offsets = [9], sizes = [1], strides = [1]} : vector<16xi32> to vector<1xi32>
      %squeeze3A_981 = vector.extract %slice3A_980[0] : i32 from vector<1xi32>
      %and3A_982 = arith.constant 127 : i32
      %and3A_983 = arith.andi %squeeze3A_981, %and3A_982 : i32
      %add3A_984 = vector.broadcast %and3A_983 : i32 to vector<16xi32>
      %add3A_985 = arith.addi %broadcast_in_dim3A_979, %add3A_984 : vector<16xi32>
      %gather3A_986 = tpu.vector_load_idx %arg9[%iota3A, %add3A_977] : memref<32x2048xf32, #tpu.memory_space<vmem>>[vector<16xi32>, vector<16xi32>], vector<16xf32>,
      %add3A_987 = arith.constant 16 : i32
      %add3A_988 = vector.broadcast %add3A_987 : i32 to vector<16xi32>
      %add3A_989 = arith.addi %iota3A, %add3A_988 : vector<16xi32>
      %gather3A_990 = tpu.vector_load_idx %arg9[%add3A_989, %add3A_977] : memref<32x2048xf32, #tpu.memory_space<vmem>>[vector<16xi32>, vector<16xi32>], vector<16xf32>,
      %gather3A_991 = tpu.vector_load_idx %arg9[%iota3A, %add3A_985] : memref<32x2048xf32, #tpu.memory_space<vmem>>[vector<16xi32>, vector<16xi32>], vector<16xf32>,
      %add3A_992 = arith.constant 16 : i32
      %add3A_993 = vector.broadcast %add3A_992 : i32 to vector<16xi32>
      %add3A_994 = arith.addi %iota3A, %add3A_993 : vector<16xi32>
      %gather3A_995 = tpu.vector_load_idx %arg9[%add3A_994, %add3A_985] : memref<32x2048xf32, #tpu.memory_space<vmem>>[vector<16xi32>, vector<16xi32>], vector<16xf32>,
      %mul3A_996 = arith.mulf %gather3A_986, %gather3A_991 : vector<16xf32>
      %mul3A_997 = arith.mulf %gather3A_990, %gather3A_995 : vector<16xf32>
      %add3A_998 = arith.addf %mul3A_996, %mul3A_997 : vector<16xf32>
      %reduce_sum3A_999 = arith.constant true
      %reduce_sum3A_1000 = vector.broadcast %reduce_sum3A_999 : i1 to vector<16xi1>
      %reduce_sum3A_1001 = tpu.scan <sum>, %add3A_998 masked %reduce_sum3A_1000 : vector<16xf32>, vector<16xi1> -> vector<16xf32>
      %reduce_sum3A_1002 = vector.extract %reduce_sum3A_1001[15] : f32 from vector<16xf32>
      %eq3A_1003 = arith.constant 9 : i32
      %eq3A_1004 = vector.broadcast %eq3A_1003 : i32 to vector<16xi32>
      %eq3A_1005 = arith.cmpi eq, %iota3A, %eq3A_1004 : vector<16xi32>
      %broadcast_in_dim3A_1006 = vector.broadcast %reduce_sum3A_1002 : f32 to vector<16xf32>
      %select_n3A_1007 = arith.select %eq3A_1005, %broadcast_in_dim3A_1006, %select_n3A_934 : vector<16xi1>, vector<16xf32>
      %add3A_1008 = arith.constant 1 : i32
      %add3A_1009 = arith.addi %scan3A_278, %add3A_1008 : i32
      %mul3A_1010 = arith.constant 16 : i32
      %mul3A_1011 = arith.muli %add3A_1009, %mul3A_1010 : i32
      %add3A_1012 = arith.constant 1 : i32
      %add3A_1013 = arith.addi %mul3A_1011, %add3A_1012 : i32
      %lt3A_1014 = arith.constant 512 : i32
      %lt3A_1015 = arith.cmpi slt, %add3A_1013, %lt3A_1014 : i32
      %convert_element_type3A_1016 = arith.extui %lt3A_1015 : i1 to i32
      %cond3A_1017 = arith.constant 0 : i32
      %cond3A_1018 = arith.cmpi ne, %convert_element_type3A_1016, %cond3A_1017 : i32
      scf.if %cond3A_1018 {
        %slice3A_1461 = vector.extract_strided_slice %get3A_294 {offsets = [1], sizes = [1], strides = [1]} : vector<16xi32> to vector<1xi32>
        %squeeze3A_1462 = vector.extract %slice3A_1461[0] : i32 from vector<1xi32>
        %slice3A_1463 = vector.extract_strided_slice %get3A_296 {offsets = [1], sizes = [1], strides = [1]} : vector<16xi32> to vector<1xi32>
        %squeeze3A_1464 = vector.extract %slice3A_1463[0] : i32 from vector<1xi32>
        %shift_right_arithmetic3A_1465 = arith.constant 7 : i32
        %shift_right_arithmetic3A_1466 = arith.shrsi %squeeze3A_1462, %shift_right_arithmetic3A_1465 : i32
        %shift_left3A_1467 = arith.constant 7 : i32
        %shift_left3A_1468 = arith.shli %shift_right_arithmetic3A_1466, %shift_left3A_1467 : i32
        %multiple_of3A_1469 = tpu.assume_multiple %shift_left3A_1468, 128 : i32
        %shift_right_arithmetic3A_1470 = arith.constant 7 : i32
        %shift_right_arithmetic3A_1471 = arith.shrsi %squeeze3A_1464, %shift_right_arithmetic3A_1470 : i32
        %shift_left3A_1472 = arith.constant 7 : i32
        %shift_left3A_1473 = arith.shli %shift_right_arithmetic3A_1471, %shift_left3A_1472 : i32
        %multiple_of3A_1474 = tpu.assume_multiple %shift_left3A_1473, 128 : i32
        %dma_start3A_1475 = arith.constant 0 : i32
        %dma_start3A_1476 = arith.constant 256 : i32
        %dma_start3A_1477 = tpu.memref_slice %arg9[%dma_start3A_1475, %dma_start3A_1476] : memref<32x2048xf32, #tpu.memory_space<vmem>> -> memref<32x128xf32, #tpu.memory_space<vmem>>
        %dma_start3A_1478 = arith.constant 0 : i32
        %dma_start3A_1479 = tpu.memref_slice %arg4[%dma_start3A_1478, %multiple_of3A_1469] : memref<32x1000000xf32, #tpu.memory_space<hbm>> -> memref<32x128xf32, #tpu.memory_space<hbm>>
        %dma_start3A_1480 = arith.constant 0 : i32
        %dma_start3A_1481 = arith.constant 256 : i32
        %dma_start3A_1482 = tpu.memref_slice %arg9[%dma_start3A_1480, %dma_start3A_1481] : memref<32x2048xf32, #tpu.memory_space<vmem>> -> memref<32x128xf32, #tpu.memory_space<vmem>>
        %dma_start3A_1483 = arith.constant 0 : i32
        %dma_start3A_1484 = tpu.memref_slice %arg4[%dma_start3A_1483, %multiple_of3A_1469] : memref<32x1000000xf32, #tpu.memory_space<hbm>> -> memref<32x128xf32, #tpu.memory_space<hbm>>
        tpu.enqueue_dma source(%dma_start3A_1484 : memref<32x128xf32, #tpu.memory_space<hbm>>) target(%dma_start3A_1482 : memref<32x128xf32, #tpu.memory_space<vmem>>) target_semaphore(%arg12 : memref<!tpu.dma_semaphore, #tpu.memory_space<semaphore_mem>>)
        %dma_start3A_1485 = arith.constant 0 : i32
        %dma_start3A_1486 = arith.constant 384 : i32
        %dma_start3A_1487 = tpu.memref_slice %arg9[%dma_start3A_1485, %dma_start3A_1486] : memref<32x2048xf32, #tpu.memory_space<vmem>> -> memref<32x128xf32, #tpu.memory_space<vmem>>
        %dma_start3A_1488 = arith.constant 0 : i32
        %dma_start3A_1489 = tpu.memref_slice %arg5[%dma_start3A_1488, %multiple_of3A_1474] : memref<32x1000000xf32, #tpu.memory_space<hbm>> -> memref<32x128xf32, #tpu.memory_space<hbm>>
        %dma_start3A_1490 = arith.constant 0 : i32
        %dma_start3A_1491 = arith.constant 384 : i32
        %dma_start3A_1492 = tpu.memref_slice %arg9[%dma_start3A_1490, %dma_start3A_1491] : memref<32x2048xf32, #tpu.memory_space<vmem>> -> memref<32x128xf32, #tpu.memory_space<vmem>>
        %dma_start3A_1493 = arith.constant 0 : i32
        %dma_start3A_1494 = tpu.memref_slice %arg5[%dma_start3A_1493, %multiple_of3A_1474] : memref<32x1000000xf32, #tpu.memory_space<hbm>> -> memref<32x128xf32, #tpu.memory_space<hbm>>
        tpu.enqueue_dma source(%dma_start3A_1494 : memref<32x128xf32, #tpu.memory_space<hbm>>) target(%dma_start3A_1492 : memref<32x128xf32, #tpu.memory_space<vmem>>) target_semaphore(%arg12 : memref<!tpu.dma_semaphore, #tpu.memory_space<semaphore_mem>>)
      } else {
      }
      %dma_wait3A_1019 = arith.constant 0 : i32
      %dma_wait3A_1020 = arith.constant 512 : i32
      %dma_wait3A_1021 = tpu.memref_slice %arg9[%dma_wait3A_1019, %dma_wait3A_1020] : memref<32x2048xf32, #tpu.memory_space<vmem>> -> memref<32x128xf32, #tpu.memory_space<vmem>>
      %dma_wait3A_1022 = arith.constant 0 : i32
      %dma_wait3A_1023 = arith.constant 0 : i32
      %dma_wait3A_1024 = tpu.memref_slice %arg4[%dma_wait3A_1022, %dma_wait3A_1023] : memref<32x1000000xf32, #tpu.memory_space<hbm>> -> memref<32x128xf32, #tpu.memory_space<hbm>>
      %dma_wait3A_1025 = arith.constant 0 : i32
      %dma_wait3A_1026 = arith.constant 512 : i32
      %dma_wait3A_1027 = tpu.memref_slice %arg9[%dma_wait3A_1025, %dma_wait3A_1026] : memref<32x2048xf32, #tpu.memory_space<vmem>> -> memref<32x128xf32, #tpu.memory_space<vmem>>
      %dma_wait3A_1028 = arith.constant 0 : i32
      %dma_wait3A_1029 = arith.constant 0 : i32
      %dma_wait3A_1030 = tpu.memref_slice %arg4[%dma_wait3A_1028, %dma_wait3A_1029] : memref<32x1000000xf32, #tpu.memory_space<hbm>> -> memref<32x128xf32, #tpu.memory_space<hbm>>
      tpu.wait_dma2 semaphore(%arg13 : memref<!tpu.dma_semaphore, #tpu.memory_space<semaphore_mem>>) src(%dma_wait3A_1030 : memref<32x128xf32, #tpu.memory_space<hbm>>) dst(%dma_wait3A_1027 : memref<32x128xf32, #tpu.memory_space<vmem>>)
      %dma_wait3A_1031 = arith.constant 0 : i32
      %dma_wait3A_1032 = arith.constant 512 : i32
      %dma_wait3A_1033 = tpu.memref_slice %arg9[%dma_wait3A_1031, %dma_wait3A_1032] : memref<32x2048xf32, #tpu.memory_space<vmem>> -> memref<32x128xf32, #tpu.memory_space<vmem>>
      %dma_wait3A_1034 = arith.constant 0 : i32
      %dma_wait3A_1035 = arith.constant 0 : i32
      %dma_wait3A_1036 = tpu.memref_slice %arg4[%dma_wait3A_1034, %dma_wait3A_1035] : memref<32x1000000xf32, #tpu.memory_space<hbm>> -> memref<32x128xf32, #tpu.memory_space<hbm>>
      %dma_wait3A_1037 = arith.constant 0 : i32
      %dma_wait3A_1038 = arith.constant 512 : i32
      %dma_wait3A_1039 = tpu.memref_slice %arg9[%dma_wait3A_1037, %dma_wait3A_1038] : memref<32x2048xf32, #tpu.memory_space<vmem>> -> memref<32x128xf32, #tpu.memory_space<vmem>>
      %dma_wait3A_1040 = arith.constant 0 : i32
      %dma_wait3A_1041 = arith.constant 0 : i32
      %dma_wait3A_1042 = tpu.memref_slice %arg4[%dma_wait3A_1040, %dma_wait3A_1041] : memref<32x1000000xf32, #tpu.memory_space<hbm>> -> memref<32x128xf32, #tpu.memory_space<hbm>>
      tpu.wait_dma2 semaphore(%arg13 : memref<!tpu.dma_semaphore, #tpu.memory_space<semaphore_mem>>) src(%dma_wait3A_1042 : memref<32x128xf32, #tpu.memory_space<hbm>>) dst(%dma_wait3A_1039 : memref<32x128xf32, #tpu.memory_space<vmem>>)
      %broadcast_in_dim3A_1043 = arith.constant 512 : i32
      %broadcast_in_dim3A_1044 = vector.broadcast %broadcast_in_dim3A_1043 : i32 to vector<16xi32>
      %slice3A_1045 = vector.extract_strided_slice %get3A_283 {offsets = [10], sizes = [1], strides = [1]} : vector<16xi32> to vector<1xi32>
      %squeeze3A_1046 = vector.extract %slice3A_1045[0] : i32 from vector<1xi32>
      %and3A_1047 = arith.constant 127 : i32
      %and3A_1048 = arith.andi %squeeze3A_1046, %and3A_1047 : i32
      %add3A_1049 = vector.broadcast %and3A_1048 : i32 to vector<16xi32>
      %add3A_1050 = arith.addi %broadcast_in_dim3A_1044, %add3A_1049 : vector<16xi32>
      %broadcast_in_dim3A_1051 = arith.constant 640 : i32
      %broadcast_in_dim3A_1052 = vector.broadcast %broadcast_in_dim3A_1051 : i32 to vector<16xi32>
      %slice3A_1053 = vector.extract_strided_slice %get3A_287 {offsets = [10], sizes = [1], strides = [1]} : vector<16xi32> to vector<1xi32>
      %squeeze3A_1054 = vector.extract %slice3A_1053[0] : i32 from vector<1xi32>
      %and3A_1055 = arith.constant 127 : i32
      %and3A_1056 = arith.andi %squeeze3A_1054, %and3A_1055 : i32
      %add3A_1057 = vector.broadcast %and3A_1056 : i32 to vector<16xi32>
      %add3A_1058 = arith.addi %broadcast_in_dim3A_1052, %add3A_1057 : vector<16xi32>
      %gather3A_1059 = tpu.vector_load_idx %arg9[%iota3A, %add3A_1050] : memref<32x2048xf32, #tpu.memory_space<vmem>>[vector<16xi32>, vector<16xi32>], vector<16xf32>,
      %add3A_1060 = arith.constant 16 : i32
      %add3A_1061 = vector.broadcast %add3A_1060 : i32 to vector<16xi32>
      %add3A_1062 = arith.addi %iota3A, %add3A_1061 : vector<16xi32>
      %gather3A_1063 = tpu.vector_load_idx %arg9[%add3A_1062, %add3A_1050] : memref<32x2048xf32, #tpu.memory_space<vmem>>[vector<16xi32>, vector<16xi32>], vector<16xf32>,
      %gather3A_1064 = tpu.vector_load_idx %arg9[%iota3A, %add3A_1058] : memref<32x2048xf32, #tpu.memory_space<vmem>>[vector<16xi32>, vector<16xi32>], vector<16xf32>,
      %add3A_1065 = arith.constant 16 : i32
      %add3A_1066 = vector.broadcast %add3A_1065 : i32 to vector<16xi32>
      %add3A_1067 = arith.addi %iota3A, %add3A_1066 : vector<16xi32>
      %gather3A_1068 = tpu.vector_load_idx %arg9[%add3A_1067, %add3A_1058] : memref<32x2048xf32, #tpu.memory_space<vmem>>[vector<16xi32>, vector<16xi32>], vector<16xf32>,
      %mul3A_1069 = arith.mulf %gather3A_1059, %gather3A_1064 : vector<16xf32>
      %mul3A_1070 = arith.mulf %gather3A_1063, %gather3A_1068 : vector<16xf32>
      %add3A_1071 = arith.addf %mul3A_1069, %mul3A_1070 : vector<16xf32>
      %reduce_sum3A_1072 = arith.constant true
      %reduce_sum3A_1073 = vector.broadcast %reduce_sum3A_1072 : i1 to vector<16xi1>
      %reduce_sum3A_1074 = tpu.scan <sum>, %add3A_1071 masked %reduce_sum3A_1073 : vector<16xf32>, vector<16xi1> -> vector<16xf32>
      %reduce_sum3A_1075 = vector.extract %reduce_sum3A_1074[15] : f32 from vector<16xf32>
      %eq3A_1076 = arith.constant 10 : i32
      %eq3A_1077 = vector.broadcast %eq3A_1076 : i32 to vector<16xi32>
      %eq3A_1078 = arith.cmpi eq, %iota3A, %eq3A_1077 : vector<16xi32>
      %broadcast_in_dim3A_1079 = vector.broadcast %reduce_sum3A_1075 : f32 to vector<16xf32>
      %select_n3A_1080 = arith.select %eq3A_1078, %broadcast_in_dim3A_1079, %select_n3A_1007 : vector<16xi1>, vector<16xf32>
      %add3A_1081 = arith.constant 1 : i32
      %add3A_1082 = arith.addi %scan3A_278, %add3A_1081 : i32
      %mul3A_1083 = arith.constant 16 : i32
      %mul3A_1084 = arith.muli %add3A_1082, %mul3A_1083 : i32
      %add3A_1085 = arith.constant 2 : i32
      %add3A_1086 = arith.addi %mul3A_1084, %add3A_1085 : i32
      %lt3A_1087 = arith.constant 512 : i32
      %lt3A_1088 = arith.cmpi slt, %add3A_1086, %lt3A_1087 : i32
      %convert_element_type3A_1089 = arith.extui %lt3A_1088 : i1 to i32
      %cond3A_1090 = arith.constant 0 : i32
      %cond3A_1091 = arith.cmpi ne, %convert_element_type3A_1089, %cond3A_1090 : i32
      scf.if %cond3A_1091 {
        %slice3A_1461 = vector.extract_strided_slice %get3A_294 {offsets = [2], sizes = [1], strides = [1]} : vector<16xi32> to vector<1xi32>
        %squeeze3A_1462 = vector.extract %slice3A_1461[0] : i32 from vector<1xi32>
        %slice3A_1463 = vector.extract_strided_slice %get3A_296 {offsets = [2], sizes = [1], strides = [1]} : vector<16xi32> to vector<1xi32>
        %squeeze3A_1464 = vector.extract %slice3A_1463[0] : i32 from vector<1xi32>
        %shift_right_arithmetic3A_1465 = arith.constant 7 : i32
        %shift_right_arithmetic3A_1466 = arith.shrsi %squeeze3A_1462, %shift_right_arithmetic3A_1465 : i32
        %shift_left3A_1467 = arith.constant 7 : i32
        %shift_left3A_1468 = arith.shli %shift_right_arithmetic3A_1466, %shift_left3A_1467 : i32
        %multiple_of3A_1469 = tpu.assume_multiple %shift_left3A_1468, 128 : i32
        %shift_right_arithmetic3A_1470 = arith.constant 7 : i32
        %shift_right_arithmetic3A_1471 = arith.shrsi %squeeze3A_1464, %shift_right_arithmetic3A_1470 : i32
        %shift_left3A_1472 = arith.constant 7 : i32
        %shift_left3A_1473 = arith.shli %shift_right_arithmetic3A_1471, %shift_left3A_1472 : i32
        %multiple_of3A_1474 = tpu.assume_multiple %shift_left3A_1473, 128 : i32
        %dma_start3A_1475 = arith.constant 0 : i32
        %dma_start3A_1476 = arith.constant 512 : i32
        %dma_start3A_1477 = tpu.memref_slice %arg9[%dma_start3A_1475, %dma_start3A_1476] : memref<32x2048xf32, #tpu.memory_space<vmem>> -> memref<32x128xf32, #tpu.memory_space<vmem>>
        %dma_start3A_1478 = arith.constant 0 : i32
        %dma_start3A_1479 = tpu.memref_slice %arg4[%dma_start3A_1478, %multiple_of3A_1469] : memref<32x1000000xf32, #tpu.memory_space<hbm>> -> memref<32x128xf32, #tpu.memory_space<hbm>>
        %dma_start3A_1480 = arith.constant 0 : i32
        %dma_start3A_1481 = arith.constant 512 : i32
        %dma_start3A_1482 = tpu.memref_slice %arg9[%dma_start3A_1480, %dma_start3A_1481] : memref<32x2048xf32, #tpu.memory_space<vmem>> -> memref<32x128xf32, #tpu.memory_space<vmem>>
        %dma_start3A_1483 = arith.constant 0 : i32
        %dma_start3A_1484 = tpu.memref_slice %arg4[%dma_start3A_1483, %multiple_of3A_1469] : memref<32x1000000xf32, #tpu.memory_space<hbm>> -> memref<32x128xf32, #tpu.memory_space<hbm>>
        tpu.enqueue_dma source(%dma_start3A_1484 : memref<32x128xf32, #tpu.memory_space<hbm>>) target(%dma_start3A_1482 : memref<32x128xf32, #tpu.memory_space<vmem>>) target_semaphore(%arg13 : memref<!tpu.dma_semaphore, #tpu.memory_space<semaphore_mem>>)
        %dma_start3A_1485 = arith.constant 0 : i32
        %dma_start3A_1486 = arith.constant 640 : i32
        %dma_start3A_1487 = tpu.memref_slice %arg9[%dma_start3A_1485, %dma_start3A_1486] : memref<32x2048xf32, #tpu.memory_space<vmem>> -> memref<32x128xf32, #tpu.memory_space<vmem>>
        %dma_start3A_1488 = arith.constant 0 : i32
        %dma_start3A_1489 = tpu.memref_slice %arg5[%dma_start3A_1488, %multiple_of3A_1474] : memref<32x1000000xf32, #tpu.memory_space<hbm>> -> memref<32x128xf32, #tpu.memory_space<hbm>>
        %dma_start3A_1490 = arith.constant 0 : i32
        %dma_start3A_1491 = arith.constant 640 : i32
        %dma_start3A_1492 = tpu.memref_slice %arg9[%dma_start3A_1490, %dma_start3A_1491] : memref<32x2048xf32, #tpu.memory_space<vmem>> -> memref<32x128xf32, #tpu.memory_space<vmem>>
        %dma_start3A_1493 = arith.constant 0 : i32
        %dma_start3A_1494 = tpu.memref_slice %arg5[%dma_start3A_1493, %multiple_of3A_1474] : memref<32x1000000xf32, #tpu.memory_space<hbm>> -> memref<32x128xf32, #tpu.memory_space<hbm>>
        tpu.enqueue_dma source(%dma_start3A_1494 : memref<32x128xf32, #tpu.memory_space<hbm>>) target(%dma_start3A_1492 : memref<32x128xf32, #tpu.memory_space<vmem>>) target_semaphore(%arg13 : memref<!tpu.dma_semaphore, #tpu.memory_space<semaphore_mem>>)
      } else {
      }
      %dma_wait3A_1092 = arith.constant 0 : i32
      %dma_wait3A_1093 = arith.constant 768 : i32
      %dma_wait3A_1094 = tpu.memref_slice %arg9[%dma_wait3A_1092, %dma_wait3A_1093] : memref<32x2048xf32, #tpu.memory_space<vmem>> -> memref<32x128xf32, #tpu.memory_space<vmem>>
      %dma_wait3A_1095 = arith.constant 0 : i32
      %dma_wait3A_1096 = arith.constant 0 : i32
      %dma_wait3A_1097 = tpu.memref_slice %arg4[%dma_wait3A_1095, %dma_wait3A_1096] : memref<32x1000000xf32, #tpu.memory_space<hbm>> -> memref<32x128xf32, #tpu.memory_space<hbm>>
      %dma_wait3A_1098 = arith.constant 0 : i32
      %dma_wait3A_1099 = arith.constant 768 : i32
      %dma_wait3A_1100 = tpu.memref_slice %arg9[%dma_wait3A_1098, %dma_wait3A_1099] : memref<32x2048xf32, #tpu.memory_space<vmem>> -> memref<32x128xf32, #tpu.memory_space<vmem>>
      %dma_wait3A_1101 = arith.constant 0 : i32
      %dma_wait3A_1102 = arith.constant 0 : i32
      %dma_wait3A_1103 = tpu.memref_slice %arg4[%dma_wait3A_1101, %dma_wait3A_1102] : memref<32x1000000xf32, #tpu.memory_space<hbm>> -> memref<32x128xf32, #tpu.memory_space<hbm>>
      tpu.wait_dma2 semaphore(%arg14 : memref<!tpu.dma_semaphore, #tpu.memory_space<semaphore_mem>>) src(%dma_wait3A_1103 : memref<32x128xf32, #tpu.memory_space<hbm>>) dst(%dma_wait3A_1100 : memref<32x128xf32, #tpu.memory_space<vmem>>)
      %dma_wait3A_1104 = arith.constant 0 : i32
      %dma_wait3A_1105 = arith.constant 768 : i32
      %dma_wait3A_1106 = tpu.memref_slice %arg9[%dma_wait3A_1104, %dma_wait3A_1105] : memref<32x2048xf32, #tpu.memory_space<vmem>> -> memref<32x128xf32, #tpu.memory_space<vmem>>
      %dma_wait3A_1107 = arith.constant 0 : i32
      %dma_wait3A_1108 = arith.constant 0 : i32
      %dma_wait3A_1109 = tpu.memref_slice %arg4[%dma_wait3A_1107, %dma_wait3A_1108] : memref<32x1000000xf32, #tpu.memory_space<hbm>> -> memref<32x128xf32, #tpu.memory_space<hbm>>
      %dma_wait3A_1110 = arith.constant 0 : i32
      %dma_wait3A_1111 = arith.constant 768 : i32
      %dma_wait3A_1112 = tpu.memref_slice %arg9[%dma_wait3A_1110, %dma_wait3A_1111] : memref<32x2048xf32, #tpu.memory_space<vmem>> -> memref<32x128xf32, #tpu.memory_space<vmem>>
      %dma_wait3A_1113 = arith.constant 0 : i32
      %dma_wait3A_1114 = arith.constant 0 : i32
      %dma_wait3A_1115 = tpu.memref_slice %arg4[%dma_wait3A_1113, %dma_wait3A_1114] : memref<32x1000000xf32, #tpu.memory_space<hbm>> -> memref<32x128xf32, #tpu.memory_space<hbm>>
      tpu.wait_dma2 semaphore(%arg14 : memref<!tpu.dma_semaphore, #tpu.memory_space<semaphore_mem>>) src(%dma_wait3A_1115 : memref<32x128xf32, #tpu.memory_space<hbm>>) dst(%dma_wait3A_1112 : memref<32x128xf32, #tpu.memory_space<vmem>>)
      %broadcast_in_dim3A_1116 = arith.constant 768 : i32
      %broadcast_in_dim3A_1117 = vector.broadcast %broadcast_in_dim3A_1116 : i32 to vector<16xi32>
      %slice3A_1118 = vector.extract_strided_slice %get3A_283 {offsets = [11], sizes = [1], strides = [1]} : vector<16xi32> to vector<1xi32>
      %squeeze3A_1119 = vector.extract %slice3A_1118[0] : i32 from vector<1xi32>
      %and3A_1120 = arith.constant 127 : i32
      %and3A_1121 = arith.andi %squeeze3A_1119, %and3A_1120 : i32
      %add3A_1122 = vector.broadcast %and3A_1121 : i32 to vector<16xi32>
      %add3A_1123 = arith.addi %broadcast_in_dim3A_1117, %add3A_1122 : vector<16xi32>
      %broadcast_in_dim3A_1124 = arith.constant 896 : i32
      %broadcast_in_dim3A_1125 = vector.broadcast %broadcast_in_dim3A_1124 : i32 to vector<16xi32>
      %slice3A_1126 = vector.extract_strided_slice %get3A_287 {offsets = [11], sizes = [1], strides = [1]} : vector<16xi32> to vector<1xi32>
      %squeeze3A_1127 = vector.extract %slice3A_1126[0] : i32 from vector<1xi32>
      %and3A_1128 = arith.constant 127 : i32
      %and3A_1129 = arith.andi %squeeze3A_1127, %and3A_1128 : i32
      %add3A_1130 = vector.broadcast %and3A_1129 : i32 to vector<16xi32>
      %add3A_1131 = arith.addi %broadcast_in_dim3A_1125, %add3A_1130 : vector<16xi32>
      %gather3A_1132 = tpu.vector_load_idx %arg9[%iota3A, %add3A_1123] : memref<32x2048xf32, #tpu.memory_space<vmem>>[vector<16xi32>, vector<16xi32>], vector<16xf32>,
      %add3A_1133 = arith.constant 16 : i32
      %add3A_1134 = vector.broadcast %add3A_1133 : i32 to vector<16xi32>
      %add3A_1135 = arith.addi %iota3A, %add3A_1134 : vector<16xi32>
      %gather3A_1136 = tpu.vector_load_idx %arg9[%add3A_1135, %add3A_1123] : memref<32x2048xf32, #tpu.memory_space<vmem>>[vector<16xi32>, vector<16xi32>], vector<16xf32>,
      %gather3A_1137 = tpu.vector_load_idx %arg9[%iota3A, %add3A_1131] : memref<32x2048xf32, #tpu.memory_space<vmem>>[vector<16xi32>, vector<16xi32>], vector<16xf32>,
      %add3A_1138 = arith.constant 16 : i32
      %add3A_1139 = vector.broadcast %add3A_1138 : i32 to vector<16xi32>
      %add3A_1140 = arith.addi %iota3A, %add3A_1139 : vector<16xi32>
      %gather3A_1141 = tpu.vector_load_idx %arg9[%add3A_1140, %add3A_1131] : memref<32x2048xf32, #tpu.memory_space<vmem>>[vector<16xi32>, vector<16xi32>], vector<16xf32>,
      %mul3A_1142 = arith.mulf %gather3A_1132, %gather3A_1137 : vector<16xf32>
      %mul3A_1143 = arith.mulf %gather3A_1136, %gather3A_1141 : vector<16xf32>
      %add3A_1144 = arith.addf %mul3A_1142, %mul3A_1143 : vector<16xf32>
      %reduce_sum3A_1145 = arith.constant true
      %reduce_sum3A_1146 = vector.broadcast %reduce_sum3A_1145 : i1 to vector<16xi1>
      %reduce_sum3A_1147 = tpu.scan <sum>, %add3A_1144 masked %reduce_sum3A_1146 : vector<16xf32>, vector<16xi1> -> vector<16xf32>
      %reduce_sum3A_1148 = vector.extract %reduce_sum3A_1147[15] : f32 from vector<16xf32>
      %eq3A_1149 = arith.constant 11 : i32
      %eq3A_1150 = vector.broadcast %eq3A_1149 : i32 to vector<16xi32>
      %eq3A_1151 = arith.cmpi eq, %iota3A, %eq3A_1150 : vector<16xi32>
      %broadcast_in_dim3A_1152 = vector.broadcast %reduce_sum3A_1148 : f32 to vector<16xf32>
      %select_n3A_1153 = arith.select %eq3A_1151, %broadcast_in_dim3A_1152, %select_n3A_1080 : vector<16xi1>, vector<16xf32>
      %add3A_1154 = arith.constant 1 : i32
      %add3A_1155 = arith.addi %scan3A_278, %add3A_1154 : i32
      %mul3A_1156 = arith.constant 16 : i32
      %mul3A_1157 = arith.muli %add3A_1155, %mul3A_1156 : i32
      %add3A_1158 = arith.constant 3 : i32
      %add3A_1159 = arith.addi %mul3A_1157, %add3A_1158 : i32
      %lt3A_1160 = arith.constant 512 : i32
      %lt3A_1161 = arith.cmpi slt, %add3A_1159, %lt3A_1160 : i32
      %convert_element_type3A_1162 = arith.extui %lt3A_1161 : i1 to i32
      %cond3A_1163 = arith.constant 0 : i32
      %cond3A_1164 = arith.cmpi ne, %convert_element_type3A_1162, %cond3A_1163 : i32
      scf.if %cond3A_1164 {
        %slice3A_1461 = vector.extract_strided_slice %get3A_294 {offsets = [3], sizes = [1], strides = [1]} : vector<16xi32> to vector<1xi32>
        %squeeze3A_1462 = vector.extract %slice3A_1461[0] : i32 from vector<1xi32>
        %slice3A_1463 = vector.extract_strided_slice %get3A_296 {offsets = [3], sizes = [1], strides = [1]} : vector<16xi32> to vector<1xi32>
        %squeeze3A_1464 = vector.extract %slice3A_1463[0] : i32 from vector<1xi32>
        %shift_right_arithmetic3A_1465 = arith.constant 7 : i32
        %shift_right_arithmetic3A_1466 = arith.shrsi %squeeze3A_1462, %shift_right_arithmetic3A_1465 : i32
        %shift_left3A_1467 = arith.constant 7 : i32
        %shift_left3A_1468 = arith.shli %shift_right_arithmetic3A_1466, %shift_left3A_1467 : i32
        %multiple_of3A_1469 = tpu.assume_multiple %shift_left3A_1468, 128 : i32
        %shift_right_arithmetic3A_1470 = arith.constant 7 : i32
        %shift_right_arithmetic3A_1471 = arith.shrsi %squeeze3A_1464, %shift_right_arithmetic3A_1470 : i32
        %shift_left3A_1472 = arith.constant 7 : i32
        %shift_left3A_1473 = arith.shli %shift_right_arithmetic3A_1471, %shift_left3A_1472 : i32
        %multiple_of3A_1474 = tpu.assume_multiple %shift_left3A_1473, 128 : i32
        %dma_start3A_1475 = arith.constant 0 : i32
        %dma_start3A_1476 = arith.constant 768 : i32
        %dma_start3A_1477 = tpu.memref_slice %arg9[%dma_start3A_1475, %dma_start3A_1476] : memref<32x2048xf32, #tpu.memory_space<vmem>> -> memref<32x128xf32, #tpu.memory_space<vmem>>
        %dma_start3A_1478 = arith.constant 0 : i32
        %dma_start3A_1479 = tpu.memref_slice %arg4[%dma_start3A_1478, %multiple_of3A_1469] : memref<32x1000000xf32, #tpu.memory_space<hbm>> -> memref<32x128xf32, #tpu.memory_space<hbm>>
        %dma_start3A_1480 = arith.constant 0 : i32
        %dma_start3A_1481 = arith.constant 768 : i32
        %dma_start3A_1482 = tpu.memref_slice %arg9[%dma_start3A_1480, %dma_start3A_1481] : memref<32x2048xf32, #tpu.memory_space<vmem>> -> memref<32x128xf32, #tpu.memory_space<vmem>>
        %dma_start3A_1483 = arith.constant 0 : i32
        %dma_start3A_1484 = tpu.memref_slice %arg4[%dma_start3A_1483, %multiple_of3A_1469] : memref<32x1000000xf32, #tpu.memory_space<hbm>> -> memref<32x128xf32, #tpu.memory_space<hbm>>
        tpu.enqueue_dma source(%dma_start3A_1484 : memref<32x128xf32, #tpu.memory_space<hbm>>) target(%dma_start3A_1482 : memref<32x128xf32, #tpu.memory_space<vmem>>) target_semaphore(%arg14 : memref<!tpu.dma_semaphore, #tpu.memory_space<semaphore_mem>>)
        %dma_start3A_1485 = arith.constant 0 : i32
        %dma_start3A_1486 = arith.constant 896 : i32
        %dma_start3A_1487 = tpu.memref_slice %arg9[%dma_start3A_1485, %dma_start3A_1486] : memref<32x2048xf32, #tpu.memory_space<vmem>> -> memref<32x128xf32, #tpu.memory_space<vmem>>
        %dma_start3A_1488 = arith.constant 0 : i32
        %dma_start3A_1489 = tpu.memref_slice %arg5[%dma_start3A_1488, %multiple_of3A_1474] : memref<32x1000000xf32, #tpu.memory_space<hbm>> -> memref<32x128xf32, #tpu.memory_space<hbm>>
        %dma_start3A_1490 = arith.constant 0 : i32
        %dma_start3A_1491 = arith.constant 896 : i32
        %dma_start3A_1492 = tpu.memref_slice %arg9[%dma_start3A_1490, %dma_start3A_1491] : memref<32x2048xf32, #tpu.memory_space<vmem>> -> memref<32x128xf32, #tpu.memory_space<vmem>>
        %dma_start3A_1493 = arith.constant 0 : i32
        %dma_start3A_1494 = tpu.memref_slice %arg5[%dma_start3A_1493, %multiple_of3A_1474] : memref<32x1000000xf32, #tpu.memory_space<hbm>> -> memref<32x128xf32, #tpu.memory_space<hbm>>
        tpu.enqueue_dma source(%dma_start3A_1494 : memref<32x128xf32, #tpu.memory_space<hbm>>) target(%dma_start3A_1492 : memref<32x128xf32, #tpu.memory_space<vmem>>) target_semaphore(%arg14 : memref<!tpu.dma_semaphore, #tpu.memory_space<semaphore_mem>>)
      } else {
      }
      %dma_wait3A_1165 = arith.constant 0 : i32
      %dma_wait3A_1166 = arith.constant 1024 : i32
      %dma_wait3A_1167 = tpu.memref_slice %arg9[%dma_wait3A_1165, %dma_wait3A_1166] : memref<32x2048xf32, #tpu.memory_space<vmem>> -> memref<32x128xf32, #tpu.memory_space<vmem>>
      %dma_wait3A_1168 = arith.constant 0 : i32
      %dma_wait3A_1169 = arith.constant 0 : i32
      %dma_wait3A_1170 = tpu.memref_slice %arg4[%dma_wait3A_1168, %dma_wait3A_1169] : memref<32x1000000xf32, #tpu.memory_space<hbm>> -> memref<32x128xf32, #tpu.memory_space<hbm>>
      %dma_wait3A_1171 = arith.constant 0 : i32
      %dma_wait3A_1172 = arith.constant 1024 : i32
      %dma_wait3A_1173 = tpu.memref_slice %arg9[%dma_wait3A_1171, %dma_wait3A_1172] : memref<32x2048xf32, #tpu.memory_space<vmem>> -> memref<32x128xf32, #tpu.memory_space<vmem>>
      %dma_wait3A_1174 = arith.constant 0 : i32
      %dma_wait3A_1175 = arith.constant 0 : i32
      %dma_wait3A_1176 = tpu.memref_slice %arg4[%dma_wait3A_1174, %dma_wait3A_1175] : memref<32x1000000xf32, #tpu.memory_space<hbm>> -> memref<32x128xf32, #tpu.memory_space<hbm>>
      tpu.wait_dma2 semaphore(%arg15 : memref<!tpu.dma_semaphore, #tpu.memory_space<semaphore_mem>>) src(%dma_wait3A_1176 : memref<32x128xf32, #tpu.memory_space<hbm>>) dst(%dma_wait3A_1173 : memref<32x128xf32, #tpu.memory_space<vmem>>)
      %dma_wait3A_1177 = arith.constant 0 : i32
      %dma_wait3A_1178 = arith.constant 1024 : i32
      %dma_wait3A_1179 = tpu.memref_slice %arg9[%dma_wait3A_1177, %dma_wait3A_1178] : memref<32x2048xf32, #tpu.memory_space<vmem>> -> memref<32x128xf32, #tpu.memory_space<vmem>>
      %dma_wait3A_1180 = arith.constant 0 : i32
      %dma_wait3A_1181 = arith.constant 0 : i32
      %dma_wait3A_1182 = tpu.memref_slice %arg4[%dma_wait3A_1180, %dma_wait3A_1181] : memref<32x1000000xf32, #tpu.memory_space<hbm>> -> memref<32x128xf32, #tpu.memory_space<hbm>>
      %dma_wait3A_1183 = arith.constant 0 : i32
      %dma_wait3A_1184 = arith.constant 1024 : i32
      %dma_wait3A_1185 = tpu.memref_slice %arg9[%dma_wait3A_1183, %dma_wait3A_1184] : memref<32x2048xf32, #tpu.memory_space<vmem>> -> memref<32x128xf32, #tpu.memory_space<vmem>>
      %dma_wait3A_1186 = arith.constant 0 : i32
      %dma_wait3A_1187 = arith.constant 0 : i32
      %dma_wait3A_1188 = tpu.memref_slice %arg4[%dma_wait3A_1186, %dma_wait3A_1187] : memref<32x1000000xf32, #tpu.memory_space<hbm>> -> memref<32x128xf32, #tpu.memory_space<hbm>>
      tpu.wait_dma2 semaphore(%arg15 : memref<!tpu.dma_semaphore, #tpu.memory_space<semaphore_mem>>) src(%dma_wait3A_1188 : memref<32x128xf32, #tpu.memory_space<hbm>>) dst(%dma_wait3A_1185 : memref<32x128xf32, #tpu.memory_space<vmem>>)
      %broadcast_in_dim3A_1189 = arith.constant 1024 : i32
      %broadcast_in_dim3A_1190 = vector.broadcast %broadcast_in_dim3A_1189 : i32 to vector<16xi32>
      %slice3A_1191 = vector.extract_strided_slice %get3A_283 {offsets = [12], sizes = [1], strides = [1]} : vector<16xi32> to vector<1xi32>
      %squeeze3A_1192 = vector.extract %slice3A_1191[0] : i32 from vector<1xi32>
      %and3A_1193 = arith.constant 127 : i32
      %and3A_1194 = arith.andi %squeeze3A_1192, %and3A_1193 : i32
      %add3A_1195 = vector.broadcast %and3A_1194 : i32 to vector<16xi32>
      %add3A_1196 = arith.addi %broadcast_in_dim3A_1190, %add3A_1195 : vector<16xi32>
      %broadcast_in_dim3A_1197 = arith.constant 1152 : i32
      %broadcast_in_dim3A_1198 = vector.broadcast %broadcast_in_dim3A_1197 : i32 to vector<16xi32>
      %slice3A_1199 = vector.extract_strided_slice %get3A_287 {offsets = [12], sizes = [1], strides = [1]} : vector<16xi32> to vector<1xi32>
      %squeeze3A_1200 = vector.extract %slice3A_1199[0] : i32 from vector<1xi32>
      %and3A_1201 = arith.constant 127 : i32
      %and3A_1202 = arith.andi %squeeze3A_1200, %and3A_1201 : i32
      %add3A_1203 = vector.broadcast %and3A_1202 : i32 to vector<16xi32>
      %add3A_1204 = arith.addi %broadcast_in_dim3A_1198, %add3A_1203 : vector<16xi32>
      %gather3A_1205 = tpu.vector_load_idx %arg9[%iota3A, %add3A_1196] : memref<32x2048xf32, #tpu.memory_space<vmem>>[vector<16xi32>, vector<16xi32>], vector<16xf32>,
      %add3A_1206 = arith.constant 16 : i32
      %add3A_1207 = vector.broadcast %add3A_1206 : i32 to vector<16xi32>
      %add3A_1208 = arith.addi %iota3A, %add3A_1207 : vector<16xi32>
      %gather3A_1209 = tpu.vector_load_idx %arg9[%add3A_1208, %add3A_1196] : memref<32x2048xf32, #tpu.memory_space<vmem>>[vector<16xi32>, vector<16xi32>], vector<16xf32>,
      %gather3A_1210 = tpu.vector_load_idx %arg9[%iota3A, %add3A_1204] : memref<32x2048xf32, #tpu.memory_space<vmem>>[vector<16xi32>, vector<16xi32>], vector<16xf32>,
      %add3A_1211 = arith.constant 16 : i32
      %add3A_1212 = vector.broadcast %add3A_1211 : i32 to vector<16xi32>
      %add3A_1213 = arith.addi %iota3A, %add3A_1212 : vector<16xi32>
      %gather3A_1214 = tpu.vector_load_idx %arg9[%add3A_1213, %add3A_1204] : memref<32x2048xf32, #tpu.memory_space<vmem>>[vector<16xi32>, vector<16xi32>], vector<16xf32>,
      %mul3A_1215 = arith.mulf %gather3A_1205, %gather3A_1210 : vector<16xf32>
      %mul3A_1216 = arith.mulf %gather3A_1209, %gather3A_1214 : vector<16xf32>
      %add3A_1217 = arith.addf %mul3A_1215, %mul3A_1216 : vector<16xf32>
      %reduce_sum3A_1218 = arith.constant true
      %reduce_sum3A_1219 = vector.broadcast %reduce_sum3A_1218 : i1 to vector<16xi1>
      %reduce_sum3A_1220 = tpu.scan <sum>, %add3A_1217 masked %reduce_sum3A_1219 : vector<16xf32>, vector<16xi1> -> vector<16xf32>
      %reduce_sum3A_1221 = vector.extract %reduce_sum3A_1220[15] : f32 from vector<16xf32>
      %eq3A_1222 = arith.constant 12 : i32
      %eq3A_1223 = vector.broadcast %eq3A_1222 : i32 to vector<16xi32>
      %eq3A_1224 = arith.cmpi eq, %iota3A, %eq3A_1223 : vector<16xi32>
      %broadcast_in_dim3A_1225 = vector.broadcast %reduce_sum3A_1221 : f32 to vector<16xf32>
      %select_n3A_1226 = arith.select %eq3A_1224, %broadcast_in_dim3A_1225, %select_n3A_1153 : vector<16xi1>, vector<16xf32>
      %add3A_1227 = arith.constant 1 : i32
      %add3A_1228 = arith.addi %scan3A_278, %add3A_1227 : i32
      %mul3A_1229 = arith.constant 16 : i32
      %mul3A_1230 = arith.muli %add3A_1228, %mul3A_1229 : i32
      %add3A_1231 = arith.constant 4 : i32
      %add3A_1232 = arith.addi %mul3A_1230, %add3A_1231 : i32
      %lt3A_1233 = arith.constant 512 : i32
      %lt3A_1234 = arith.cmpi slt, %add3A_1232, %lt3A_1233 : i32
      %convert_element_type3A_1235 = arith.extui %lt3A_1234 : i1 to i32
      %cond3A_1236 = arith.constant 0 : i32
      %cond3A_1237 = arith.cmpi ne, %convert_element_type3A_1235, %cond3A_1236 : i32
      scf.if %cond3A_1237 {
        %slice3A_1461 = vector.extract_strided_slice %get3A_294 {offsets = [4], sizes = [1], strides = [1]} : vector<16xi32> to vector<1xi32>
        %squeeze3A_1462 = vector.extract %slice3A_1461[0] : i32 from vector<1xi32>
        %slice3A_1463 = vector.extract_strided_slice %get3A_296 {offsets = [4], sizes = [1], strides = [1]} : vector<16xi32> to vector<1xi32>
        %squeeze3A_1464 = vector.extract %slice3A_1463[0] : i32 from vector<1xi32>
        %shift_right_arithmetic3A_1465 = arith.constant 7 : i32
        %shift_right_arithmetic3A_1466 = arith.shrsi %squeeze3A_1462, %shift_right_arithmetic3A_1465 : i32
        %shift_left3A_1467 = arith.constant 7 : i32
        %shift_left3A_1468 = arith.shli %shift_right_arithmetic3A_1466, %shift_left3A_1467 : i32
        %multiple_of3A_1469 = tpu.assume_multiple %shift_left3A_1468, 128 : i32
        %shift_right_arithmetic3A_1470 = arith.constant 7 : i32
        %shift_right_arithmetic3A_1471 = arith.shrsi %squeeze3A_1464, %shift_right_arithmetic3A_1470 : i32
        %shift_left3A_1472 = arith.constant 7 : i32
        %shift_left3A_1473 = arith.shli %shift_right_arithmetic3A_1471, %shift_left3A_1472 : i32
        %multiple_of3A_1474 = tpu.assume_multiple %shift_left3A_1473, 128 : i32
        %dma_start3A_1475 = arith.constant 0 : i32
        %dma_start3A_1476 = arith.constant 1024 : i32
        %dma_start3A_1477 = tpu.memref_slice %arg9[%dma_start3A_1475, %dma_start3A_1476] : memref<32x2048xf32, #tpu.memory_space<vmem>> -> memref<32x128xf32, #tpu.memory_space<vmem>>
        %dma_start3A_1478 = arith.constant 0 : i32
        %dma_start3A_1479 = tpu.memref_slice %arg4[%dma_start3A_1478, %multiple_of3A_1469] : memref<32x1000000xf32, #tpu.memory_space<hbm>> -> memref<32x128xf32, #tpu.memory_space<hbm>>
        %dma_start3A_1480 = arith.constant 0 : i32
        %dma_start3A_1481 = arith.constant 1024 : i32
        %dma_start3A_1482 = tpu.memref_slice %arg9[%dma_start3A_1480, %dma_start3A_1481] : memref<32x2048xf32, #tpu.memory_space<vmem>> -> memref<32x128xf32, #tpu.memory_space<vmem>>
        %dma_start3A_1483 = arith.constant 0 : i32
        %dma_start3A_1484 = tpu.memref_slice %arg4[%dma_start3A_1483, %multiple_of3A_1469] : memref<32x1000000xf32, #tpu.memory_space<hbm>> -> memref<32x128xf32, #tpu.memory_space<hbm>>
        tpu.enqueue_dma source(%dma_start3A_1484 : memref<32x128xf32, #tpu.memory_space<hbm>>) target(%dma_start3A_1482 : memref<32x128xf32, #tpu.memory_space<vmem>>) target_semaphore(%arg15 : memref<!tpu.dma_semaphore, #tpu.memory_space<semaphore_mem>>)
        %dma_start3A_1485 = arith.constant 0 : i32
        %dma_start3A_1486 = arith.constant 1152 : i32
        %dma_start3A_1487 = tpu.memref_slice %arg9[%dma_start3A_1485, %dma_start3A_1486] : memref<32x2048xf32, #tpu.memory_space<vmem>> -> memref<32x128xf32, #tpu.memory_space<vmem>>
        %dma_start3A_1488 = arith.constant 0 : i32
        %dma_start3A_1489 = tpu.memref_slice %arg5[%dma_start3A_1488, %multiple_of3A_1474] : memref<32x1000000xf32, #tpu.memory_space<hbm>> -> memref<32x128xf32, #tpu.memory_space<hbm>>
        %dma_start3A_1490 = arith.constant 0 : i32
        %dma_start3A_1491 = arith.constant 1152 : i32
        %dma_start3A_1492 = tpu.memref_slice %arg9[%dma_start3A_1490, %dma_start3A_1491] : memref<32x2048xf32, #tpu.memory_space<vmem>> -> memref<32x128xf32, #tpu.memory_space<vmem>>
        %dma_start3A_1493 = arith.constant 0 : i32
        %dma_start3A_1494 = tpu.memref_slice %arg5[%dma_start3A_1493, %multiple_of3A_1474] : memref<32x1000000xf32, #tpu.memory_space<hbm>> -> memref<32x128xf32, #tpu.memory_space<hbm>>
        tpu.enqueue_dma source(%dma_start3A_1494 : memref<32x128xf32, #tpu.memory_space<hbm>>) target(%dma_start3A_1492 : memref<32x128xf32, #tpu.memory_space<vmem>>) target_semaphore(%arg15 : memref<!tpu.dma_semaphore, #tpu.memory_space<semaphore_mem>>)
      } else {
      }
      %dma_wait3A_1238 = arith.constant 0 : i32
      %dma_wait3A_1239 = arith.constant 1280 : i32
      %dma_wait3A_1240 = tpu.memref_slice %arg9[%dma_wait3A_1238, %dma_wait3A_1239] : memref<32x2048xf32, #tpu.memory_space<vmem>> -> memref<32x128xf32, #tpu.memory_space<vmem>>
      %dma_wait3A_1241 = arith.constant 0 : i32
      %dma_wait3A_1242 = arith.constant 0 : i32
      %dma_wait3A_1243 = tpu.memref_slice %arg4[%dma_wait3A_1241, %dma_wait3A_1242] : memref<32x1000000xf32, #tpu.memory_space<hbm>> -> memref<32x128xf32, #tpu.memory_space<hbm>>
      %dma_wait3A_1244 = arith.constant 0 : i32
      %dma_wait3A_1245 = arith.constant 1280 : i32
      %dma_wait3A_1246 = tpu.memref_slice %arg9[%dma_wait3A_1244, %dma_wait3A_1245] : memref<32x2048xf32, #tpu.memory_space<vmem>> -> memref<32x128xf32, #tpu.memory_space<vmem>>
      %dma_wait3A_1247 = arith.constant 0 : i32
      %dma_wait3A_1248 = arith.constant 0 : i32
      %dma_wait3A_1249 = tpu.memref_slice %arg4[%dma_wait3A_1247, %dma_wait3A_1248] : memref<32x1000000xf32, #tpu.memory_space<hbm>> -> memref<32x128xf32, #tpu.memory_space<hbm>>
      tpu.wait_dma2 semaphore(%arg16 : memref<!tpu.dma_semaphore, #tpu.memory_space<semaphore_mem>>) src(%dma_wait3A_1249 : memref<32x128xf32, #tpu.memory_space<hbm>>) dst(%dma_wait3A_1246 : memref<32x128xf32, #tpu.memory_space<vmem>>)
      %dma_wait3A_1250 = arith.constant 0 : i32
      %dma_wait3A_1251 = arith.constant 1280 : i32
      %dma_wait3A_1252 = tpu.memref_slice %arg9[%dma_wait3A_1250, %dma_wait3A_1251] : memref<32x2048xf32, #tpu.memory_space<vmem>> -> memref<32x128xf32, #tpu.memory_space<vmem>>
      %dma_wait3A_1253 = arith.constant 0 : i32
      %dma_wait3A_1254 = arith.constant 0 : i32
      %dma_wait3A_1255 = tpu.memref_slice %arg4[%dma_wait3A_1253, %dma_wait3A_1254] : memref<32x1000000xf32, #tpu.memory_space<hbm>> -> memref<32x128xf32, #tpu.memory_space<hbm>>
      %dma_wait3A_1256 = arith.constant 0 : i32
      %dma_wait3A_1257 = arith.constant 1280 : i32
      %dma_wait3A_1258 = tpu.memref_slice %arg9[%dma_wait3A_1256, %dma_wait3A_1257] : memref<32x2048xf32, #tpu.memory_space<vmem>> -> memref<32x128xf32, #tpu.memory_space<vmem>>
      %dma_wait3A_1259 = arith.constant 0 : i32
      %dma_wait3A_1260 = arith.constant 0 : i32
      %dma_wait3A_1261 = tpu.memref_slice %arg4[%dma_wait3A_1259, %dma_wait3A_1260] : memref<32x1000000xf32, #tpu.memory_space<hbm>> -> memref<32x128xf32, #tpu.memory_space<hbm>>
      tpu.wait_dma2 semaphore(%arg16 : memref<!tpu.dma_semaphore, #tpu.memory_space<semaphore_mem>>) src(%dma_wait3A_1261 : memref<32x128xf32, #tpu.memory_space<hbm>>) dst(%dma_wait3A_1258 : memref<32x128xf32, #tpu.memory_space<vmem>>)
      %broadcast_in_dim3A_1262 = arith.constant 1280 : i32
      %broadcast_in_dim3A_1263 = vector.broadcast %broadcast_in_dim3A_1262 : i32 to vector<16xi32>
      %slice3A_1264 = vector.extract_strided_slice %get3A_283 {offsets = [13], sizes = [1], strides = [1]} : vector<16xi32> to vector<1xi32>
      %squeeze3A_1265 = vector.extract %slice3A_1264[0] : i32 from vector<1xi32>
      %and3A_1266 = arith.constant 127 : i32
      %and3A_1267 = arith.andi %squeeze3A_1265, %and3A_1266 : i32
      %add3A_1268 = vector.broadcast %and3A_1267 : i32 to vector<16xi32>
      %add3A_1269 = arith.addi %broadcast_in_dim3A_1263, %add3A_1268 : vector<16xi32>
      %broadcast_in_dim3A_1270 = arith.constant 1408 : i32
      %broadcast_in_dim3A_1271 = vector.broadcast %broadcast_in_dim3A_1270 : i32 to vector<16xi32>
      %slice3A_1272 = vector.extract_strided_slice %get3A_287 {offsets = [13], sizes = [1], strides = [1]} : vector<16xi32> to vector<1xi32>
      %squeeze3A_1273 = vector.extract %slice3A_1272[0] : i32 from vector<1xi32>
      %and3A_1274 = arith.constant 127 : i32
      %and3A_1275 = arith.andi %squeeze3A_1273, %and3A_1274 : i32
      %add3A_1276 = vector.broadcast %and3A_1275 : i32 to vector<16xi32>
      %add3A_1277 = arith.addi %broadcast_in_dim3A_1271, %add3A_1276 : vector<16xi32>
      %gather3A_1278 = tpu.vector_load_idx %arg9[%iota3A, %add3A_1269] : memref<32x2048xf32, #tpu.memory_space<vmem>>[vector<16xi32>, vector<16xi32>], vector<16xf32>,
      %add3A_1279 = arith.constant 16 : i32
      %add3A_1280 = vector.broadcast %add3A_1279 : i32 to vector<16xi32>
      %add3A_1281 = arith.addi %iota3A, %add3A_1280 : vector<16xi32>
      %gather3A_1282 = tpu.vector_load_idx %arg9[%add3A_1281, %add3A_1269] : memref<32x2048xf32, #tpu.memory_space<vmem>>[vector<16xi32>, vector<16xi32>], vector<16xf32>,
      %gather3A_1283 = tpu.vector_load_idx %arg9[%iota3A, %add3A_1277] : memref<32x2048xf32, #tpu.memory_space<vmem>>[vector<16xi32>, vector<16xi32>], vector<16xf32>,
      %add3A_1284 = arith.constant 16 : i32
      %add3A_1285 = vector.broadcast %add3A_1284 : i32 to vector<16xi32>
      %add3A_1286 = arith.addi %iota3A, %add3A_1285 : vector<16xi32>
      %gather3A_1287 = tpu.vector_load_idx %arg9[%add3A_1286, %add3A_1277] : memref<32x2048xf32, #tpu.memory_space<vmem>>[vector<16xi32>, vector<16xi32>], vector<16xf32>,
      %mul3A_1288 = arith.mulf %gather3A_1278, %gather3A_1283 : vector<16xf32>
      %mul3A_1289 = arith.mulf %gather3A_1282, %gather3A_1287 : vector<16xf32>
      %add3A_1290 = arith.addf %mul3A_1288, %mul3A_1289 : vector<16xf32>
      %reduce_sum3A_1291 = arith.constant true
      %reduce_sum3A_1292 = vector.broadcast %reduce_sum3A_1291 : i1 to vector<16xi1>
      %reduce_sum3A_1293 = tpu.scan <sum>, %add3A_1290 masked %reduce_sum3A_1292 : vector<16xf32>, vector<16xi1> -> vector<16xf32>
      %reduce_sum3A_1294 = vector.extract %reduce_sum3A_1293[15] : f32 from vector<16xf32>
      %eq3A_1295 = arith.constant 13 : i32
      %eq3A_1296 = vector.broadcast %eq3A_1295 : i32 to vector<16xi32>
      %eq3A_1297 = arith.cmpi eq, %iota3A, %eq3A_1296 : vector<16xi32>
      %broadcast_in_dim3A_1298 = vector.broadcast %reduce_sum3A_1294 : f32 to vector<16xf32>
      %select_n3A_1299 = arith.select %eq3A_1297, %broadcast_in_dim3A_1298, %select_n3A_1226 : vector<16xi1>, vector<16xf32>
      %add3A_1300 = arith.constant 1 : i32
      %add3A_1301 = arith.addi %scan3A_278, %add3A_1300 : i32
      %mul3A_1302 = arith.constant 16 : i32
      %mul3A_1303 = arith.muli %add3A_1301, %mul3A_1302 : i32
      %add3A_1304 = arith.constant 5 : i32
      %add3A_1305 = arith.addi %mul3A_1303, %add3A_1304 : i32
      %lt3A_1306 = arith.constant 512 : i32
      %lt3A_1307 = arith.cmpi slt, %add3A_1305, %lt3A_1306 : i32
      %convert_element_type3A_1308 = arith.extui %lt3A_1307 : i1 to i32
      %cond3A_1309 = arith.constant 0 : i32
      %cond3A_1310 = arith.cmpi ne, %convert_element_type3A_1308, %cond3A_1309 : i32
      scf.if %cond3A_1310 {
        %slice3A_1461 = vector.extract_strided_slice %get3A_294 {offsets = [5], sizes = [1], strides = [1]} : vector<16xi32> to vector<1xi32>
        %squeeze3A_1462 = vector.extract %slice3A_1461[0] : i32 from vector<1xi32>
        %slice3A_1463 = vector.extract_strided_slice %get3A_296 {offsets = [5], sizes = [1], strides = [1]} : vector<16xi32> to vector<1xi32>
        %squeeze3A_1464 = vector.extract %slice3A_1463[0] : i32 from vector<1xi32>
        %shift_right_arithmetic3A_1465 = arith.constant 7 : i32
        %shift_right_arithmetic3A_1466 = arith.shrsi %squeeze3A_1462, %shift_right_arithmetic3A_1465 : i32
        %shift_left3A_1467 = arith.constant 7 : i32
        %shift_left3A_1468 = arith.shli %shift_right_arithmetic3A_1466, %shift_left3A_1467 : i32
        %multiple_of3A_1469 = tpu.assume_multiple %shift_left3A_1468, 128 : i32
        %shift_right_arithmetic3A_1470 = arith.constant 7 : i32
        %shift_right_arithmetic3A_1471 = arith.shrsi %squeeze3A_1464, %shift_right_arithmetic3A_1470 : i32
        %shift_left3A_1472 = arith.constant 7 : i32
        %shift_left3A_1473 = arith.shli %shift_right_arithmetic3A_1471, %shift_left3A_1472 : i32
        %multiple_of3A_1474 = tpu.assume_multiple %shift_left3A_1473, 128 : i32
        %dma_start3A_1475 = arith.constant 0 : i32
        %dma_start3A_1476 = arith.constant 1280 : i32
        %dma_start3A_1477 = tpu.memref_slice %arg9[%dma_start3A_1475, %dma_start3A_1476] : memref<32x2048xf32, #tpu.memory_space<vmem>> -> memref<32x128xf32, #tpu.memory_space<vmem>>
        %dma_start3A_1478 = arith.constant 0 : i32
        %dma_start3A_1479 = tpu.memref_slice %arg4[%dma_start3A_1478, %multiple_of3A_1469] : memref<32x1000000xf32, #tpu.memory_space<hbm>> -> memref<32x128xf32, #tpu.memory_space<hbm>>
        %dma_start3A_1480 = arith.constant 0 : i32
        %dma_start3A_1481 = arith.constant 1280 : i32
        %dma_start3A_1482 = tpu.memref_slice %arg9[%dma_start3A_1480, %dma_start3A_1481] : memref<32x2048xf32, #tpu.memory_space<vmem>> -> memref<32x128xf32, #tpu.memory_space<vmem>>
        %dma_start3A_1483 = arith.constant 0 : i32
        %dma_start3A_1484 = tpu.memref_slice %arg4[%dma_start3A_1483, %multiple_of3A_1469] : memref<32x1000000xf32, #tpu.memory_space<hbm>> -> memref<32x128xf32, #tpu.memory_space<hbm>>
        tpu.enqueue_dma source(%dma_start3A_1484 : memref<32x128xf32, #tpu.memory_space<hbm>>) target(%dma_start3A_1482 : memref<32x128xf32, #tpu.memory_space<vmem>>) target_semaphore(%arg16 : memref<!tpu.dma_semaphore, #tpu.memory_space<semaphore_mem>>)
        %dma_start3A_1485 = arith.constant 0 : i32
        %dma_start3A_1486 = arith.constant 1408 : i32
        %dma_start3A_1487 = tpu.memref_slice %arg9[%dma_start3A_1485, %dma_start3A_1486] : memref<32x2048xf32, #tpu.memory_space<vmem>> -> memref<32x128xf32, #tpu.memory_space<vmem>>
        %dma_start3A_1488 = arith.constant 0 : i32
        %dma_start3A_1489 = tpu.memref_slice %arg5[%dma_start3A_1488, %multiple_of3A_1474] : memref<32x1000000xf32, #tpu.memory_space<hbm>> -> memref<32x128xf32, #tpu.memory_space<hbm>>
        %dma_start3A_1490 = arith.constant 0 : i32
        %dma_start3A_1491 = arith.constant 1408 : i32
        %dma_start3A_1492 = tpu.memref_slice %arg9[%dma_start3A_1490, %dma_start3A_1491] : memref<32x2048xf32, #tpu.memory_space<vmem>> -> memref<32x128xf32, #tpu.memory_space<vmem>>
        %dma_start3A_1493 = arith.constant 0 : i32
        %dma_start3A_1494 = tpu.memref_slice %arg5[%dma_start3A_1493, %multiple_of3A_1474] : memref<32x1000000xf32, #tpu.memory_space<hbm>> -> memref<32x128xf32, #tpu.memory_space<hbm>>
        tpu.enqueue_dma source(%dma_start3A_1494 : memref<32x128xf32, #tpu.memory_space<hbm>>) target(%dma_start3A_1492 : memref<32x128xf32, #tpu.memory_space<vmem>>) target_semaphore(%arg16 : memref<!tpu.dma_semaphore, #tpu.memory_space<semaphore_mem>>)
      } else {
      }
      %dma_wait3A_1311 = arith.constant 0 : i32
      %dma_wait3A_1312 = arith.constant 1536 : i32
      %dma_wait3A_1313 = tpu.memref_slice %arg9[%dma_wait3A_1311, %dma_wait3A_1312] : memref<32x2048xf32, #tpu.memory_space<vmem>> -> memref<32x128xf32, #tpu.memory_space<vmem>>
      %dma_wait3A_1314 = arith.constant 0 : i32
      %dma_wait3A_1315 = arith.constant 0 : i32
      %dma_wait3A_1316 = tpu.memref_slice %arg4[%dma_wait3A_1314, %dma_wait3A_1315] : memref<32x1000000xf32, #tpu.memory_space<hbm>> -> memref<32x128xf32, #tpu.memory_space<hbm>>
      %dma_wait3A_1317 = arith.constant 0 : i32
      %dma_wait3A_1318 = arith.constant 1536 : i32
      %dma_wait3A_1319 = tpu.memref_slice %arg9[%dma_wait3A_1317, %dma_wait3A_1318] : memref<32x2048xf32, #tpu.memory_space<vmem>> -> memref<32x128xf32, #tpu.memory_space<vmem>>
      %dma_wait3A_1320 = arith.constant 0 : i32
      %dma_wait3A_1321 = arith.constant 0 : i32
      %dma_wait3A_1322 = tpu.memref_slice %arg4[%dma_wait3A_1320, %dma_wait3A_1321] : memref<32x1000000xf32, #tpu.memory_space<hbm>> -> memref<32x128xf32, #tpu.memory_space<hbm>>
      tpu.wait_dma2 semaphore(%arg17 : memref<!tpu.dma_semaphore, #tpu.memory_space<semaphore_mem>>) src(%dma_wait3A_1322 : memref<32x128xf32, #tpu.memory_space<hbm>>) dst(%dma_wait3A_1319 : memref<32x128xf32, #tpu.memory_space<vmem>>)
      %dma_wait3A_1323 = arith.constant 0 : i32
      %dma_wait3A_1324 = arith.constant 1536 : i32
      %dma_wait3A_1325 = tpu.memref_slice %arg9[%dma_wait3A_1323, %dma_wait3A_1324] : memref<32x2048xf32, #tpu.memory_space<vmem>> -> memref<32x128xf32, #tpu.memory_space<vmem>>
      %dma_wait3A_1326 = arith.constant 0 : i32
      %dma_wait3A_1327 = arith.constant 0 : i32
      %dma_wait3A_1328 = tpu.memref_slice %arg4[%dma_wait3A_1326, %dma_wait3A_1327] : memref<32x1000000xf32, #tpu.memory_space<hbm>> -> memref<32x128xf32, #tpu.memory_space<hbm>>
      %dma_wait3A_1329 = arith.constant 0 : i32
      %dma_wait3A_1330 = arith.constant 1536 : i32
      %dma_wait3A_1331 = tpu.memref_slice %arg9[%dma_wait3A_1329, %dma_wait3A_1330] : memref<32x2048xf32, #tpu.memory_space<vmem>> -> memref<32x128xf32, #tpu.memory_space<vmem>>
      %dma_wait3A_1332 = arith.constant 0 : i32
      %dma_wait3A_1333 = arith.constant 0 : i32
      %dma_wait3A_1334 = tpu.memref_slice %arg4[%dma_wait3A_1332, %dma_wait3A_1333] : memref<32x1000000xf32, #tpu.memory_space<hbm>> -> memref<32x128xf32, #tpu.memory_space<hbm>>
      tpu.wait_dma2 semaphore(%arg17 : memref<!tpu.dma_semaphore, #tpu.memory_space<semaphore_mem>>) src(%dma_wait3A_1334 : memref<32x128xf32, #tpu.memory_space<hbm>>) dst(%dma_wait3A_1331 : memref<32x128xf32, #tpu.memory_space<vmem>>)
      %broadcast_in_dim3A_1335 = arith.constant 1536 : i32
      %broadcast_in_dim3A_1336 = vector.broadcast %broadcast_in_dim3A_1335 : i32 to vector<16xi32>
      %slice3A_1337 = vector.extract_strided_slice %get3A_283 {offsets = [14], sizes = [1], strides = [1]} : vector<16xi32> to vector<1xi32>
      %squeeze3A_1338 = vector.extract %slice3A_1337[0] : i32 from vector<1xi32>
      %and3A_1339 = arith.constant 127 : i32
      %and3A_1340 = arith.andi %squeeze3A_1338, %and3A_1339 : i32
      %add3A_1341 = vector.broadcast %and3A_1340 : i32 to vector<16xi32>
      %add3A_1342 = arith.addi %broadcast_in_dim3A_1336, %add3A_1341 : vector<16xi32>
      %broadcast_in_dim3A_1343 = arith.constant 1664 : i32
      %broadcast_in_dim3A_1344 = vector.broadcast %broadcast_in_dim3A_1343 : i32 to vector<16xi32>
      %slice3A_1345 = vector.extract_strided_slice %get3A_287 {offsets = [14], sizes = [1], strides = [1]} : vector<16xi32> to vector<1xi32>
      %squeeze3A_1346 = vector.extract %slice3A_1345[0] : i32 from vector<1xi32>
      %and3A_1347 = arith.constant 127 : i32
      %and3A_1348 = arith.andi %squeeze3A_1346, %and3A_1347 : i32
      %add3A_1349 = vector.broadcast %and3A_1348 : i32 to vector<16xi32>
      %add3A_1350 = arith.addi %broadcast_in_dim3A_1344, %add3A_1349 : vector<16xi32>
      %gather3A_1351 = tpu.vector_load_idx %arg9[%iota3A, %add3A_1342] : memref<32x2048xf32, #tpu.memory_space<vmem>>[vector<16xi32>, vector<16xi32>], vector<16xf32>,
      %add3A_1352 = arith.constant 16 : i32
      %add3A_1353 = vector.broadcast %add3A_1352 : i32 to vector<16xi32>
      %add3A_1354 = arith.addi %iota3A, %add3A_1353 : vector<16xi32>
      %gather3A_1355 = tpu.vector_load_idx %arg9[%add3A_1354, %add3A_1342] : memref<32x2048xf32, #tpu.memory_space<vmem>>[vector<16xi32>, vector<16xi32>], vector<16xf32>,
      %gather3A_1356 = tpu.vector_load_idx %arg9[%iota3A, %add3A_1350] : memref<32x2048xf32, #tpu.memory_space<vmem>>[vector<16xi32>, vector<16xi32>], vector<16xf32>,
      %add3A_1357 = arith.constant 16 : i32
      %add3A_1358 = vector.broadcast %add3A_1357 : i32 to vector<16xi32>
      %add3A_1359 = arith.addi %iota3A, %add3A_1358 : vector<16xi32>
      %gather3A_1360 = tpu.vector_load_idx %arg9[%add3A_1359, %add3A_1350] : memref<32x2048xf32, #tpu.memory_space<vmem>>[vector<16xi32>, vector<16xi32>], vector<16xf32>,
      %mul3A_1361 = arith.mulf %gather3A_1351, %gather3A_1356 : vector<16xf32>
      %mul3A_1362 = arith.mulf %gather3A_1355, %gather3A_1360 : vector<16xf32>
      %add3A_1363 = arith.addf %mul3A_1361, %mul3A_1362 : vector<16xf32>
      %reduce_sum3A_1364 = arith.constant true
      %reduce_sum3A_1365 = vector.broadcast %reduce_sum3A_1364 : i1 to vector<16xi1>
      %reduce_sum3A_1366 = tpu.scan <sum>, %add3A_1363 masked %reduce_sum3A_1365 : vector<16xf32>, vector<16xi1> -> vector<16xf32>
      %reduce_sum3A_1367 = vector.extract %reduce_sum3A_1366[15] : f32 from vector<16xf32>
      %eq3A_1368 = arith.constant 14 : i32
      %eq3A_1369 = vector.broadcast %eq3A_1368 : i32 to vector<16xi32>
      %eq3A_1370 = arith.cmpi eq, %iota3A, %eq3A_1369 : vector<16xi32>
      %broadcast_in_dim3A_1371 = vector.broadcast %reduce_sum3A_1367 : f32 to vector<16xf32>
      %select_n3A_1372 = arith.select %eq3A_1370, %broadcast_in_dim3A_1371, %select_n3A_1299 : vector<16xi1>, vector<16xf32>
      %add3A_1373 = arith.constant 1 : i32
      %add3A_1374 = arith.addi %scan3A_278, %add3A_1373 : i32
      %mul3A_1375 = arith.constant 16 : i32
      %mul3A_1376 = arith.muli %add3A_1374, %mul3A_1375 : i32
      %add3A_1377 = arith.constant 6 : i32
      %add3A_1378 = arith.addi %mul3A_1376, %add3A_1377 : i32
      %lt3A_1379 = arith.constant 512 : i32
      %lt3A_1380 = arith.cmpi slt, %add3A_1378, %lt3A_1379 : i32
      %convert_element_type3A_1381 = arith.extui %lt3A_1380 : i1 to i32
      %cond3A_1382 = arith.constant 0 : i32
      %cond3A_1383 = arith.cmpi ne, %convert_element_type3A_1381, %cond3A_1382 : i32
      scf.if %cond3A_1383 {
        %slice3A_1461 = vector.extract_strided_slice %get3A_294 {offsets = [6], sizes = [1], strides = [1]} : vector<16xi32> to vector<1xi32>
        %squeeze3A_1462 = vector.extract %slice3A_1461[0] : i32 from vector<1xi32>
        %slice3A_1463 = vector.extract_strided_slice %get3A_296 {offsets = [6], sizes = [1], strides = [1]} : vector<16xi32> to vector<1xi32>
        %squeeze3A_1464 = vector.extract %slice3A_1463[0] : i32 from vector<1xi32>
        %shift_right_arithmetic3A_1465 = arith.constant 7 : i32
        %shift_right_arithmetic3A_1466 = arith.shrsi %squeeze3A_1462, %shift_right_arithmetic3A_1465 : i32
        %shift_left3A_1467 = arith.constant 7 : i32
        %shift_left3A_1468 = arith.shli %shift_right_arithmetic3A_1466, %shift_left3A_1467 : i32
        %multiple_of3A_1469 = tpu.assume_multiple %shift_left3A_1468, 128 : i32
        %shift_right_arithmetic3A_1470 = arith.constant 7 : i32
        %shift_right_arithmetic3A_1471 = arith.shrsi %squeeze3A_1464, %shift_right_arithmetic3A_1470 : i32
        %shift_left3A_1472 = arith.constant 7 : i32
        %shift_left3A_1473 = arith.shli %shift_right_arithmetic3A_1471, %shift_left3A_1472 : i32
        %multiple_of3A_1474 = tpu.assume_multiple %shift_left3A_1473, 128 : i32
        %dma_start3A_1475 = arith.constant 0 : i32
        %dma_start3A_1476 = arith.constant 1536 : i32
        %dma_start3A_1477 = tpu.memref_slice %arg9[%dma_start3A_1475, %dma_start3A_1476] : memref<32x2048xf32, #tpu.memory_space<vmem>> -> memref<32x128xf32, #tpu.memory_space<vmem>>
        %dma_start3A_1478 = arith.constant 0 : i32
        %dma_start3A_1479 = tpu.memref_slice %arg4[%dma_start3A_1478, %multiple_of3A_1469] : memref<32x1000000xf32, #tpu.memory_space<hbm>> -> memref<32x128xf32, #tpu.memory_space<hbm>>
        %dma_start3A_1480 = arith.constant 0 : i32
        %dma_start3A_1481 = arith.constant 1536 : i32
        %dma_start3A_1482 = tpu.memref_slice %arg9[%dma_start3A_1480, %dma_start3A_1481] : memref<32x2048xf32, #tpu.memory_space<vmem>> -> memref<32x128xf32, #tpu.memory_space<vmem>>
        %dma_start3A_1483 = arith.constant 0 : i32
        %dma_start3A_1484 = tpu.memref_slice %arg4[%dma_start3A_1483, %multiple_of3A_1469] : memref<32x1000000xf32, #tpu.memory_space<hbm>> -> memref<32x128xf32, #tpu.memory_space<hbm>>
        tpu.enqueue_dma source(%dma_start3A_1484 : memref<32x128xf32, #tpu.memory_space<hbm>>) target(%dma_start3A_1482 : memref<32x128xf32, #tpu.memory_space<vmem>>) target_semaphore(%arg17 : memref<!tpu.dma_semaphore, #tpu.memory_space<semaphore_mem>>)
        %dma_start3A_1485 = arith.constant 0 : i32
        %dma_start3A_1486 = arith.constant 1664 : i32
        %dma_start3A_1487 = tpu.memref_slice %arg9[%dma_start3A_1485, %dma_start3A_1486] : memref<32x2048xf32, #tpu.memory_space<vmem>> -> memref<32x128xf32, #tpu.memory_space<vmem>>
        %dma_start3A_1488 = arith.constant 0 : i32
        %dma_start3A_1489 = tpu.memref_slice %arg5[%dma_start3A_1488, %multiple_of3A_1474] : memref<32x1000000xf32, #tpu.memory_space<hbm>> -> memref<32x128xf32, #tpu.memory_space<hbm>>
        %dma_start3A_1490 = arith.constant 0 : i32
        %dma_start3A_1491 = arith.constant 1664 : i32
        %dma_start3A_1492 = tpu.memref_slice %arg9[%dma_start3A_1490, %dma_start3A_1491] : memref<32x2048xf32, #tpu.memory_space<vmem>> -> memref<32x128xf32, #tpu.memory_space<vmem>>
        %dma_start3A_1493 = arith.constant 0 : i32
        %dma_start3A_1494 = tpu.memref_slice %arg5[%dma_start3A_1493, %multiple_of3A_1474] : memref<32x1000000xf32, #tpu.memory_space<hbm>> -> memref<32x128xf32, #tpu.memory_space<hbm>>
        tpu.enqueue_dma source(%dma_start3A_1494 : memref<32x128xf32, #tpu.memory_space<hbm>>) target(%dma_start3A_1492 : memref<32x128xf32, #tpu.memory_space<vmem>>) target_semaphore(%arg17 : memref<!tpu.dma_semaphore, #tpu.memory_space<semaphore_mem>>)
      } else {
      }
      %dma_wait3A_1384 = arith.constant 0 : i32
      %dma_wait3A_1385 = arith.constant 1792 : i32
      %dma_wait3A_1386 = tpu.memref_slice %arg9[%dma_wait3A_1384, %dma_wait3A_1385] : memref<32x2048xf32, #tpu.memory_space<vmem>> -> memref<32x128xf32, #tpu.memory_space<vmem>>
      %dma_wait3A_1387 = arith.constant 0 : i32
      %dma_wait3A_1388 = arith.constant 0 : i32
      %dma_wait3A_1389 = tpu.memref_slice %arg4[%dma_wait3A_1387, %dma_wait3A_1388] : memref<32x1000000xf32, #tpu.memory_space<hbm>> -> memref<32x128xf32, #tpu.memory_space<hbm>>
      %dma_wait3A_1390 = arith.constant 0 : i32
      %dma_wait3A_1391 = arith.constant 1792 : i32
      %dma_wait3A_1392 = tpu.memref_slice %arg9[%dma_wait3A_1390, %dma_wait3A_1391] : memref<32x2048xf32, #tpu.memory_space<vmem>> -> memref<32x128xf32, #tpu.memory_space<vmem>>
      %dma_wait3A_1393 = arith.constant 0 : i32
      %dma_wait3A_1394 = arith.constant 0 : i32
      %dma_wait3A_1395 = tpu.memref_slice %arg4[%dma_wait3A_1393, %dma_wait3A_1394] : memref<32x1000000xf32, #tpu.memory_space<hbm>> -> memref<32x128xf32, #tpu.memory_space<hbm>>
      tpu.wait_dma2 semaphore(%arg18 : memref<!tpu.dma_semaphore, #tpu.memory_space<semaphore_mem>>) src(%dma_wait3A_1395 : memref<32x128xf32, #tpu.memory_space<hbm>>) dst(%dma_wait3A_1392 : memref<32x128xf32, #tpu.memory_space<vmem>>)
      %dma_wait3A_1396 = arith.constant 0 : i32
      %dma_wait3A_1397 = arith.constant 1792 : i32
      %dma_wait3A_1398 = tpu.memref_slice %arg9[%dma_wait3A_1396, %dma_wait3A_1397] : memref<32x2048xf32, #tpu.memory_space<vmem>> -> memref<32x128xf32, #tpu.memory_space<vmem>>
      %dma_wait3A_1399 = arith.constant 0 : i32
      %dma_wait3A_1400 = arith.constant 0 : i32
      %dma_wait3A_1401 = tpu.memref_slice %arg4[%dma_wait3A_1399, %dma_wait3A_1400] : memref<32x1000000xf32, #tpu.memory_space<hbm>> -> memref<32x128xf32, #tpu.memory_space<hbm>>
      %dma_wait3A_1402 = arith.constant 0 : i32
      %dma_wait3A_1403 = arith.constant 1792 : i32
      %dma_wait3A_1404 = tpu.memref_slice %arg9[%dma_wait3A_1402, %dma_wait3A_1403] : memref<32x2048xf32, #tpu.memory_space<vmem>> -> memref<32x128xf32, #tpu.memory_space<vmem>>
      %dma_wait3A_1405 = arith.constant 0 : i32
      %dma_wait3A_1406 = arith.constant 0 : i32
      %dma_wait3A_1407 = tpu.memref_slice %arg4[%dma_wait3A_1405, %dma_wait3A_1406] : memref<32x1000000xf32, #tpu.memory_space<hbm>> -> memref<32x128xf32, #tpu.memory_space<hbm>>
      tpu.wait_dma2 semaphore(%arg18 : memref<!tpu.dma_semaphore, #tpu.memory_space<semaphore_mem>>) src(%dma_wait3A_1407 : memref<32x128xf32, #tpu.memory_space<hbm>>) dst(%dma_wait3A_1404 : memref<32x128xf32, #tpu.memory_space<vmem>>)
      %broadcast_in_dim3A_1408 = arith.constant 1792 : i32
      %broadcast_in_dim3A_1409 = vector.broadcast %broadcast_in_dim3A_1408 : i32 to vector<16xi32>
      %slice3A_1410 = vector.extract_strided_slice %get3A_283 {offsets = [15], sizes = [1], strides = [1]} : vector<16xi32> to vector<1xi32>
      %squeeze3A_1411 = vector.extract %slice3A_1410[0] : i32 from vector<1xi32>
      %and3A_1412 = arith.constant 127 : i32
      %and3A_1413 = arith.andi %squeeze3A_1411, %and3A_1412 : i32
      %add3A_1414 = vector.broadcast %and3A_1413 : i32 to vector<16xi32>
      %add3A_1415 = arith.addi %broadcast_in_dim3A_1409, %add3A_1414 : vector<16xi32>
      %broadcast_in_dim3A_1416 = arith.constant 1920 : i32
      %broadcast_in_dim3A_1417 = vector.broadcast %broadcast_in_dim3A_1416 : i32 to vector<16xi32>
      %slice3A_1418 = vector.extract_strided_slice %get3A_287 {offsets = [15], sizes = [1], strides = [1]} : vector<16xi32> to vector<1xi32>
      %squeeze3A_1419 = vector.extract %slice3A_1418[0] : i32 from vector<1xi32>
      %and3A_1420 = arith.constant 127 : i32
      %and3A_1421 = arith.andi %squeeze3A_1419, %and3A_1420 : i32
      %add3A_1422 = vector.broadcast %and3A_1421 : i32 to vector<16xi32>
      %add3A_1423 = arith.addi %broadcast_in_dim3A_1417, %add3A_1422 : vector<16xi32>
      %gather3A_1424 = tpu.vector_load_idx %arg9[%iota3A, %add3A_1415] : memref<32x2048xf32, #tpu.memory_space<vmem>>[vector<16xi32>, vector<16xi32>], vector<16xf32>,
      %add3A_1425 = arith.constant 16 : i32
      %add3A_1426 = vector.broadcast %add3A_1425 : i32 to vector<16xi32>
      %add3A_1427 = arith.addi %iota3A, %add3A_1426 : vector<16xi32>
      %gather3A_1428 = tpu.vector_load_idx %arg9[%add3A_1427, %add3A_1415] : memref<32x2048xf32, #tpu.memory_space<vmem>>[vector<16xi32>, vector<16xi32>], vector<16xf32>,
      %gather3A_1429 = tpu.vector_load_idx %arg9[%iota3A, %add3A_1423] : memref<32x2048xf32, #tpu.memory_space<vmem>>[vector<16xi32>, vector<16xi32>], vector<16xf32>,
      %add3A_1430 = arith.constant 16 : i32
      %add3A_1431 = vector.broadcast %add3A_1430 : i32 to vector<16xi32>
      %add3A_1432 = arith.addi %iota3A, %add3A_1431 : vector<16xi32>
      %gather3A_1433 = tpu.vector_load_idx %arg9[%add3A_1432, %add3A_1423] : memref<32x2048xf32, #tpu.memory_space<vmem>>[vector<16xi32>, vector<16xi32>], vector<16xf32>,
      %mul3A_1434 = arith.mulf %gather3A_1424, %gather3A_1429 : vector<16xf32>
      %mul3A_1435 = arith.mulf %gather3A_1428, %gather3A_1433 : vector<16xf32>
      %add3A_1436 = arith.addf %mul3A_1434, %mul3A_1435 : vector<16xf32>
      %reduce_sum3A_1437 = arith.constant true
      %reduce_sum3A_1438 = vector.broadcast %reduce_sum3A_1437 : i1 to vector<16xi1>
      %reduce_sum3A_1439 = tpu.scan <sum>, %add3A_1436 masked %reduce_sum3A_1438 : vector<16xf32>, vector<16xi1> -> vector<16xf32>
      %reduce_sum3A_1440 = vector.extract %reduce_sum3A_1439[15] : f32 from vector<16xf32>
      %eq3A_1441 = arith.constant 15 : i32
      %eq3A_1442 = vector.broadcast %eq3A_1441 : i32 to vector<16xi32>
      %eq3A_1443 = arith.cmpi eq, %iota3A, %eq3A_1442 : vector<16xi32>
      %broadcast_in_dim3A_1444 = vector.broadcast %reduce_sum3A_1440 : f32 to vector<16xf32>
      %select_n3A_1445 = arith.select %eq3A_1443, %broadcast_in_dim3A_1444, %select_n3A_1372 : vector<16xi1>, vector<16xf32>
      %add3A_1446 = arith.constant 1 : i32
      %add3A_1447 = arith.addi %scan3A_278, %add3A_1446 : i32
      %mul3A_1448 = arith.constant 16 : i32
      %mul3A_1449 = arith.muli %add3A_1447, %mul3A_1448 : i32
      %add3A_1450 = arith.constant 7 : i32
      %add3A_1451 = arith.addi %mul3A_1449, %add3A_1450 : i32
      %lt3A_1452 = arith.constant 512 : i32
      %lt3A_1453 = arith.cmpi slt, %add3A_1451, %lt3A_1452 : i32
      %convert_element_type3A_1454 = arith.extui %lt3A_1453 : i1 to i32
      %cond3A_1455 = arith.constant 0 : i32
      %cond3A_1456 = arith.cmpi ne, %convert_element_type3A_1454, %cond3A_1455 : i32
      scf.if %cond3A_1456 {
        %slice3A_1461 = vector.extract_strided_slice %get3A_294 {offsets = [7], sizes = [1], strides = [1]} : vector<16xi32> to vector<1xi32>
        %squeeze3A_1462 = vector.extract %slice3A_1461[0] : i32 from vector<1xi32>
        %slice3A_1463 = vector.extract_strided_slice %get3A_296 {offsets = [7], sizes = [1], strides = [1]} : vector<16xi32> to vector<1xi32>
        %squeeze3A_1464 = vector.extract %slice3A_1463[0] : i32 from vector<1xi32>
        %shift_right_arithmetic3A_1465 = arith.constant 7 : i32
        %shift_right_arithmetic3A_1466 = arith.shrsi %squeeze3A_1462, %shift_right_arithmetic3A_1465 : i32
        %shift_left3A_1467 = arith.constant 7 : i32
        %shift_left3A_1468 = arith.shli %shift_right_arithmetic3A_1466, %shift_left3A_1467 : i32
        %multiple_of3A_1469 = tpu.assume_multiple %shift_left3A_1468, 128 : i32
        %shift_right_arithmetic3A_1470 = arith.constant 7 : i32
        %shift_right_arithmetic3A_1471 = arith.shrsi %squeeze3A_1464, %shift_right_arithmetic3A_1470 : i32
        %shift_left3A_1472 = arith.constant 7 : i32
        %shift_left3A_1473 = arith.shli %shift_right_arithmetic3A_1471, %shift_left3A_1472 : i32
        %multiple_of3A_1474 = tpu.assume_multiple %shift_left3A_1473, 128 : i32
        %dma_start3A_1475 = arith.constant 0 : i32
        %dma_start3A_1476 = arith.constant 1792 : i32
        %dma_start3A_1477 = tpu.memref_slice %arg9[%dma_start3A_1475, %dma_start3A_1476] : memref<32x2048xf32, #tpu.memory_space<vmem>> -> memref<32x128xf32, #tpu.memory_space<vmem>>
        %dma_start3A_1478 = arith.constant 0 : i32
        %dma_start3A_1479 = tpu.memref_slice %arg4[%dma_start3A_1478, %multiple_of3A_1469] : memref<32x1000000xf32, #tpu.memory_space<hbm>> -> memref<32x128xf32, #tpu.memory_space<hbm>>
        %dma_start3A_1480 = arith.constant 0 : i32
        %dma_start3A_1481 = arith.constant 1792 : i32
        %dma_start3A_1482 = tpu.memref_slice %arg9[%dma_start3A_1480, %dma_start3A_1481] : memref<32x2048xf32, #tpu.memory_space<vmem>> -> memref<32x128xf32, #tpu.memory_space<vmem>>
        %dma_start3A_1483 = arith.constant 0 : i32
        %dma_start3A_1484 = tpu.memref_slice %arg4[%dma_start3A_1483, %multiple_of3A_1469] : memref<32x1000000xf32, #tpu.memory_space<hbm>> -> memref<32x128xf32, #tpu.memory_space<hbm>>
        tpu.enqueue_dma source(%dma_start3A_1484 : memref<32x128xf32, #tpu.memory_space<hbm>>) target(%dma_start3A_1482 : memref<32x128xf32, #tpu.memory_space<vmem>>) target_semaphore(%arg18 : memref<!tpu.dma_semaphore, #tpu.memory_space<semaphore_mem>>)
        %dma_start3A_1485 = arith.constant 0 : i32
        %dma_start3A_1486 = arith.constant 1920 : i32
        %dma_start3A_1487 = tpu.memref_slice %arg9[%dma_start3A_1485, %dma_start3A_1486] : memref<32x2048xf32, #tpu.memory_space<vmem>> -> memref<32x128xf32, #tpu.memory_space<vmem>>
        %dma_start3A_1488 = arith.constant 0 : i32
        %dma_start3A_1489 = tpu.memref_slice %arg5[%dma_start3A_1488, %multiple_of3A_1474] : memref<32x1000000xf32, #tpu.memory_space<hbm>> -> memref<32x128xf32, #tpu.memory_space<hbm>>
        %dma_start3A_1490 = arith.constant 0 : i32
        %dma_start3A_1491 = arith.constant 1920 : i32
        %dma_start3A_1492 = tpu.memref_slice %arg9[%dma_start3A_1490, %dma_start3A_1491] : memref<32x2048xf32, #tpu.memory_space<vmem>> -> memref<32x128xf32, #tpu.memory_space<vmem>>
        %dma_start3A_1493 = arith.constant 0 : i32
        %dma_start3A_1494 = tpu.memref_slice %arg5[%dma_start3A_1493, %multiple_of3A_1474] : memref<32x1000000xf32, #tpu.memory_space<hbm>> -> memref<32x128xf32, #tpu.memory_space<hbm>>
        tpu.enqueue_dma source(%dma_start3A_1494 : memref<32x128xf32, #tpu.memory_space<hbm>>) target(%dma_start3A_1492 : memref<32x128xf32, #tpu.memory_space<vmem>>) target_semaphore(%arg18 : memref<!tpu.dma_semaphore, #tpu.memory_space<semaphore_mem>>)
      } else {
      }
      %mul3A_1457 = arith.constant 16 : i32
      %mul3A_1458 = arith.muli %scan3A_278, %mul3A_1457 : i32
      %swap3A = arith.index_cast %mul3A_1458 : i32 to index
      %swap3A_1459 = tpu.vector_load %arg10[%swap3A] {strides = array<i32>} : memref<512xf32, #tpu.memory_space<vmem>>, vector<16xf32>,
      tpu.vector_store %arg10[%swap3A], %select_n3A_1445 {strides = array<i32>} : memref<512xf32, #tpu.memory_space<vmem>>, vector<16xf32>,
      %scan3A_1460 = arith.constant 0 : i32
      scf.yield %scan3A_1460 : i32
    }
    %scan3A_277 = arith.constant 32 : i32
    "tpu.region"() ({
      %run_scoped3A = tpu.sem_alloc : memref<!tpu.dma_semaphore, #tpu.memory_space<semaphore_mem>>
      %dma_start3A_278 = tpu.memref_slice %arg6[%mul3A_2] : memref<16384xf32, #tpu.memory_space<hbm>> -> memref<512xf32, #tpu.memory_space<hbm>>
      %dma_start3A_279 = tpu.memref_slice %arg6[%mul3A_2] : memref<16384xf32, #tpu.memory_space<hbm>> -> memref<512xf32, #tpu.memory_space<hbm>>
      tpu.enqueue_dma source(%arg10 : memref<512xf32, #tpu.memory_space<vmem>>) target(%dma_start3A_279 : memref<512xf32, #tpu.memory_space<hbm>>) target_semaphore(%run_scoped3A : memref<!tpu.dma_semaphore, #tpu.memory_space<semaphore_mem>>)
      %dma_wait3A = tpu.memref_slice %arg6[%mul3A_2] : memref<16384xf32, #tpu.memory_space<hbm>> -> memref<512xf32, #tpu.memory_space<hbm>>
      %dma_wait3A_280 = tpu.memref_slice %arg6[%mul3A_2] : memref<16384xf32, #tpu.memory_space<hbm>> -> memref<512xf32, #tpu.memory_space<hbm>>
      tpu.wait_dma2 semaphore(%run_scoped3A : memref<!tpu.dma_semaphore, #tpu.memory_space<semaphore_mem>>) src(%arg10 : memref<512xf32, #tpu.memory_space<vmem>>) dst(%dma_wait3A_280 : memref<512xf32, #tpu.memory_space<hbm>>)
      tpu.yield
    }) : () -> ()
    return
  }
}

</mosaic_0001>

<sc_bundles>
// kernel: kernel.3.cloned.1.call-start
scs
__scs_entry_jumppad:
0x0: {  	(pc) =	sbr.rel $0x88, $3  }
0x1: {  	(tag) =	ssettag $0x0;
	lr =	simm.s32 $0x1  }
0x2: {  	[smem:$0x3F9D] =	sst lr;
	_ =	strace $0xD0000000  }
0x3: {  	_ = 	snop  }
0x4: {  	_ = 	snop  }
0x5: {  	_ = 	snop  }
0x6: {  	_ = 	snop  }
0x7: {  	_ = 	snop  }
__scs_overlays_trampoline_lowered:
0x8: {  	[smem:$0x3FAC] =	sst s0  }
0x9: {  	[smem:$0x3FAD] =	sst s1  }
0xa: {  	[smem:$0x3FAE] =	sst s2  }
0xb: {  	[smem:$0x3FAF] =	sst s3  }
0xc: {  	[smem:$0x3FB0] =	sst s4  }
0xd: {  	[smem:$0x3FB1] =	sst s5  }
0xe: {  	[smem:$0x3FB2] =	sst s6  }
0xf: {  	[smem:$0x3FB3] =	sst s7  }
0x10: {  	[smem:$0x3FB4] =	sst s8  }
0x11: {  	[smem:$0x3FB5] =	sst s9;
	s0 =	simm.s32 @!p0 $0x0  }
0x12: {  	s1 =	sld [smem:$0x3F9B];
	s0 =	simm.s32 @p0 $0x1  }
0x13: {  	[smem:$0x3FB6] =	sst s0;
	s0 =	simm.s32 @!p1 $0x0  }
0x14: {  	s2 =	sld [smem:$0x3F9A];
	s0 =	simm.s32 @p1 $0x1  }
0x15: {  	[smem:$0x3FB7] =	sst s0;
	s0 =	simm.s32 @!p2 $0x0  }
0x16: {  	s3 =	sld [smem:$0x3FDB];
	s0 =	simm.s32 @p2 $0x1  }
0x17: {  	s4 =	simm.s32 $0x1BF5;
	[smem:$0x3FB9] =	sst s0  }
0x18: {  	s0 =	sld [smem:$0x3F9C];
	_ =	swait.ge [sflag:s4], $0x0  }
0x19: {  	s7 =	sld [smem:$0x3F9D]  }
0x1a: {  	s8 =	sadd.s32 $0xFFFFE003, lr  }
0x1b: {  	s9 =	sadd.s32 $0xFFFFFEF7, lr;
	s5 =	simm.s32 $0xFFFFFFFF;
	p2 =	slt.u32 s8, $0xFFFFF086  }
0x1c: {  	p1 =	slt.u32 s9, $0xF7A;
	s5 =	simm.s32 @!p2 $0x0  }
0x1d: {  	s5 =	simm.s32 @p1 $0x1;
	p0 =	seq.s32 s7, s2  }
0x1e: {  	s7 =	smul.u32 @!p0 $0xF7A, s2;
	p2 =	seq.s32 @!p0 s5, $0x0  }
0x1f: {  	s9 =	smul.u32 $0xF7A, s1;
	s8 =	simm.s32 @!p0 $0x1BF5;
	p2 =	por !p2, p0  }
0x20: {  	[sflag:s8] =	ssyncset.s32 @!p0 $0xFFFFF086;
	s6 =	sadd.s32 @!p0 s3, s7;
	s7 =	simm.s32 @!p0 $0x108  }
0x21: {  	s3 =	sadd.s32 s3, s9;
	s6 =	sadd.s32 @!p0 $0x88, s6;
	s7 =	simm.s32 @p2 $0x1082  }
0x22: {  	[simem:s7], [sflag:s8] =	dma.local @!p0 [hbm:s6], $0xF7A  }
0x23: {  	s9 =	sor.u32 $0xD0000000, s2;
	s6 =	simm.s32 $0x108;
	_ =	swait.ge @!p0 [sflag:s8], $0x0  }
0x24: {  	s3 =	sadd.s32 $0x88, s3;
	s6 =	simm.s32 @!p1 $0x1082;
	[sflag:s4] =	ssyncset.s32 $0xFFFFF086  }
0x25: {  	[simem:s6], [sflag:s4] =	dma.local [hbm:s3], $0xF7A  }
0x26: {  	[smem:$0x3F9D] =	sst s1;
	(tag) =	ssettag s2;
	_ =	strace s9  }
0x27: {  	s1 =	sld [smem:$0x3FAD]  }
0x28: {  	s2 =	sld [smem:$0x3FAE]  }
0x29: {  	s4 =	sld [smem:$0x3FB0]  }
0x2a: {  	p0 =	seq.s32 s5, $0x0;
	s5 =	sld [smem:$0x3FB1]  }
0x2b: {  	s6 =	sld [smem:$0x3FB2]  }
0x2c: {  	s7 =	sld [smem:$0x3FB3]  }
0x2d: {  	s3 =	simm.s32 $0x108;
	s8 =	sld [smem:$0x3FB4]  }
0x2e: {  	s3 =	simm.s32 @!p0 $0x1082;
	s9 =	sld [smem:$0x3FB5]  }
0x2f: {  	lr =	sadd.s32 s0, s3;
	s0 =	sld [smem:$0x3FAC]  }
0x30: {  	s3 =	sld [smem:$0x3FAF]  }
0x31: {  	[smem:$0x3FB8] =	sst s10  }
0x32: {  	s10 =	sld [smem:$0x3FB6];
	_ =	sdelay $0x3  }
0x33: {  	p0 =	seq.s32 s10, $0x1;
	s10 =	sld [smem:$0x3FB8];
	_ =	sdelay $0x3  }
0x34: {  	[smem:$0x3FB8] =	sst s10  }
0x35: {  	s10 =	sld [smem:$0x3FB7];
	_ =	sdelay $0x3  }
0x36: {  	p1 =	seq.s32 s10, $0x1;
	s10 =	sld [smem:$0x3FB8];
	_ =	sdelay $0x3  }
0x37: {  	[smem:$0x3FB8] =	sst s10  }
0x38: {  	s10 =	sld [smem:$0x3FB9]  }
0x39: {  	_ = 	snop;
	(pc) =	sbr.ind lr, $3  }
0x3a: {  	_ = 	snop  }
0x3b: {  	_ = 	snop  }
0x3c: {  	p2 =	seq.s32 s10, $0x1;
	s10 =	sld [smem:$0x3FB8]  }
0x3d: {  	_ =	shalt  }
0x3e: {  	_ =	shalt  }
0x3f: {  	_ =	shalt  }
0x40: {  	_ =	shalt  }
0x41: {  	_ =	shalt  }
0x42: {  	_ =	shalt  }
0x43: {  	_ =	shalt  }
0x44: {  	_ =	shalt  }
0x45: {  	_ =	shalt  }
0x46: {  	_ =	shalt  }
0x47: {  	_ =	shalt  }
0x48: {  	_ =	shalt  }
0x49: {  	_ =	shalt  }
0x4a: {  	_ =	shalt  }
0x4b: {  	_ =	shalt  }
0x4c: {  	_ =	shalt  }
0x4d: {  	_ =	shalt  }
0x4e: {  	_ =	shalt  }
0x4f: {  	_ =	shalt  }
0x50: {  	_ =	shalt  }
0x51: {  	_ =	shalt  }
0x52: {  	_ =	shalt  }
0x53: {  	_ =	shalt  }
0x54: {  	_ =	shalt  }
0x55: {  	_ =	shalt  }
0x56: {  	_ =	shalt  }
0x57: {  	_ =	shalt  }
0x58: {  	_ =	shalt  }
0x59: {  	_ =	shalt  }
0x5a: {  	_ =	shalt  }
0x5b: {  	_ =	shalt  }
0x5c: {  	_ =	shalt  }
0x5d: {  	_ =	shalt  }
0x5e: {  	_ =	shalt  }
0x5f: {  	_ =	shalt  }
0x60: {  	_ =	shalt  }
0x61: {  	_ =	shalt  }
0x62: {  	_ =	shalt  }
0x63: {  	_ =	shalt  }
0x64: {  	_ =	shalt  }
0x65: {  	_ =	shalt  }
0x66: {  	_ =	shalt  }
0x67: {  	_ =	shalt  }
0x68: {  	_ =	shalt  }
0x69: {  	_ =	shalt  }
0x6a: {  	_ =	shalt  }
0x6b: {  	_ =	shalt  }
0x6c: {  	_ =	shalt  }
0x6d: {  	_ =	shalt  }
0x6e: {  	_ =	shalt  }
0x6f: {  	_ =	shalt  }
0x70: {  	_ =	shalt  }
0x71: {  	_ =	shalt  }
0x72: {  	_ =	shalt  }
0x73: {  	_ =	shalt  }
0x74: {  	_ =	shalt  }
0x75: {  	_ =	shalt  }
0x76: {  	_ =	shalt  }
0x77: {  	_ =	shalt  }
0x78: {  	_ =	shalt  }
0x79: {  	_ =	shalt  }
0x7a: {  	_ =	shalt  }
0x7b: {  	_ =	shalt  }
0x7c: {  	_ =	shalt  }
0x7d: {  	_ =	shalt  }
0x7e: {  	_ =	shalt  }
0x7f: {  	_ =	shalt  }
0x80: {  	_ =	shalt  }
0x81: {  	_ =	shalt  }
0x82: {  	_ =	shalt  }
0x83: {  	_ =	shalt  }
0x84: {  	_ =	shalt  }
0x85: {  	_ =	shalt  }
0x86: {  	_ =	shalt  }
0x87: {  	_ =	shalt  }
.Lfunc_end0:
.L_simem_size_0:
called_computation_lowered:
.L_overlay_start_0:
0x88: {  	s2 =	sld [smem:$0x3FD9]  }
0x89: {  	s3 =	sld [smem:$0x3FFE];
	_ =	sdelay $0x1  }
0x8a: {  	s1 =	srdreg.scid  }
0x8b: {  	s0 =	sand.u32 $0x1, s1  }
0x8c: {  	s18 =	sshll.u32 s0, $0xA;
	s2 =	sadd.s32 s3, s2  }
0x8d: {  	s2 =	sadd.s32 s2, s18  }
0x8e: {  	[smem:$0x3FC4] =	sst s2  }
0x8f: {  	_ = 	snop  }
0x90: {  	s2 =	sld [smem:$0x3FC9]  }
0x91: {  	s19 =	sld [smem:$0x3FC8]  }
0x92: {  	s4 =	sld [smem:$0x3FC7]  }
0x93: {  	s5 =	sld [smem:$0x3FC6]  }
0x94: {  	s6 =	sld [smem:$0x3FD0];
	(tm) =	ssettm $0x1  }
0x95: {  	s7 =	sld [smem:$0x3FFB];
	_ =	sdelay $0x3  }
0x96: {  	_ =	strace s7  }
0x97: {  	s7 =	sld [smem:$0x3FFC];
	_ =	sdelay $0x3  }
0x98: {  	_ =	strace s7  }
0x99: {  	s7 =	sld [smem:$0x3FFD];
	_ =	sdelay $0x3  }
0x9a: {  	_ =	strace s7  }
0x9b: {  	_ =	strace $0x8FFFFFFF  }
0x9c: {  	s20 =	sld [smem:$0x3FDB];
	_ =	sdelay $0x1  }
0x9d: {  	s8 =	simm.s32 $_scs_section_size  }
0x9e: {  	s9 =	simm.s32 $_size__tile_overlayer_lowered;
	s10 =	simm.s32 $_tile_overlayer_lowered  }
0x9f: {  	s23 =	simm.s32 $0x1BFF;
	s22 =	sshll.u32 s10, $0x1;
	s7 =	sadd.s32 s8, s20  }
0xa0: {  	s11 =	simm.s32 $0x0;
	s21 =	sshll.u32 s9, $0x1;
	s9 =	sadd.s32 s22, s7  }
0xa1: {  	[timem:s11], [sflag:s23] =	dma.local [hbm:s9], s21  }
0xa2: {  	_ =	swait.ge [sflag:s23], s21  }
0xa3: {  	s8 =	ssub.s32 $0x0, s21;
	[sflag:s23] =	ssyncset.done $0x0  }
0xa4: {  	[sflag:s23] =	ssyncadd.s32 s8;
	_ =	sdelay $0x1  }
0xa5: {  	s24 =	simm.s32 $0x1B8B  }
0xa6: {  	_ =	swait.ge [sflag:s24], $0x1  }
0xa7: {  	[sflag:s24] =	ssyncset.done $0x0  }
0xa8: {  	s25 =	simm.s32 $0x1B8E;
	[sflag:s24] =	ssyncadd.s32 $0xFFFFFFFF  }
0xa9: {  	s26 =	simm.s32 $execute0_lowered;
	[smem:$0x3FD2] =	sst s25  }
0xaa: {  	s8 =	sshll.u32 s26, $0x1;
	_ =	strace $0x80000046;
	[dreg:$0x1] =	wrdreg $0xFFFFFFFF  }
0xab: {  	s28 =	simm.s32 $_size_execute0_lowered;
	s7 =	sadd.s32 s7, s8;
	[dreg:$0x0] =	wrdreg $0x0  }
0xac: {  	s8 =	sshll.u32 s28, $0x1;
	[dreg:$0x2] =	wrdreg s7  }
0xad: {  	[dreg:$0x3] =	wrdreg s8  }
0xae: {  	[dreg:$0x4] =	wrdreg $0xC0  }
0xaf: {  	_ =	task [dreg:s11], $0x5FFFF  }
0xb0: {  	[dreg:$0x1] =	wrdreg $0xFFFFFFFF  }
0xb1: {  	[dreg:$0x0] =	wrdreg $0x60  }
0xb2: {  	[dreg:$0x2] =	wrdreg s2  }
0xb3: {  	[dreg:$0x3] =	wrdreg s19  }
0xb4: {  	[dreg:$0x4] =	wrdreg s4  }
0xb5: {  	[dreg:$0x5] =	wrdreg s5  }
0xb6: {  	[dreg:$0x6] =	wrdreg s6  }
0xb7: {  	[dreg:$0x7] =	wrdreg $0x9  }
0xb8: {  	_ =	task.clear_ibuf [dreg:s11], $0x8FFFF;
	_ =	strace $0x90000046  }
0xb9: {  	s29 =	simm.s32 $0x9;
	_ =	strace $0x80000048  }
0xba: {  	_ =	swait.ge [sflag:s29], $0x1  }
0xbb: {  	[sflag:s29] =	ssyncadd.s32 $0xFFFFFFFF  }
0xbc: {  	_ =	strace $0x90000048  }
0xbd: {  	_ =	sfence  }
0xbe: {  	s30 =	sld [smem:$0x0];
	_ =	sdelay $0x2  }
0xbf: {  	s31 =	sshll.u32 s1, $0xD;
	s1 =	sshrl.u32 s1, $0x2  }
0xc0: {  	s3 =	sand.u32 $0x4000, s31;
	s1 =	sadd.s32 s1, s30  }
0xc1: {  	s0 =	sor.u32 s3, s0;
	s1 =	sshll.u32 s1, $0x11  }
0xc2: {  	s0 =	sor.u32 s1, s0  }
0xc3: {  	s0 =	sadd.s32 $0x8F2B, s0  }
0xc4: {  	[sflag:s0] =	ssyncadd.remote.s32 $0x1  }
0xc5: {  	_ =	sfence.sel $0xFFFF  }
0xc6: {  	[dreg:$0x0] =	wrdreg $0xFFFFFFFF;
	(pc) =	sbr.abs _section_cstart, $3  }
0xc7: {  	[dreg:$0x1] =	wrdreg $0xFFFFFFFF  }
0xc8: {  	_ =	task.clear_ibuf [dreg:s11], $0x2FFFF;
	_ =	strace $0x9FFFFFFF  }
0xc9: {  	(tm) =	ssettm $0x7FFFFFFF  }
tec
execute0_lowered:
.L_overlay_start_1:
0x0: {  	(tag) =	ssettag $0x1  }
0x1: {  	v0 =	vimm.s32 $0x4380;
	vm14 =	vcmask $0x300  }
0x2: {  	v1 =	vimm.s32 $0xC380;
	vm13 =	vcmask $0x704;
	vm12 =	vcmask $0xB08  }
0x3: {  	vm11 =	vcmask $0xF0C;
	vm10 =	vcmask $0x1310;
	vm9 =	vcmask $0x1714  }
0x4: {  	vm8 =	vcmask $0x1B18;
	vm7 =	vcmask $0x1F1C;
	vm6 =	vcmask $0x2320  }
0x5: {  	vm0 =	vcmask $0x2724;
	vm1 =	vcmask $0x2B28;
	vm2 =	vcmask $0x2F2C  }
0x6: {  	vm3 =	vcmask $0x3330;
	vm4 =	vcmask $0x3734;
	vm5 =	vcmask $0x3B38  }
0x7: {  	v2 =	vimm.s32 $0x4780;
	v3 =	vimm.s32 $0xC780;
	v4 =	vimm.s32 $0x4B80  }
0x8: {  	v5 =	vimm.s32 $0xCB80;
	v6 =	vimm.s32 $0x4F80;
	v7 =	vimm.s32 $0xCF80  }
0x9: {  	v8 =	vimm.s32 $0x5380;
	v9 =	vimm.s32 $0xD380;
	v10 =	vimm.s32 $0x5780  }
0xa: {  	v11 =	vimm.s32 $0xD780;
	v12 =	vimm.s32 $0x5B80;
	v13 =	vimm.s32 $0xDB80  }
0xb: {  	v14 =	vimm.s32 $0x5F80;
	v15 =	vimm.s32 $0xDF80;
	v16 =	vimm.s32 $0x6380  }
0xc: {  	v17 =	vimm.s32 $0xE380;
	v18 =	vimm.s32 $0x6780;
	v19 =	vimm.s32 $0xE780  }
0xd: {  	v20 =	vimm.s32 $0x6B80;
	v21 =	vimm.s32 $0xEB80;
	v22 =	vimm.s32 $0x6F80  }
0xe: {  	v23 =	vimm.s32 $0xEF80;
	v24 =	vimm.s32 $0x7380;
	v25 =	vimm.s32 $0xF380  }
0xf: {  	v26 =	vimm.s32 $0x7780;
	v27 =	vimm.s32 $0xF780;
	v28 =	vimm.s32 $0x7B80  }
0x10: {  	v29 =	vimm.s32 $0xFB80;
	v30 =	vimm.s32 $0x7F80;
	v31 =	vimm.s32 $0xFF80  }
0x11: {  	v0 =	vsel vm14, $0x0, v0;
	v1 =	vsel vm14, $0x8000, v1;
	v2 =	vsel vm14, $0x400, v2  }
0x12: {  	v3 =	vsel vm14, $0x8400, v3;
	v4 =	vsel vm14, $0x800, v4;
	v5 =	vsel vm14, $0x8800, v5  }
0x13: {  	v6 =	vsel vm14, $0xC00, v6;
	v7 =	vsel vm14, $0x8C00, v7;
	v8 =	vsel vm14, $0x1000, v8  }
0x14: {  	v9 =	vsel vm14, $0x9000, v9;
	v10 =	vsel vm14, $0x1400, v10;
	v11 =	vsel vm14, $0x9400, v11  }
0x15: {  	v12 =	vsel vm14, $0x1800, v12;
	v13 =	vsel vm14, $0x9800, v13;
	v14 =	vsel vm14, $0x1C00, v14  }
0x16: {  	v15 =	vsel vm14, $0x9C00, v15;
	v16 =	vsel vm14, $0x2000, v16;
	v17 =	vsel vm14, $0xA000, v17  }
0x17: {  	v18 =	vsel vm14, $0x2400, v18;
	v19 =	vsel vm14, $0xA400, v19;
	v20 =	vsel vm14, $0x2800, v20  }
0x18: {  	v21 =	vsel vm14, $0xA800, v21;
	v22 =	vsel vm14, $0x2C00, v22;
	v23 =	vsel vm14, $0xAC00, v23  }
0x19: {  	v24 =	vsel vm14, $0x3000, v24;
	v25 =	vsel vm14, $0xB000, v25;
	v26 =	vsel vm14, $0x3400, v26  }
0x1a: {  	v27 =	vsel vm14, $0xB400, v27;
	v28 =	vsel vm14, $0x3800, v28;
	v29 =	vsel vm14, $0xB800, v29  }
0x1b: {  	v30 =	vsel vm14, $0x3C00, v30;
	v31 =	vsel vm14, $0xBC00, v31;
	vm14 =	vmmov $0x7fff  }
0x1c: {  	v0 =	vsel vm13, $0x80, v0;
	v1 =	vsel vm13, $0x8080, v1;
	v2 =	vsel vm13, $0x480, v2  }
0x1d: {  	v3 =	vsel vm13, $0x8480, v3;
	v4 =	vsel vm13, $0x880, v4;
	v5 =	vsel vm13, $0x8880, v5  }
0x1e: {  	v6 =	vsel vm13, $0xC80, v6;
	v7 =	vsel vm13, $0x8C80, v7;
	v8 =	vsel vm13, $0x1080, v8  }
0x1f: {  	v9 =	vsel vm13, $0x9080, v9;
	v10 =	vsel vm13, $0x1480, v10;
	v11 =	vsel vm13, $0x9480, v11  }
0x20: {  	v12 =	vsel vm13, $0x1880, v12;
	v13 =	vsel vm13, $0x9880, v13;
	v14 =	vsel vm13, $0x1C80, v14  }
0x21: {  	v15 =	vsel vm13, $0x9C80, v15;
	v16 =	vsel vm13, $0x2080, v16;
	v17 =	vsel vm13, $0xA080, v17  }
0x22: {  	v18 =	vsel vm13, $0x2480, v18;
	v19 =	vsel vm13, $0xA480, v19;
	v20 =	vsel vm13, $0x2880, v20  }
0x23: {  	v21 =	vsel vm13, $0xA880, v21;
	v22 =	vsel vm13, $0x2C80, v22;
	v23 =	vsel vm13, $0xAC80, v23  }
0x24: {  	v24 =	vsel vm13, $0x3080, v24;
	v25 =	vsel vm13, $0xB080, v25;
	v26 =	vsel vm13, $0x3480, v26  }
0x25: {  	v27 =	vsel vm13, $0xB480, v27;
	v28 =	vsel vm13, $0x3880, v28;
	v29 =	vsel vm13, $0xB880, v29  }
0x26: {  	v30 =	vsel vm13, $0x3C80, v30;
	v31 =	vsel vm13, $0xBC80, v31;
	vm13 =	vmmov $0xff  }
0x27: {  	v0 =	vsel vm12, $0x100, v0;
	v1 =	vsel vm12, $0x8100, v1;
	v2 =	vsel vm12, $0x500, v2  }
0x28: {  	v3 =	vsel vm12, $0x8500, v3;
	v4 =	vsel vm12, $0x900, v4;
	v5 =	vsel vm12, $0x8900, v5  }
0x29: {  	v6 =	vsel vm12, $0xD00, v6;
	v7 =	vsel vm12, $0x8D00, v7;
	v8 =	vsel vm12, $0x1100, v8  }
0x2a: {  	v9 =	vsel vm12, $0x9100, v9;
	v10 =	vsel vm12, $0x1500, v10;
	v11 =	vsel vm12, $0x9500, v11  }
0x2b: {  	v12 =	vsel vm12, $0x1900, v12;
	v13 =	vsel vm12, $0x9900, v13;
	v14 =	vsel vm12, $0x1D00, v14  }
0x2c: {  	v15 =	vsel vm12, $0x9D00, v15;
	v16 =	vsel vm12, $0x2100, v16;
	v17 =	vsel vm12, $0xA100, v17  }
0x2d: {  	v18 =	vsel vm12, $0x2500, v18;
	v19 =	vsel vm12, $0xA500, v19;
	v20 =	vsel vm12, $0x2900, v20  }
0x2e: {  	v21 =	vsel vm12, $0xA900, v21;
	v22 =	vsel vm12, $0x2D00, v22;
	v23 =	vsel vm12, $0xAD00, v23  }
0x2f: {  	v24 =	vsel vm12, $0x3100, v24;
	v25 =	vsel vm12, $0xB100, v25;
	v26 =	vsel vm12, $0x3500, v26  }
0x30: {  	v27 =	vsel vm12, $0xB500, v27;
	v28 =	vsel vm12, $0x3900, v28;
	v29 =	vsel vm12, $0xB900, v29  }
0x31: {  	v30 =	vsel vm12, $0x3D00, v30;
	v31 =	vsel vm12, $0xBD00, v31;
	vm12 =	vmmov $0x7f  }
0x32: {  	v0 =	vsel vm11, $0x180, v0;
	v1 =	vsel vm11, $0x8180, v1;
	v2 =	vsel vm11, $0x580, v2  }
0x33: {  	v3 =	vsel vm11, $0x8580, v3;
	v4 =	vsel vm11, $0x980, v4;
	v5 =	vsel vm11, $0x8980, v5  }
0x34: {  	v6 =	vsel vm11, $0xD80, v6;
	v7 =	vsel vm11, $0x8D80, v7;
	v8 =	vsel vm11, $0x1180, v8  }
0x35: {  	v9 =	vsel vm11, $0x9180, v9;
	v10 =	vsel vm11, $0x1580, v10;
	v11 =	vsel vm11, $0x9580, v11  }
0x36: {  	v12 =	vsel vm11, $0x1980, v12;
	v13 =	vsel vm11, $0x9980, v13;
	v14 =	vsel vm11, $0x1D80, v14  }
0x37: {  	v15 =	vsel vm11, $0x9D80, v15;
	v16 =	vsel vm11, $0x2180, v16;
	v17 =	vsel vm11, $0xA180, v17  }
0x38: {  	v18 =	vsel vm11, $0x2580, v18;
	v19 =	vsel vm11, $0xA580, v19;
	v20 =	vsel vm11, $0x2980, v20  }
0x39: {  	v21 =	vsel vm11, $0xA980, v21;
	v22 =	vsel vm11, $0x2D80, v22;
	v23 =	vsel vm11, $0xAD80, v23  }
0x3a: {  	v24 =	vsel vm11, $0x3180, v24;
	v25 =	vsel vm11, $0xB180, v25;
	v26 =	vsel vm11, $0x3580, v26  }
0x3b: {  	v27 =	vsel vm11, $0xB580, v27;
	v28 =	vsel vm11, $0x3980, v28;
	v29 =	vsel vm11, $0xB980, v29  }
0x3c: {  	v30 =	vsel vm11, $0x3D80, v30;
	v31 =	vsel vm11, $0xBD80, v31;
	v0 =	vsel vm10, $0x200, v0  }
0x3d: {  	v1 =	vsel vm10, $0x8200, v1;
	v2 =	vsel vm10, $0x600, v2;
	v3 =	vsel vm10, $0x8600, v3  }
0x3e: {  	v4 =	vsel vm10, $0xA00, v4;
	v5 =	vsel vm10, $0x8A00, v5;
	v6 =	vsel vm10, $0xE00, v6  }
0x3f: {  	v7 =	vsel vm10, $0x8E00, v7;
	v8 =	vsel vm10, $0x1200, v8;
	v9 =	vsel vm10, $0x9200, v9  }
0x40: {  	v10 =	vsel vm10, $0x1600, v10;
	v11 =	vsel vm10, $0x9600, v11;
	v12 =	vsel vm10, $0x1A00, v12  }
0x41: {  	v13 =	vsel vm10, $0x9A00, v13;
	v14 =	vsel vm10, $0x1E00, v14;
	v15 =	vsel vm10, $0x9E00, v15  }
0x42: {  	v16 =	vsel vm10, $0x2200, v16;
	v17 =	vsel vm10, $0xA200, v17;
	v18 =	vsel vm10, $0x2600, v18  }
0x43: {  	v19 =	vsel vm10, $0xA600, v19;
	v20 =	vsel vm10, $0x2A00, v20;
	v21 =	vsel vm10, $0xAA00, v21  }
0x44: {  	v22 =	vsel vm10, $0x2E00, v22;
	v23 =	vsel vm10, $0xAE00, v23;
	v24 =	vsel vm10, $0x3200, v24  }
0x45: {  	v25 =	vsel vm10, $0xB200, v25;
	v26 =	vsel vm10, $0x3600, v26;
	v27 =	vsel vm10, $0xB600, v27  }
0x46: {  	v28 =	vsel vm10, $0x3A00, v28;
	v29 =	vsel vm10, $0xBA00, v29;
	v30 =	vsel vm10, $0x3E00, v30  }
0x47: {  	v31 =	vsel vm10, $0xBE00, v31;
	v0 =	vsel vm9, $0x280, v0;
	v1 =	vsel vm9, $0x8280, v1  }
0x48: {  	v2 =	vsel vm9, $0x680, v2;
	v3 =	vsel vm9, $0x8680, v3;
	v4 =	vsel vm9, $0xA80, v4  }
0x49: {  	v5 =	vsel vm9, $0x8A80, v5;
	v6 =	vsel vm9, $0xE80, v6;
	v7 =	vsel vm9, $0x8E80, v7  }
0x4a: {  	v8 =	vsel vm9, $0x1280, v8;
	v9 =	vsel vm9, $0x9280, v9;
	v10 =	vsel vm9, $0x1680, v10  }
0x4b: {  	v11 =	vsel vm9, $0x9680, v11;
	v12 =	vsel vm9, $0x1A80, v12;
	v13 =	vsel vm9, $0x9A80, v13  }
0x4c: {  	v14 =	vsel vm9, $0x1E80, v14;
	v15 =	vsel vm9, $0x9E80, v15;
	v16 =	vsel vm9, $0x2280, v16  }
0x4d: {  	v17 =	vsel vm9, $0xA280, v17;
	v18 =	vsel vm9, $0x2680, v18;
	v19 =	vsel vm9, $0xA680, v19  }
0x4e: {  	v20 =	vsel vm9, $0x2A80, v20;
	v21 =	vsel vm9, $0xAA80, v21;
	v22 =	vsel vm9, $0x2E80, v22  }
0x4f: {  	v23 =	vsel vm9, $0xAE80, v23;
	v24 =	vsel vm9, $0x3280, v24;
	v25 =	vsel vm9, $0xB280, v25  }
0x50: {  	v26 =	vsel vm9, $0x3680, v26;
	v27 =	vsel vm9, $0xB680, v27;
	v28 =	vsel vm9, $0x3A80, v28  }
0x51: {  	v29 =	vsel vm9, $0xBA80, v29;
	v30 =	vsel vm9, $0x3E80, v30;
	v31 =	vsel vm9, $0xBE80, v31  }
0x52: {  	v0 =	vsel vm8, $0x300, v0;
	v1 =	vsel vm8, $0x8300, v1;
	v2 =	vsel vm8, $0x700, v2  }
0x53: {  	v3 =	vsel vm8, $0x8700, v3;
	v4 =	vsel vm8, $0xB00, v4;
	v5 =	vsel vm8, $0x8B00, v5  }
0x54: {  	v6 =	vsel vm8, $0xF00, v6;
	v7 =	vsel vm8, $0x8F00, v7;
	v8 =	vsel vm8, $0x1300, v8  }
0x55: {  	v9 =	vsel vm8, $0x9300, v9;
	v10 =	vsel vm8, $0x1700, v10;
	v11 =	vsel vm8, $0x9700, v11  }
0x56: {  	v12 =	vsel vm8, $0x1B00, v12;
	v13 =	vsel vm8, $0x9B00, v13;
	v14 =	vsel vm8, $0x1F00, v14  }
0x57: {  	v15 =	vsel vm8, $0x9F00, v15;
	v16 =	vsel vm8, $0x2300, v16;
	v17 =	vsel vm8, $0xA300, v17  }
0x58: {  	v18 =	vsel vm8, $0x2700, v18;
	v19 =	vsel vm8, $0xA700, v19;
	v20 =	vsel vm8, $0x2B00, v20  }
0x59: {  	v21 =	vsel vm8, $0xAB00, v21;
	v22 =	vsel vm8, $0x2F00, v22;
	v23 =	vsel vm8, $0xAF00, v23  }
0x5a: {  	v24 =	vsel vm8, $0x3300, v24;
	v25 =	vsel vm8, $0xB300, v25;
	v26 =	vsel vm8, $0x3700, v26  }
0x5b: {  	v27 =	vsel vm8, $0xB700, v27;
	v28 =	vsel vm8, $0x3B00, v28;
	v29 =	vsel vm8, $0xBB00, v29  }
0x5c: {  	v30 =	vsel vm8, $0x3F00, v30;
	v31 =	vsel vm8, $0xBF00, v31;
	v0 =	vsel vm7, $0x380, v0  }
0x5d: {  	v1 =	vsel vm7, $0x8380, v1;
	v2 =	vsel vm7, $0x780, v2;
	v3 =	vsel vm7, $0x8780, v3  }
0x5e: {  	v4 =	vsel vm7, $0xB80, v4;
	v5 =	vsel vm7, $0x8B80, v5;
	v6 =	vsel vm7, $0xF80, v6  }
0x5f: {  	v7 =	vsel vm7, $0x8F80, v7;
	v8 =	vsel vm7, $0x1380, v8;
	v9 =	vsel vm7, $0x9380, v9  }
0x60: {  	v10 =	vsel vm7, $0x1780, v10;
	v11 =	vsel vm7, $0x9780, v11;
	v12 =	vsel vm7, $0x1B80, v12  }
0x61: {  	v13 =	vsel vm7, $0x9B80, v13;
	v14 =	vsel vm7, $0x1F80, v14;
	v15 =	vsel vm7, $0x9F80, v15  }
0x62: {  	v16 =	vsel vm7, $0x2380, v16;
	v17 =	vsel vm7, $0xA380, v17;
	v18 =	vsel vm7, $0x2780, v18  }
0x63: {  	v19 =	vsel vm7, $0xA780, v19;
	v20 =	vsel vm7, $0x2B80, v20;
	v21 =	vsel vm7, $0xAB80, v21  }
0x64: {  	v22 =	vsel vm7, $0x2F80, v22;
	v23 =	vsel vm7, $0xAF80, v23;
	v24 =	vsel vm7, $0x3380, v24  }
0x65: {  	v25 =	vsel vm7, $0xB380, v25;
	v26 =	vsel vm7, $0x3780, v26;
	v27 =	vsel vm7, $0xB780, v27  }
0x66: {  	v28 =	vsel vm7, $0x3B80, v28;
	v29 =	vsel vm7, $0xBB80, v29;
	v30 =	vsel vm7, $0x3F80, v30  }
0x67: {  	v31 =	vsel vm7, $0xBF80, v31;
	v0 =	vsel vm6, $0x4000, v0;
	v1 =	vsel vm6, $0xC000, v1  }
0x68: {  	v2 =	vsel vm6, $0x4400, v2;
	v3 =	vsel vm6, $0xC400, v3;
	v4 =	vsel vm6, $0x4800, v4  }
0x69: {  	v5 =	vsel vm6, $0xC800, v5;
	v6 =	vsel vm6, $0x4C00, v6;
	v7 =	vsel vm6, $0xCC00, v7  }
0x6a: {  	v8 =	vsel vm6, $0x5000, v8;
	v9 =	vsel vm6, $0xD000, v9;
	v10 =	vsel vm6, $0x5400, v10  }
0x6b: {  	v11 =	vsel vm6, $0xD400, v11;
	v12 =	vsel vm6, $0x5800, v12;
	v13 =	vsel vm6, $0xD800, v13  }
0x6c: {  	v14 =	vsel vm6, $0x5C00, v14;
	v15 =	vsel vm6, $0xDC00, v15;
	v16 =	vsel vm6, $0x6000, v16  }
0x6d: {  	v17 =	vsel vm6, $0xE000, v17;
	v18 =	vsel vm6, $0x6400, v18;
	v19 =	vsel vm6, $0xE400, v19  }
0x6e: {  	v20 =	vsel vm6, $0x6800, v20;
	v21 =	vsel vm6, $0xE800, v21;
	v22 =	vsel vm6, $0x6C00, v22  }
0x6f: {  	v23 =	vsel vm6, $0xEC00, v23;
	v24 =	vsel vm6, $0x7000, v24;
	v25 =	vsel vm6, $0xF000, v25  }
0x70: {  	v26 =	vsel vm6, $0x7400, v26;
	v27 =	vsel vm6, $0xF400, v27;
	v28 =	vsel vm6, $0x7800, v28  }
0x71: {  	v29 =	vsel vm6, $0xF800, v29;
	v30 =	vsel vm6, $0x7C00, v30;
	v31 =	vsel vm6, $0xFC00, v31  }
0x72: {  	v0 =	vsel vm0, $0x4080, v0;
	v1 =	vsel vm0, $0xC080, v1;
	v2 =	vsel vm0, $0x4480, v2  }
0x73: {  	v3 =	vsel vm0, $0xC480, v3;
	v4 =	vsel vm0, $0x4880, v4;
	v5 =	vsel vm0, $0xC880, v5  }
0x74: {  	v6 =	vsel vm0, $0x4C80, v6;
	v7 =	vsel vm0, $0xCC80, v7;
	v8 =	vsel vm0, $0x5080, v8  }
0x75: {  	v9 =	vsel vm0, $0xD080, v9;
	v10 =	vsel vm0, $0x5480, v10;
	v11 =	vsel vm0, $0xD480, v11  }
0x76: {  	v12 =	vsel vm0, $0x5880, v12;
	v13 =	vsel vm0, $0xD880, v13;
	v14 =	vsel vm0, $0x5C80, v14  }
0x77: {  	v15 =	vsel vm0, $0xDC80, v15;
	v16 =	vsel vm0, $0x6080, v16;
	v17 =	vsel vm0, $0xE080, v17  }
0x78: {  	v18 =	vsel vm0, $0x6480, v18;
	v19 =	vsel vm0, $0xE480, v19;
	v20 =	vsel vm0, $0x6880, v20  }
0x79: {  	v21 =	vsel vm0, $0xE880, v21;
	v22 =	vsel vm0, $0x6C80, v22;
	v23 =	vsel vm0, $0xEC80, v23  }
0x7a: {  	v24 =	vsel vm0, $0x7080, v24;
	v25 =	vsel vm0, $0xF080, v25;
	v26 =	vsel vm0, $0x7480, v26  }
0x7b: {  	v27 =	vsel vm0, $0xF480, v27;
	v28 =	vsel vm0, $0x7880, v28;
	v29 =	vsel vm0, $0xF880, v29  }
0x7c: {  	v30 =	vsel vm0, $0x7C80, v30;
	v31 =	vsel vm0, $0xFC80, v31;
	v0 =	vsel vm1, $0x4100, v0  }
0x7d: {  	v1 =	vsel vm1, $0xC100, v1;
	v2 =	vsel vm1, $0x4500, v2;
	v3 =	vsel vm1, $0xC500, v3  }
0x7e: {  	v4 =	vsel vm1, $0x4900, v4;
	v5 =	vsel vm1, $0xC900, v5;
	v6 =	vsel vm1, $0x4D00, v6  }
0x7f: {  	v7 =	vsel vm1, $0xCD00, v7;
	v8 =	vsel vm1, $0x5100, v8;
	v9 =	vsel vm1, $0xD100, v9  }
0x80: {  	v10 =	vsel vm1, $0x5500, v10;
	v11 =	vsel vm1, $0xD500, v11;
	v12 =	vsel vm1, $0x5900, v12  }
0x81: {  	v13 =	vsel vm1, $0xD900, v13;
	v14 =	vsel vm1, $0x5D00, v14;
	v15 =	vsel vm1, $0xDD00, v15  }
0x82: {  	v16 =	vsel vm1, $0x6100, v16;
	v17 =	vsel vm1, $0xE100, v17;
	v18 =	vsel vm1, $0x6500, v18  }
0x83: {  	v19 =	vsel vm1, $0xE500, v19;
	v20 =	vsel vm1, $0x6900, v20;
	v21 =	vsel vm1, $0xE900, v21  }
0x84: {  	v22 =	vsel vm1, $0x6D00, v22;
	v23 =	vsel vm1, $0xED00, v23;
	v24 =	vsel vm1, $0x7100, v24  }
0x85: {  	v25 =	vsel vm1, $0xF100, v25;
	v26 =	vsel vm1, $0x7500, v26;
	v27 =	vsel vm1, $0xF500, v27  }
0x86: {  	v28 =	vsel vm1, $0x7900, v28;
	v29 =	vsel vm1, $0xF900, v29;
	v30 =	vsel vm1, $0x7D00, v30  }
0x87: {  	v31 =	vsel vm1, $0xFD00, v31;
	v0 =	vsel vm2, $0x4180, v0;
	v1 =	vsel vm2, $0xC180, v1  }
0x88: {  	v2 =	vsel vm2, $0x4580, v2;
	v3 =	vsel vm2, $0xC580, v3;
	v4 =	vsel vm2, $0x4980, v4  }
0x89: {  	v5 =	vsel vm2, $0xC980, v5;
	v6 =	vsel vm2, $0x4D80, v6;
	v7 =	vsel vm2, $0xCD80, v7  }
0x8a: {  	v8 =	vsel vm2, $0x5180, v8;
	v9 =	vsel vm2, $0xD180, v9;
	v10 =	vsel vm2, $0x5580, v10  }
0x8b: {  	v11 =	vsel vm2, $0xD580, v11;
	v12 =	vsel vm2, $0x5980, v12;
	v13 =	vsel vm2, $0xD980, v13  }
0x8c: {  	v14 =	vsel vm2, $0x5D80, v14;
	v15 =	vsel vm2, $0xDD80, v15;
	v16 =	vsel vm2, $0x6180, v16  }
0x8d: {  	v17 =	vsel vm2, $0xE180, v17;
	v18 =	vsel vm2, $0x6580, v18;
	v19 =	vsel vm2, $0xE580, v19  }
0x8e: {  	v20 =	vsel vm2, $0x6980, v20;
	v21 =	vsel vm2, $0xE980, v21;
	v22 =	vsel vm2, $0x6D80, v22  }
0x8f: {  	v23 =	vsel vm2, $0xED80, v23;
	v24 =	vsel vm2, $0x7180, v24;
	v25 =	vsel vm2, $0xF180, v25  }
0x90: {  	v26 =	vsel vm2, $0x7580, v26;
	v27 =	vsel vm2, $0xF580, v27;
	v28 =	vsel vm2, $0x7980, v28  }
0x91: {  	v29 =	vsel vm2, $0xF980, v29;
	v30 =	vsel vm2, $0x7D80, v30;
	v0 =	vsel vm3, $0x4200, v0  }
0x92: {  	v31 =	vsel vm2, $0xFD80, v31;
	v1 =	vsel vm3, $0xC200, v1;
	v0 =	vsel vm4, $0x4280, v0  }
0x93: {  	v2 =	vsel vm3, $0x4600, v2;
	v1 =	vsel vm4, $0xC280, v1;
	v0 =	vsel vm5, $0x4300, v0  }
0x94: {  	v3 =	vsel vm3, $0xC600, v3;
	v2 =	vsel vm4, $0x4680, v2;
	v33 =	vsel vm5, $0xC300, v1;
	[tilespmem:$0x1FE00] =	vst v0  }
0x95: {  	v4 =	vsel vm3, $0x4A00, v4;
	v3 =	vsel vm4, $0xC680, v3;
	v34 =	vsel vm5, $0x4700, v2;
	[tilespmem:$0x1FE10] =	vst v33  }
0x96: {  	v5 =	vsel vm3, $0xCA00, v5;
	v4 =	vsel vm4, $0x4A80, v4;
	v35 =	vsel vm5, $0xC700, v3;
	[tilespmem:$0x1FE20] =	vst v34  }
0x97: {  	v6 =	vsel vm3, $0x4E00, v6;
	v5 =	vsel vm4, $0xCA80, v5;
	v36 =	vsel vm5, $0x4B00, v4;
	[tilespmem:$0x1FE30] =	vst v35  }
0x98: {  	v7 =	vsel vm3, $0xCE00, v7;
	v6 =	vsel vm4, $0x4E80, v6;
	v37 =	vsel vm5, $0xCB00, v5;
	[tilespmem:$0x1FE40] =	vst v36  }
0x99: {  	v8 =	vsel vm3, $0x5200, v8;
	v7 =	vsel vm4, $0xCE80, v7;
	v38 =	vsel vm5, $0x4F00, v6;
	[tilespmem:$0x1FE50] =	vst v37  }
0x9a: {  	v9 =	vsel vm3, $0xD200, v9;
	v8 =	vsel vm4, $0x5280, v8;
	v39 =	vsel vm5, $0xCF00, v7;
	[tilespmem:$0x1FE60] =	vst v38  }
0x9b: {  	v10 =	vsel vm3, $0x5600, v10;
	v9 =	vsel vm4, $0xD280, v9;
	v40 =	vsel vm5, $0x5300, v8;
	[tilespmem:$0x1FE70] =	vst v39  }
0x9c: {  	v11 =	vsel vm3, $0xD600, v11;
	v10 =	vsel vm4, $0x5680, v10;
	v41 =	vsel vm5, $0xD300, v9;
	[tilespmem:$0x1FE80] =	vst v40  }
0x9d: {  	v12 =	vsel vm3, $0x5A00, v12;
	v11 =	vsel vm4, $0xD680, v11;
	v42 =	vsel vm5, $0x5700, v10;
	[tilespmem:$0x1FE90] =	vst v41  }
0x9e: {  	v13 =	vsel vm3, $0xDA00, v13;
	v12 =	vsel vm4, $0x5A80, v12;
	v43 =	vsel vm5, $0xD700, v11;
	[tilespmem:$0x1FEA0] =	vst v42  }
0x9f: {  	v14 =	vsel vm3, $0x5E00, v14;
	v13 =	vsel vm4, $0xDA80, v13;
	v44 =	vsel vm5, $0x5B00, v12;
	[tilespmem:$0x1FEB0] =	vst v43  }
0xa0: {  	v15 =	vsel vm3, $0xDE00, v15;
	v14 =	vsel vm4, $0x5E80, v14;
	v45 =	vsel vm5, $0xDB00, v13;
	[tilespmem:$0x1FEC0] =	vst v44  }
0xa1: {  	v16 =	vsel vm3, $0x6200, v16;
	v15 =	vsel vm4, $0xDE80, v15;
	v46 =	vsel vm5, $0x5F00, v14;
	[tilespmem:$0x1FED0] =	vst v45  }
0xa2: {  	s2 =	rddreg [dreg:$0x0];
	v17 =	vsel vm3, $0xE200, v17;
	v16 =	vsel vm4, $0x6280, v16;
	v47 =	vsel vm5, $0xDF00, v15;
	[tilespmem:$0x1FEE0] =	vst v46  }
0xa3: {  	s3 =	rddreg [dreg:$0x1];
	v18 =	vsel vm3, $0x6600, v18;
	v17 =	vsel vm4, $0xE280, v17;
	v48 =	vsel vm5, $0x6300, v16;
	[tilespmem:$0x1FEF0] =	vst v47  }
0xa4: {  	s0 =	rddreg [dreg:$0x2];
	v19 =	vsel vm3, $0xE600, v19;
	v18 =	vsel vm4, $0x6680, v18;
	v49 =	vsel vm5, $0xE300, v17;
	[tilespmem:$0x1FF00] =	vst v48  }
0xa5: {  	s1 =	rddreg [dreg:$0x3];
	s10 =	simm.s32 $0x400;
	s11 =	simm.s32 $0xF800;
	v20 =	vsel vm3, $0x6A00, v20;
	v19 =	vsel vm4, $0xE680, v19;
	v50 =	vsel vm5, $0x6700, v18;
	[tilespmem:$0x1FF10] =	vst v49  }
0xa6: {  	s5 =	rddreg [dreg:$0x4];
	s12 =	simm.s32 $0x3C00;
	s13 =	simm.s32 $0x7C00;
	v21 =	vsel vm3, $0xEA00, v21;
	v20 =	vsel vm4, $0x6A80, v20;
	v51 =	vsel vm5, $0xE700, v19;
	[tilespmem:$0x1FF20] =	vst v50  }
0xa7: {  	s6 =	srdreg.scid;
	s14 =	simm.s32 $0xBC00;
	s15 =	simm.s32 $0xFC00;
	v22 =	vsel vm3, $0x6E00, v22;
	v21 =	vsel vm4, $0xEA80, v21;
	v52 =	vsel vm5, $0x6B00, v20;
	[tilespmem:$0x1FF30] =	vst v51  }
0xa8: {  	s4 =	simm.s32 $0x0;
	s16 =	simm.s32 $0x4000;
	s17 =	simm.s32 $0x8000;
	v23 =	vsel vm3, $0xEE00, v23;
	v22 =	vsel vm4, $0x6E80, v22;
	v53 =	vsel vm5, $0xEB00, v21;
	[tilespmem:$0x1FF40] =	vst v52  }
0xa9: {  	s8 =	stileid.u32;
	s18 =	simm.s32 $0xC000;
	s19 =	simm.s32 $0x10000;
	v24 =	vsel vm3, $0x7200, v24;
	v23 =	vsel vm4, $0xEE80, v23;
	v54 =	vsel vm5, $0x6F00, v22;
	[tilespmem:$0x1FF50] =	vst v53  }
0xaa: {  	s20 =	simm.s32 $0x1;
	s21 =	simm.s32 $0x2;
	s22 =	simm.s32 $0x3;
	v25 =	vsel vm3, $0xF200, v25;
	v24 =	vsel vm4, $0x7280, v24;
	v55 =	vsel vm5, $0xEF00, v23;
	[tilespmem:$0x1FF60] =	vst v54  }
0xab: {  	s23 =	simm.s32 $0x4;
	s24 =	simm.s32 $0x5;
	s25 =	simm.s32 $0x6;
	v26 =	vsel vm3, $0x7600, v26;
	v25 =	vsel vm4, $0xF280, v25;
	v56 =	vsel vm5, $0x7300, v24;
	[tilespmem:$0x1FF70] =	vst v55  }
0xac: {  	s26 =	simm.s32 $0x7;
	s6 =	sand.u32 $0x1, s6;
	s8 =	sshll.u32 s8, $0x7;
	v27 =	vsel vm3, $0xF600, v27;
	v26 =	vsel vm4, $0x7680, v26;
	v57 =	vsel vm5, $0xF300, v25;
	[tilespmem:$0x1FF80] =	vst v56  }
0xad: {  	[smem:$0x7FF] =	sst s4;
	s7 =	ssub.s32 $0x2, s6;
	s6 =	sshll.u32 s6, $0x6;
	v28 =	vsel vm3, $0x7A00, v28;
	v27 =	vsel vm4, $0xF680, v27;
	v58 =	vsel vm5, $0x7700, v26;
	[tilespmem:$0x1FF90] =	vst v57  }
0xae: {  	s28 =	simm.s32 $0x8;
	s6 =	sor.u32 s6, s8;
	v29 =	vsel vm3, $0xFA00, v29;
	v28 =	vsel vm4, $0x7A80, v28;
	v59 =	vsel vm5, $0xF700, v27;
	_ =	strace $0x80000047;
	[tilespmem:$0x1FFA0] =	vst v58  }
.Ltmp0:
0xaf: {  	s9 =	sshrl.u32 s7, $0x1;
	s2 =	sadd.s32 s2, s6;
	v30 =	vsel vm3, $0x7E00, v30;
	v29 =	vsel vm4, $0xFA80, v29;
	v60 =	vsel vm5, $0x7B00, v28;
	[tilespmem:$0x1FFB0] =	vst v59;
	(pc) =	sbr.rel .LBB2_1-.Ltmp0, $4  }
0xb0: {  	s8 =	simm.s32 $0x7800;
	s29 =	sadd.s32 s3, s6;
	v31 =	vsel vm3, $0xFE00, v31;
	v30 =	vsel vm4, $0x7E80, v30;
	v61 =	vsel vm5, $0xFB00, v29;
	[dreg:$0x6] =	wrdreg s2;
	[tilespmem:$0x1FFC0] =	vst v60  }
0xb1: {  	s7 =	ssub.s32 s7, s9;
	s30 =	sadd.s32 s5, s6;
	vm11 =	vmmov $0x3f;
	v31 =	vsel vm4, $0xFE80, v31;
	v62 =	vsel vm5, $0x7F00, v30;
	[dreg:$0x7] =	wrdreg s29;
	[tilespmem:$0x1FFD0] =	vst v61  }
0xb2: {  	s3 =	simm.s32 $0x9;
	s31 =	smax.u32 s7, $0x1;
	vm10 =	vmmov $0x1f;
	vm9 =	vmmov $0xf;
	v63 =	vsel vm5, $0xFF00, v31;
	[dreg:$0x8] =	wrdreg s30;
	[tilespmem:$0x1FFE0] =	vst v62  }
0xb3: {  	s9 =	simm.s32 $0xB800;
	s5 =	simm.s32 $0x0;
	vm8 =	vmmov $0x7;
	vm7 =	vmmov $0x3;
	vm6 =	vmmov $0x1;
	[dreg:$0x9] =	wrdreg s31;
	[tilespmem:$0x1FFF0] =	vst v63  }
.LBB2_3:
0xb4: {  	[tilespmem:s31+$0x0] =	vst v34  }
.LBB2_5:
0xb5: {  	s2 =	rddreg [dreg:$0x8];
	s3 =	simm.s32 $0x10400  }
0xb6: {  	[hbm4b:s2+s4] =	stream.linear.scatter [tilespmem:s3], [sflag:$0x9], $0x200, $0x38;
	[tilespmem:$0x10600] =	vst v63  }
0xb7: {  	s3 =	simm.s32 $0x9  }
0xb8: {  	_ =	swait.ge [sflag:s3], $0x200  }
0xb9: {  	s5 =	rddreg [dreg:$0xa]  }
0xba: {  	s31 =	rddreg [dreg:$0x9];
	s5 =	sadd.s32 $0x1, s5  }
0xbb: {  	p0 =	sne.s32 s5, s31  }
.Ltmp1:
0xbc: {  	_ = 	snop;
	(pc) =	sbr.rel @!p0 .LBB2_6-.Ltmp1, $3  }
0xbd: {  	_ =	sdelay $0x1  }
0xbe: {  	[sflag:s3] =	ssyncset.done $0x0  }
0xbf: {  	[sflag:s3] =	ssyncadd.s32 $0xFFFFFE00  }
.LBB2_1:
0xc0: {  	[dreg:$0xa] =	wrdreg s5  }
0xc1: {  	s2 =	rddreg [dreg:$0x6]  }
0xc2: {  	[tilespmem:s4], [sflag:$0x9] =	stream.linear.gather [hbm4b:s2+s4], $0x200, $0x38;
	[tilespmem:$0x10600] =	vst v63  }
0xc3: {  	_ =	swait.ge [sflag:s3], $0x200  }
0xc4: {  	[sflag:s3] =	ssyncset.done $0x0  }
0xc5: {  	s29 =	simm.s32 $0x200;
	s7 =	rddreg [dreg:$0x7];
	[sflag:s3] =	ssyncadd.s32 $0xFFFFFE00  }
0xc6: {  	[tilespmem:s29], [sflag:$0x9] =	stream.linear.gather [hbm4b:s7+s4], $0x200, $0x38;
	[tilespmem:$0x10600] =	vst v63  }
0xc7: {  	_ =	swait.ge [sflag:s3], $0x200  }
0xc8: {  	[sflag:s3] =	ssyncset.done $0x0  }
0xc9: {  	[sflag:s3] =	ssyncadd.s32 $0xFFFFFE00  }
0xca: {  	v33 =	vld [tilespmem:$0x0];
	_ =	sdelay $0x4  }
0xcb: {  	(v2sf) =	vpush v33, $0x0;
	_ =	sdelay $0x2  }
0xcc: {  	v32 =	vld [tilespmem:$0x200];
	_ =	sdelay $0x4  }
0xcd: {  	(v2sf) =	vpush v32, $0x0;
	_ =	sdelay $0x6  }
0xce: {  	s5 =	spop (v2sf)  }
0xcf: {  	s2 =	sand.u32 $0xFFFFF80, s5  }
0xd0: {  	(v2sf) =	vpush v33, $0x1;
	s2 =	sadd.s32 s0, s2  }
0xd1: {  	[tilespmem:s10], [sflag:$0x1] =	stream.linear.gather [hbm4b:s2+s4], $0x400, $0x38;
	[tilespmem:$0x10600] =	vst v63  }
0xd2: {  	s7 =	simm.s32 $0x4400;
	s6 =	sadd.s32 $0xF4280, s2  }
0xd3: {  	[tilespmem:s7], [sflag:$0x1] =	stream.linear.gather [hbm4b:s6+s4], $0x400, $0x38;
	[tilespmem:$0x10600] =	vst v63  }
0xd4: {  	s5 =	sadd.s32 $0x1E8500, s2;
	s6 =	simm.s32 $0x8400  }
0xd5: {  	[tilespmem:s6], [sflag:$0x1] =	stream.linear.gather [hbm4b:s5+s4], $0x400, $0x38;
	[tilespmem:$0x10600] =	vst v63  }
0xd6: {  	s3 =	spop (v2sf);
	s2 =	sadd.s32 $0x2DC780, s2;
	s7 =	simm.s32 $0xC400  }
0xd7: {  	[tilespmem:s7], [sflag:$0x1] =	stream.linear.gather [hbm4b:s2+s4], $0x400, $0x38;
	[tilespmem:$0x10600] =	vst v63  }
0xd8: {  	s2 =	sand.u32 $0xFFFFF80, s3  }
0xd9: {  	(v2sf) =	vpush v32, $0x1;
	s5 =	simm.s32 $0x800;
	s2 =	sadd.s32 s1, s2  }
0xda: {  	[tilespmem:s5], [sflag:$0x1] =	stream.linear.gather [hbm4b:s2+s4], $0x400, $0x38;
	[tilespmem:$0x10600] =	vst v63  }
0xdb: {  	s7 =	simm.s32 $0x4800;
	s6 =	sadd.s32 $0xF4280, s2  }
0xdc: {  	[tilespmem:s7], [sflag:$0x1] =	stream.linear.gather [hbm4b:s6+s4], $0x400, $0x38;
	[tilespmem:$0x10600] =	vst v63  }
0xdd: {  	s5 =	sadd.s32 $0x1E8500, s2;
	s6 =	simm.s32 $0x8800  }
0xde: {  	[tilespmem:s6], [sflag:$0x1] =	stream.linear.gather [hbm4b:s5+s4], $0x400, $0x38;
	[tilespmem:$0x10600] =	vst v63  }
0xdf: {  	s2 =	sadd.s32 $0x2DC780, s2;
	s7 =	simm.s32 $0xC800;
	s3 =	spop (v2sf)  }
0xe0: {  	[tilespmem:s7], [sflag:$0x1] =	stream.linear.gather [hbm4b:s2+s4], $0x400, $0x38;
	[tilespmem:$0x10600] =	vst v63  }
0xe1: {  	s2 =	sand.u32 $0xFFFFF80, s3  }
0xe2: {  	s5 =	simm.s32 $0xC00;
	(v2sf) =	vpush v33, $0x2;
	s2 =	sadd.s32 s0, s2  }
0xe3: {  	[tilespmem:s5], [sflag:$0x2] =	stream.linear.gather [hbm4b:s2+s4], $0x400, $0x38;
	[tilespmem:$0x10600] =	vst v63  }
0xe4: {  	s7 =	simm.s32 $0x4C00;
	s6 =	sadd.s32 $0xF4280, s2  }
0xe5: {  	[tilespmem:s7], [sflag:$0x2] =	stream.linear.gather [hbm4b:s6+s4], $0x400, $0x38;
	[tilespmem:$0x10600] =	vst v63  }
0xe6: {  	s5 =	sadd.s32 $0x1E8500, s2;
	s6 =	simm.s32 $0x8C00  }
0xe7: {  	[tilespmem:s6], [sflag:$0x2] =	stream.linear.gather [hbm4b:s5+s4], $0x400, $0x38;
	[tilespmem:$0x10600] =	vst v63  }
0xe8: {  	s3 =	spop (v2sf);
	s2 =	sadd.s32 $0x2DC780, s2;
	s7 =	simm.s32 $0xCC00  }
0xe9: {  	[tilespmem:s7], [sflag:$0x2] =	stream.linear.gather [hbm4b:s2+s4], $0x400, $0x38;
	[tilespmem:$0x10600] =	vst v63  }
0xea: {  	s2 =	sand.u32 $0xFFFFF80, s3  }
0xeb: {  	(v2sf) =	vpush v32, $0x2;
	s5 =	simm.s32 $0x1000;
	s2 =	sadd.s32 s1, s2  }
0xec: {  	[tilespmem:s5], [sflag:$0x2] =	stream.linear.gather [hbm4b:s2+s4], $0x400, $0x38;
	[tilespmem:$0x10600] =	vst v63  }
0xed: {  	s7 =	simm.s32 $0x5000;
	s6 =	sadd.s32 $0xF4280, s2  }
0xee: {  	[tilespmem:s7], [sflag:$0x2] =	stream.linear.gather [hbm4b:s6+s4], $0x400, $0x38;
	[tilespmem:$0x10600] =	vst v63  }
0xef: {  	s5 =	sadd.s32 $0x1E8500, s2;
	s6 =	simm.s32 $0x9000  }
0xf0: {  	[tilespmem:s6], [sflag:$0x2] =	stream.linear.gather [hbm4b:s5+s4], $0x400, $0x38;
	[tilespmem:$0x10600] =	vst v63  }
0xf1: {  	s2 =	sadd.s32 $0x2DC780, s2;
	s7 =	simm.s32 $0xD000;
	s3 =	spop (v2sf)  }
0xf2: {  	[tilespmem:s7], [sflag:$0x2] =	stream.linear.gather [hbm4b:s2+s4], $0x400, $0x38;
	[tilespmem:$0x10600] =	vst v63  }
0xf3: {  	s2 =	sand.u32 $0xFFFFF80, s3  }
0xf4: {  	(v2sf) =	vpush v33, $0x3;
	s5 =	simm.s32 $0x1400;
	s2 =	sadd.s32 s0, s2  }
0xf5: {  	[tilespmem:s5], [sflag:$0x3] =	stream.linear.gather [hbm4b:s2+s4], $0x400, $0x38;
	[tilespmem:$0x10600] =	vst v63  }
0xf6: {  	s7 =	simm.s32 $0x5400;
	s6 =	sadd.s32 $0xF4280, s2  }
0xf7: {  	[tilespmem:s7], [sflag:$0x3] =	stream.linear.gather [hbm4b:s6+s4], $0x400, $0x38;
	[tilespmem:$0x10600] =	vst v63  }
0xf8: {  	s5 =	sadd.s32 $0x1E8500, s2;
	s6 =	simm.s32 $0x9400  }
0xf9: {  	[tilespmem:s6], [sflag:$0x3] =	stream.linear.gather [hbm4b:s5+s4], $0x400, $0x38;
	[tilespmem:$0x10600] =	vst v63  }
0xfa: {  	s3 =	spop (v2sf);
	s2 =	sadd.s32 $0x2DC780, s2;
	s7 =	simm.s32 $0xD400  }
0xfb: {  	[tilespmem:s7], [sflag:$0x3] =	stream.linear.gather [hbm4b:s2+s4], $0x400, $0x38;
	[tilespmem:$0x10600] =	vst v63  }
0xfc: {  	s2 =	sand.u32 $0xFFFFF80, s3  }
0xfd: {  	(v2sf) =	vpush v32, $0x3;
	s5 =	simm.s32 $0x1800;
	s2 =	sadd.s32 s1, s2  }
0xfe: {  	[tilespmem:s5], [sflag:$0x3] =	stream.linear.gather [hbm4b:s2+s4], $0x400, $0x38;
	[tilespmem:$0x10600] =	vst v63  }
0xff: {  	s7 =	simm.s32 $0x5800;
	s6 =	sadd.s32 $0xF4280, s2  }
0x100: {  	[tilespmem:s7], [sflag:$0x3] =	stream.linear.gather [hbm4b:s6+s4], $0x400, $0x38;
	[tilespmem:$0x10600] =	vst v63  }
0x101: {  	s5 =	sadd.s32 $0x1E8500, s2;
	s6 =	simm.s32 $0x9800  }
0x102: {  	[tilespmem:s6], [sflag:$0x3] =	stream.linear.gather [hbm4b:s5+s4], $0x400, $0x38;
	[tilespmem:$0x10600] =	vst v63  }
0x103: {  	s2 =	sadd.s32 $0x2DC780, s2;
	s7 =	simm.s32 $0xD800;
	s3 =	spop (v2sf)  }
0x104: {  	[tilespmem:s7], [sflag:$0x3] =	stream.linear.gather [hbm4b:s2+s4], $0x400, $0x38;
	[tilespmem:$0x10600] =	vst v63  }
0x105: {  	s2 =	sand.u32 $0xFFFFF80, s3  }
0x106: {  	(v2sf) =	vpush v33, $0x4;
	s5 =	simm.s32 $0x1C00;
	s2 =	sadd.s32 s0, s2  }
0x107: {  	[tilespmem:s5], [sflag:$0x4] =	stream.linear.gather [hbm4b:s2+s4], $0x400, $0x38;
	[tilespmem:$0x10600] =	vst v63  }
0x108: {  	s7 =	simm.s32 $0x5C00;
	s6 =	sadd.s32 $0xF4280, s2  }
0x109: {  	[tilespmem:s7], [sflag:$0x4] =	stream.linear.gather [hbm4b:s6+s4], $0x400, $0x38;
	[tilespmem:$0x10600] =	vst v63  }
0x10a: {  	s5 =	sadd.s32 $0x1E8500, s2;
	s6 =	simm.s32 $0x9C00  }
0x10b: {  	[tilespmem:s6], [sflag:$0x4] =	stream.linear.gather [hbm4b:s5+s4], $0x400, $0x38;
	[tilespmem:$0x10600] =	vst v63  }
0x10c: {  	s3 =	spop (v2sf);
	s2 =	sadd.s32 $0x2DC780, s2;
	s7 =	simm.s32 $0xDC00  }
0x10d: {  	[tilespmem:s7], [sflag:$0x4] =	stream.linear.gather [hbm4b:s2+s4], $0x400, $0x38;
	[tilespmem:$0x10600] =	vst v63  }
0x10e: {  	s2 =	sand.u32 $0xFFFFF80, s3  }
0x10f: {  	(v2sf) =	vpush v32, $0x4;
	s5 =	simm.s32 $0x2000;
	s2 =	sadd.s32 s1, s2  }
0x110: {  	[tilespmem:s5], [sflag:$0x4] =	stream.linear.gather [hbm4b:s2+s4], $0x400, $0x38;
	[tilespmem:$0x10600] =	vst v63  }
0x111: {  	s7 =	simm.s32 $0x6000;
	s6 =	sadd.s32 $0xF4280, s2  }
0x112: {  	[tilespmem:s7], [sflag:$0x4] =	stream.linear.gather [hbm4b:s6+s4], $0x400, $0x38;
	[tilespmem:$0x10600] =	vst v63  }
0x113: {  	s5 =	sadd.s32 $0x1E8500, s2;
	s6 =	simm.s32 $0xA000  }
0x114: {  	[tilespmem:s6], [sflag:$0x4] =	stream.linear.gather [hbm4b:s5+s4], $0x400, $0x38;
	[tilespmem:$0x10600] =	vst v63  }
0x115: {  	s2 =	sadd.s32 $0x2DC780, s2;
	s3 =	spop (v2sf);
	s7 =	simm.s32 $0xE000  }
0x116: {  	[tilespmem:s7], [sflag:$0x4] =	stream.linear.gather [hbm4b:s2+s4], $0x400, $0x38;
	[tilespmem:$0x10600] =	vst v63  }
0x117: {  	s2 =	sand.u32 $0xFFFFF80, s3  }
0x118: {  	(v2sf) =	vpush v33, $0x5;
	s5 =	simm.s32 $0x2400;
	s2 =	sadd.s32 s0, s2  }
0x119: {  	[tilespmem:s5], [sflag:$0x5] =	stream.linear.gather [hbm4b:s2+s4], $0x400, $0x38;
	[tilespmem:$0x10600] =	vst v63  }
0x11a: {  	s7 =	simm.s32 $0x6400;
	s6 =	sadd.s32 $0xF4280, s2  }
0x11b: {  	[tilespmem:s7], [sflag:$0x5] =	stream.linear.gather [hbm4b:s6+s4], $0x400, $0x38;
	[tilespmem:$0x10600] =	vst v63  }
0x11c: {  	s5 =	sadd.s32 $0x1E8500, s2;
	s6 =	simm.s32 $0xA400  }
0x11d: {  	[tilespmem:s6], [sflag:$0x5] =	stream.linear.gather [hbm4b:s5+s4], $0x400, $0x38;
	[tilespmem:$0x10600] =	vst v63  }
0x11e: {  	s3 =	spop (v2sf);
	s2 =	sadd.s32 $0x2DC780, s2;
	s7 =	simm.s32 $0xE400  }
0x11f: {  	[tilespmem:s7], [sflag:$0x5] =	stream.linear.gather [hbm4b:s2+s4], $0x400, $0x38;
	[tilespmem:$0x10600] =	vst v63  }
0x120: {  	s2 =	sand.u32 $0xFFFFF80, s3  }
0x121: {  	(v2sf) =	vpush v32, $0x5;
	s5 =	simm.s32 $0x2800;
	s2 =	sadd.s32 s1, s2  }
0x122: {  	[tilespmem:s5], [sflag:$0x5] =	stream.linear.gather [hbm4b:s2+s4], $0x400, $0x38;
	[tilespmem:$0x10600] =	vst v63  }
0x123: {  	s7 =	simm.s32 $0x6800;
	s6 =	sadd.s32 $0xF4280, s2  }
0x124: {  	[tilespmem:s7], [sflag:$0x5] =	stream.linear.gather [hbm4b:s6+s4], $0x400, $0x38;
	[tilespmem:$0x10600] =	vst v63  }
0x125: {  	s5 =	sadd.s32 $0x1E8500, s2;
	s6 =	simm.s32 $0xA800  }
0x126: {  	[tilespmem:s6], [sflag:$0x5] =	stream.linear.gather [hbm4b:s5+s4], $0x400, $0x38;
	[tilespmem:$0x10600] =	vst v63  }
0x127: {  	s2 =	sadd.s32 $0x2DC780, s2;
	s3 =	spop (v2sf);
	s7 =	simm.s32 $0xE800  }
0x128: {  	[tilespmem:s7], [sflag:$0x5] =	stream.linear.gather [hbm4b:s2+s4], $0x400, $0x38;
	[tilespmem:$0x10600] =	vst v63  }
0x129: {  	s2 =	sand.u32 $0xFFFFF80, s3  }
0x12a: {  	(v2sf) =	vpush v33, $0x6;
	s5 =	simm.s32 $0x2C00;
	s2 =	sadd.s32 s0, s2  }
0x12b: {  	[tilespmem:s5], [sflag:$0x6] =	stream.linear.gather [hbm4b:s2+s4], $0x400, $0x38;
	[tilespmem:$0x10600] =	vst v63  }
0x12c: {  	s7 =	simm.s32 $0x6C00;
	s6 =	sadd.s32 $0xF4280, s2  }
0x12d: {  	[tilespmem:s7], [sflag:$0x6] =	stream.linear.gather [hbm4b:s6+s4], $0x400, $0x38;
	[tilespmem:$0x10600] =	vst v63  }
0x12e: {  	s5 =	sadd.s32 $0x1E8500, s2;
	s6 =	simm.s32 $0xAC00  }
0x12f: {  	[tilespmem:s6], [sflag:$0x6] =	stream.linear.gather [hbm4b:s5+s4], $0x400, $0x38;
	[tilespmem:$0x10600] =	vst v63  }
0x130: {  	s3 =	spop (v2sf);
	s2 =	sadd.s32 $0x2DC780, s2;
	s7 =	simm.s32 $0xEC00  }
0x131: {  	[tilespmem:s7], [sflag:$0x6] =	stream.linear.gather [hbm4b:s2+s4], $0x400, $0x38;
	[tilespmem:$0x10600] =	vst v63  }
0x132: {  	s2 =	sand.u32 $0xFFFFF80, s3  }
0x133: {  	(v2sf) =	vpush v32, $0x6;
	s5 =	simm.s32 $0x3000;
	s2 =	sadd.s32 s1, s2  }
0x134: {  	[tilespmem:s5], [sflag:$0x6] =	stream.linear.gather [hbm4b:s2+s4], $0x400, $0x38;
	[tilespmem:$0x10600] =	vst v63  }
0x135: {  	s7 =	simm.s32 $0x7000;
	s6 =	sadd.s32 $0xF4280, s2  }
0x136: {  	[tilespmem:s7], [sflag:$0x6] =	stream.linear.gather [hbm4b:s6+s4], $0x400, $0x38;
	[tilespmem:$0x10600] =	vst v63  }
0x137: {  	s5 =	sadd.s32 $0x1E8500, s2;
	s6 =	simm.s32 $0xB000  }
0x138: {  	[tilespmem:s6], [sflag:$0x6] =	stream.linear.gather [hbm4b:s5+s4], $0x400, $0x38;
	[tilespmem:$0x10600] =	vst v63  }
0x139: {  	s3 =	spop (v2sf);
	s2 =	sadd.s32 $0x2DC780, s2;
	s7 =	simm.s32 $0xF000  }
0x13a: {  	(v2sf) =	vpush v33, $0x7;
	[tilespmem:s7], [sflag:$0x6] =	stream.linear.gather [hbm4b:s2+s4], $0x400, $0x38;
	[tilespmem:$0x10600] =	vst v63  }
0x13b: {  	s2 =	sand.u32 $0xFFFFF80, s3  }
0x13c: {  	s5 =	simm.s32 $0x3400;
	s2 =	sadd.s32 s0, s2  }
0x13d: {  	[tilespmem:s5], [sflag:$0x7] =	stream.linear.gather [hbm4b:s2+s4], $0x400, $0x38;
	[tilespmem:$0x10600] =	vst v63  }
0x13e: {  	s7 =	simm.s32 $0x7400;
	s6 =	sadd.s32 $0xF4280, s2  }
0x13f: {  	[tilespmem:s7], [sflag:$0x7] =	stream.linear.gather [hbm4b:s6+s4], $0x400, $0x38;
	[tilespmem:$0x10600] =	vst v63  }
0x140: {  	s6 =	sadd.s32 $0x1E8500, s2;
	s7 =	simm.s32 $0xB400  }
0x141: {  	[tilespmem:s7], [sflag:$0x7] =	stream.linear.gather [hbm4b:s6+s4], $0x400, $0x38;
	[tilespmem:$0x10600] =	vst v63  }
0x142: {  	s5 =	simm.s32 $0xF400;
	s2 =	sadd.s32 $0x2DC780, s2;
	s6 =	spop (v2sf)  }
0x143: {  	[tilespmem:s5], [sflag:$0x7] =	stream.linear.gather [hbm4b:s2+s4], $0x400, $0x38;
	[tilespmem:$0x10600] =	vst v63  }
0x144: {  	(v2sf) =	vpush v32, $0x7;
	s2 =	sand.u32 $0xFFFFF80, s6  }
0x145: {  	s7 =	simm.s32 $0x3800;
	s2 =	sadd.s32 s1, s2  }
0x146: {  	[tilespmem:s7], [sflag:$0x7] =	stream.linear.gather [hbm4b:s2+s4], $0x400, $0x38;
	[tilespmem:$0x10600] =	vst v63  }
0x147: {  	s5 =	sadd.s32 $0xF4280, s2  }
0x148: {  	[tilespmem:s8], [sflag:$0x7] =	stream.linear.gather [hbm4b:s5+s4], $0x400, $0x38;
	[tilespmem:$0x10600] =	vst v63  }
0x149: {  	s6 =	sadd.s32 $0x1E8500, s2;
	s7 =	spop (v2sf)  }
0x14a: {  	[tilespmem:s9], [sflag:$0x7] =	stream.linear.gather [hbm4b:s6+s4], $0x400, $0x38;
	[tilespmem:$0x10600] =	vst v63  }
0x14b: {  	s2 =	sadd.s32 $0x2DC780, s2;
	s5 =	sand.u32 $0xFFFFF80, s7  }
0x14c: {  	[tilespmem:s11], [sflag:$0x7] =	stream.linear.gather [hbm4b:s2+s4], $0x400, $0x38;
	[tilespmem:$0x10600] =	vst v63  }
0x14d: {  	s2 =	sadd.s32 s0, s5  }
0x14e: {  	[tilespmem:s12], [sflag:$0x8] =	stream.linear.gather [hbm4b:s2+s4], $0x400, $0x38;
	[tilespmem:$0x10600] =	vst v63  }
0x14f: {  	s6 =	sadd.s32 $0xF4280, s2  }
0x150: {  	[tilespmem:s13], [sflag:$0x8] =	stream.linear.gather [hbm4b:s6+s4], $0x400, $0x38;
	[tilespmem:$0x10600] =	vst v63  }
0x151: {  	s7 =	sadd.s32 $0x1E8500, s2  }
0x152: {  	[tilespmem:s14], [sflag:$0x8] =	stream.linear.gather [hbm4b:s7+s4], $0x400, $0x38;
	[tilespmem:$0x10600] =	vst v63  }
0x153: {  	s2 =	sadd.s32 $0x2DC780, s2;
	s5 =	spop (v2sf)  }
0x154: {  	[tilespmem:s15], [sflag:$0x8] =	stream.linear.gather [hbm4b:s2+s4], $0x400, $0x38;
	[tilespmem:$0x10600] =	vst v63  }
0x155: {  	s2 =	sand.u32 $0xFFFFF80, s5  }
0x156: {  	s2 =	sadd.s32 s1, s2  }
0x157: {  	[tilespmem:s16], [sflag:$0x8] =	stream.linear.gather [hbm4b:s2+s4], $0x400, $0x38;
	[tilespmem:$0x10600] =	vst v63  }
0x158: {  	s6 =	sadd.s32 $0xF4280, s2  }
0x159: {  	[tilespmem:s17], [sflag:$0x8] =	stream.linear.gather [hbm4b:s6+s4], $0x400, $0x38;
	[tilespmem:$0x10600] =	vst v63  }
0x15a: {  	s7 =	sadd.s32 $0x1E8500, s2  }
0x15b: {  	[tilespmem:s18], [sflag:$0x8] =	stream.linear.gather [hbm4b:s7+s4], $0x400, $0x38;
	[tilespmem:$0x10600] =	vst v63  }
0x15c: {  	s2 =	sadd.s32 $0x2DC780, s2  }
0x15d: {  	[tilespmem:s19], [sflag:$0x8] =	stream.linear.gather [hbm4b:s2+s4], $0x400, $0x38;
	[tilespmem:$0x10600] =	vst v63  }
0x15e: {  	s30 =	simm.s32 $0x10;
	s31 =	simm.s32 $0x10400;
	s2 =	simm.s32 $0x0  }
.LBB2_2:
0x15f: {  	v37 =	vld [tilespmem:s2+$0x0]  }
0x160: {  	v36 =	vld [tilespmem:s29+$0x0];
	s3 =	sand.u32 $0x1F0, s30  }
0x161: {  	v30 =	vld [tilespmem:s3+$0x0]  }
0x162: {  	v33 =	vld [tilespmem:s3+$0x200];
	_ =	swait.ge [sflag:s20], $0x1000  }
0x163: {  	[sflag:s20] =	ssyncset.done $0x0  }
0x164: {  	[sflag:s20] =	ssyncadd.s32 $0xFFFFF000  }
0x165: {  	_ =	swait.ge [sflag:s20], $0x1000  }
0x166: {  	(v2sf) =	vpush v37, $0x0;
	_ =	sdelay $0x4  }
0x167: {  	(v2sf) =	vpush v37, $0x8;
	_ =	sdelay $0x4  }
0x168: {  	v7 =	vld [tilespmem:$0x1FE20]  }
0x169: {  	v8 =	vld [tilespmem:$0x1FE30]  }
0x16a: {  	v34 =	vand.u32 $0x7F, v36;
	v5 =	vld [tilespmem:$0x1FE00]  }
0x16b: {  	v6 =	vld [tilespmem:$0x1FE10];
	v38 =	vbroadcast v34, $0x0;
	_ =	sdelay $0x1  }
0x16c: {  	v40 =	vor.u32 v7, v38;
	s6 =	spop (v2sf);
	(v2sf) =	vpush v36, $0x8  }
0x16d: {  	v41 =	vor.u32 v8, v38;
	s3 =	sand.u32 $0x7F, s6  }
0x16e: {  	v35 =	vor.u32 s3, v5  }
0x16f: {  	[sflag:s20] =	ssyncset.done $0x0;
	v39 =	vor.u32 s3, v6  }
0x170: {  	[sflag:s20] =	ssyncadd.s32 $0xFFFFF000  }
0x171: {  	v40 =	vld.idx.msk [tilespmem:v40+s10+$0x0], $0xffff;
	s3 =	spop (v2sf)  }
0x172: {  	v41 =	vld.idx.msk [tilespmem:v41+s10+$0x0], $0xffff;
	s5 =	sand.u32 $0xFFFFF80, s3  }
0x173: {  	s5 =	sadd.s32 s0, s5;
	v38 =	vld.idx.msk [tilespmem:v35+s10+$0x0], $0xffff  }
0x174: {  	v39 =	vld.idx.msk [tilespmem:v39+s10+$0x0], $0xffff;
	[tilespmem:s10], [sflag:$0x1] =	stream.linear.gather [hbm4b:s5+s4], $0x400, $0x38  }
0x175: {  	s7 =	simm.s32 $0x4400;
	s6 =	sadd.s32 $0xF4280, s5  }
0x176: {  	[tilespmem:s7], [sflag:$0x1] =	stream.linear.gather [hbm4b:s6+s4], $0x400, $0x38;
	[tilespmem:$0x10600] =	vst v63  }
0x177: {  	s6 =	sadd.s32 $0x1E8500, s5;
	s7 =	simm.s32 $0x8400  }
0x178: {  	[tilespmem:s7], [sflag:$0x1] =	stream.linear.gather [hbm4b:s6+s4], $0x400, $0x38;
	[tilespmem:$0x10600] =	vst v63  }
0x179: {  	s5 =	sadd.s32 $0x2DC780, s5;
	s7 =	simm.s32 $0xC400  }
0x17a: {  	[tilespmem:s7], [sflag:$0x1] =	stream.linear.gather [hbm4b:s5+s4], $0x400, $0x38;
	[tilespmem:$0x10600] =	vst v63  }
0x17b: {  	s6 =	spop (v2sf)  }
0x17c: {  	s5 =	sand.u32 $0xFFFFF80, s6  }
0x17d: {  	s7 =	simm.s32 $0x800;
	s5 =	sadd.s32 s1, s5  }
0x17e: {  	[tilespmem:s7], [sflag:$0x1] =	stream.linear.gather [hbm4b:s5+s4], $0x400, $0x38;
	[tilespmem:$0x10600] =	vst v63  }
0x17f: {  	s6 =	sadd.s32 $0xF4280, s5;
	s7 =	simm.s32 $0x4800  }
0x180: {  	[tilespmem:s7], [sflag:$0x1] =	stream.linear.gather [hbm4b:s6+s4], $0x400, $0x38;
	[tilespmem:$0x10600] =	vst v63  }
0x181: {  	s6 =	sadd.s32 $0x1E8500, s5;
	s7 =	simm.s32 $0x8800  }
0x182: {  	[tilespmem:s7], [sflag:$0x1] =	stream.linear.gather [hbm4b:s6+s4], $0x400, $0x38;
	[tilespmem:$0x10600] =	vst v63  }
0x183: {  	s5 =	sadd.s32 $0x2DC780, s5;
	s7 =	simm.s32 $0xC800  }
0x184: {  	[tilespmem:s7], [sflag:$0x1] =	stream.linear.gather [hbm4b:s5+s4], $0x400, $0x38;
	[tilespmem:$0x10600] =	vst v63  }
0x185: {  	_ =	swait.ge [sflag:s21], $0x1000  }
0x186: {  	[sflag:s21] =	ssyncset.done $0x0  }
0x187: {  	[sflag:s21] =	ssyncadd.s32 $0xFFFFF000  }
0x188: {  	_ =	swait.ge [sflag:s21], $0x1000  }
0x189: {  	(v2sf) =	vpush v37, $0x9;
	_ =	sdelay $0x4  }
0x18a: {  	v9 =	vld [tilespmem:$0x1FE40]  }
0x18b: {  	v10 =	vld [tilespmem:$0x1FE50]  }
0x18c: {  	v35 =	vand.u32 $0x7F, v37;
	v11 =	vld [tilespmem:$0x1FE60]  }
0x18d: {  	v42 =	vbroadcast v35, $0x1;
	v12 =	vld [tilespmem:$0x1FE70];
	(v2sf) =	vpush v36, $0x9;
	_ =	sdelay $0x1  }
0x18e: {  	v44 =	vbroadcast v34, $0x1;
	v43 =	vor.u32 v9, v42  }
0x18f: {  	v45 =	vor.u32 v10, v42  }
0x190: {  	v46 =	vor.u32 v11, v44  }
0x191: {  	[sflag:s21] =	ssyncset.done $0x0;
	v47 =	vor.u32 v12, v44  }
0x192: {  	[sflag:s21] =	ssyncadd.s32 $0xFFFFF000  }
0x193: {  	v42 =	vld.idx.msk [tilespmem:v43+s10+$0x0], $0xffff;
	s6 =	spop (v2sf)  }
0x194: {  	v43 =	vld.idx.msk [tilespmem:v45+s10+$0x0], $0xffff;
	s5 =	sand.u32 $0xFFFFF80, s6  }
0x195: {  	s7 =	simm.s32 $0xC00;
	v44 =	vld.idx.msk [tilespmem:v46+s10+$0x0], $0xffff;
	s5 =	sadd.s32 s0, s5  }
0x196: {  	v45 =	vld.idx.msk [tilespmem:v47+s10+$0x0], $0xffff;
	[tilespmem:s7], [sflag:$0x2] =	stream.linear.gather [hbm4b:s5+s4], $0x400, $0x38  }
0x197: {  	s6 =	sadd.s32 $0xF4280, s5;
	s7 =	simm.s32 $0x4C00  }
0x198: {  	[tilespmem:s7], [sflag:$0x2] =	stream.linear.gather [hbm4b:s6+s4], $0x400, $0x38;
	[tilespmem:$0x10600] =	vst v63  }
0x199: {  	s6 =	sadd.s32 $0x1E8500, s5;
	s7 =	simm.s32 $0x8C00  }
0x19a: {  	[tilespmem:s7], [sflag:$0x2] =	stream.linear.gather [hbm4b:s6+s4], $0x400, $0x38;
	[tilespmem:$0x10600] =	vst v63  }
0x19b: {  	s5 =	sadd.s32 $0x2DC780, s5;
	s7 =	simm.s32 $0xCC00;
	s6 =	spop (v2sf)  }
0x19c: {  	[tilespmem:s7], [sflag:$0x2] =	stream.linear.gather [hbm4b:s5+s4], $0x400, $0x38;
	[tilespmem:$0x10600] =	vst v63  }
0x19d: {  	s5 =	sand.u32 $0xFFFFF80, s6  }
0x19e: {  	s7 =	simm.s32 $0x1000;
	s5 =	sadd.s32 s1, s5  }
0x19f: {  	[tilespmem:s7], [sflag:$0x2] =	stream.linear.gather [hbm4b:s5+s4], $0x400, $0x38;
	[tilespmem:$0x10600] =	vst v63  }
0x1a0: {  	s6 =	sadd.s32 $0xF4280, s5;
	s7 =	simm.s32 $0x5000  }
0x1a1: {  	[tilespmem:s7], [sflag:$0x2] =	stream.linear.gather [hbm4b:s6+s4], $0x400, $0x38;
	[tilespmem:$0x10600] =	vst v63  }
0x1a2: {  	s6 =	sadd.s32 $0x1E8500, s5;
	s7 =	simm.s32 $0x9000  }
0x1a3: {  	[tilespmem:s7], [sflag:$0x2] =	stream.linear.gather [hbm4b:s6+s4], $0x400, $0x38;
	[tilespmem:$0x10600] =	vst v63  }
0x1a4: {  	s5 =	sadd.s32 $0x2DC780, s5;
	s7 =	simm.s32 $0xD000  }
0x1a5: {  	[tilespmem:s7], [sflag:$0x2] =	stream.linear.gather [hbm4b:s5+s4], $0x400, $0x38;
	[tilespmem:$0x10600] =	vst v63  }
0x1a6: {  	_ =	swait.ge [sflag:s22], $0x1000  }
0x1a7: {  	[sflag:s22] =	ssyncset.done $0x0  }
0x1a8: {  	[sflag:s22] =	ssyncadd.s32 $0xFFFFF000  }
0x1a9: {  	_ =	swait.ge [sflag:s22], $0x1000  }
0x1aa: {  	(v2sf) =	vpush v37, $0xA;
	_ =	sdelay $0x4  }
0x1ab: {  	v13 =	vld [tilespmem:$0x1FE80]  }
0x1ac: {  	v14 =	vld [tilespmem:$0x1FE90]  }
0x1ad: {  	v15 =	vld [tilespmem:$0x1FEA0]  }
0x1ae: {  	v60 =	vbroadcast v35, $0x2;
	v16 =	vld [tilespmem:$0x1FEB0];
	(v2sf) =	vpush v36, $0xA;
	_ =	sdelay $0x1  }
0x1af: {  	v48 =	vbroadcast v34, $0x2;
	v61 =	vor.u32 v13, v60  }
0x1b0: {  	v49 =	vor.u32 v14, v60  }
0x1b1: {  	v50 =	vor.u32 v15, v48  }
0x1b2: {  	[sflag:s22] =	ssyncset.done $0x0;
	v51 =	vor.u32 v16, v48  }
0x1b3: {  	[sflag:s22] =	ssyncadd.s32 $0xFFFFF000  }
0x1b4: {  	v46 =	vld.idx.msk [tilespmem:v61+s10+$0x0], $0xffff;
	s6 =	spop (v2sf)  }
0x1b5: {  	v47 =	vld.idx.msk [tilespmem:v49+s10+$0x0], $0xffff;
	s5 =	sand.u32 $0xFFFFF80, s6  }
0x1b6: {  	s7 =	simm.s32 $0x1400;
	v48 =	vld.idx.msk [tilespmem:v50+s10+$0x0], $0xffff;
	s5 =	sadd.s32 s0, s5  }
0x1b7: {  	v49 =	vld.idx.msk [tilespmem:v51+s10+$0x0], $0xffff;
	[tilespmem:s7], [sflag:$0x3] =	stream.linear.gather [hbm4b:s5+s4], $0x400, $0x38  }
0x1b8: {  	s6 =	sadd.s32 $0xF4280, s5;
	s7 =	simm.s32 $0x5400  }
0x1b9: {  	[tilespmem:s7], [sflag:$0x3] =	stream.linear.gather [hbm4b:s6+s4], $0x400, $0x38;
	[tilespmem:$0x10600] =	vst v63  }
0x1ba: {  	s6 =	sadd.s32 $0x1E8500, s5;
	s7 =	simm.s32 $0x9400  }
0x1bb: {  	[tilespmem:s7], [sflag:$0x3] =	stream.linear.gather [hbm4b:s6+s4], $0x400, $0x38;
	[tilespmem:$0x10600] =	vst v63  }
0x1bc: {  	s5 =	sadd.s32 $0x2DC780, s5;
	s7 =	simm.s32 $0xD400;
	s6 =	spop (v2sf)  }
0x1bd: {  	[tilespmem:s7], [sflag:$0x3] =	stream.linear.gather [hbm4b:s5+s4], $0x400, $0x38;
	[tilespmem:$0x10600] =	vst v63  }
0x1be: {  	s5 =	sand.u32 $0xFFFFF80, s6  }
0x1bf: {  	s7 =	simm.s32 $0x1800;
	s5 =	sadd.s32 s1, s5  }
0x1c0: {  	[tilespmem:s7], [sflag:$0x3] =	stream.linear.gather [hbm4b:s5+s4], $0x400, $0x38;
	[tilespmem:$0x10600] =	vst v63  }
0x1c1: {  	s6 =	sadd.s32 $0xF4280, s5;
	s7 =	simm.s32 $0x5800  }
0x1c2: {  	[tilespmem:s7], [sflag:$0x3] =	stream.linear.gather [hbm4b:s6+s4], $0x400, $0x38;
	[tilespmem:$0x10600] =	vst v63  }
0x1c3: {  	s6 =	sadd.s32 $0x1E8500, s5;
	s7 =	simm.s32 $0x9800  }
0x1c4: {  	[tilespmem:s7], [sflag:$0x3] =	stream.linear.gather [hbm4b:s6+s4], $0x400, $0x38;
	[tilespmem:$0x10600] =	vst v63  }
0x1c5: {  	s5 =	sadd.s32 $0x2DC780, s5;
	s7 =	simm.s32 $0xD800  }
0x1c6: {  	[tilespmem:s7], [sflag:$0x3] =	stream.linear.gather [hbm4b:s5+s4], $0x400, $0x38;
	[tilespmem:$0x10600] =	vst v63  }
0x1c7: {  	_ =	swait.ge [sflag:s23], $0x1000  }
0x1c8: {  	[sflag:s23] =	ssyncset.done $0x0  }
0x1c9: {  	[sflag:s23] =	ssyncadd.s32 $0xFFFFF000  }
0x1ca: {  	_ =	swait.ge [sflag:s23], $0x1000  }
0x1cb: {  	(v2sf) =	vpush v37, $0xB;
	_ =	sdelay $0x4  }
0x1cc: {  	v17 =	vld [tilespmem:$0x1FEC0]  }
0x1cd: {  	v18 =	vld [tilespmem:$0x1FED0]  }
0x1ce: {  	v19 =	vld [tilespmem:$0x1FEE0]  }
0x1cf: {  	v62 =	vbroadcast v35, $0x3;
	v20 =	vld [tilespmem:$0x1FEF0];
	(v2sf) =	vpush v36, $0xB;
	_ =	sdelay $0x1  }
0x1d0: {  	v52 =	vbroadcast v34, $0x3;
	v63 =	vor.u32 v17, v62  }
0x1d1: {  	v53 =	vor.u32 v18, v62  }
0x1d2: {  	v54 =	vor.u32 v19, v52  }
0x1d3: {  	[sflag:s23] =	ssyncset.done $0x0;
	v55 =	vor.u32 v20, v52  }
0x1d4: {  	[sflag:s23] =	ssyncadd.s32 $0xFFFFF000  }
0x1d5: {  	v50 =	vld.idx.msk [tilespmem:v63+s10+$0x0], $0xffff;
	s6 =	spop (v2sf)  }
0x1d6: {  	v51 =	vld.idx.msk [tilespmem:v53+s10+$0x0], $0xffff;
	s5 =	sand.u32 $0xFFFFF80, s6  }
0x1d7: {  	s7 =	simm.s32 $0x1C00;
	v52 =	vld.idx.msk [tilespmem:v54+s10+$0x0], $0xffff;
	s5 =	sadd.s32 s0, s5  }
0x1d8: {  	v53 =	vld.idx.msk [tilespmem:v55+s10+$0x0], $0xffff;
	[tilespmem:s7], [sflag:$0x4] =	stream.linear.gather [hbm4b:s5+s4], $0x400, $0x38  }
0x1d9: {  	s6 =	sadd.s32 $0xF4280, s5;
	s7 =	simm.s32 $0x5C00  }
0x1da: {  	[tilespmem:s7], [sflag:$0x4] =	stream.linear.gather [hbm4b:s6+s4], $0x400, $0x38;
	[tilespmem:$0x10600] =	vst v63  }
0x1db: {  	s6 =	sadd.s32 $0x1E8500, s5;
	s7 =	simm.s32 $0x9C00  }
0x1dc: {  	[tilespmem:s7], [sflag:$0x4] =	stream.linear.gather [hbm4b:s6+s4], $0x400, $0x38;
	[tilespmem:$0x10600] =	vst v63  }
0x1dd: {  	s5 =	sadd.s32 $0x2DC780, s5;
	s7 =	simm.s32 $0xDC00;
	s6 =	spop (v2sf)  }
0x1de: {  	[tilespmem:s7], [sflag:$0x4] =	stream.linear.gather [hbm4b:s5+s4], $0x400, $0x38;
	[tilespmem:$0x10600] =	vst v63  }
0x1df: {  	s5 =	sand.u32 $0xFFFFF80, s6  }
0x1e0: {  	s7 =	simm.s32 $0x2000;
	s5 =	sadd.s32 s1, s5  }
0x1e1: {  	[tilespmem:s7], [sflag:$0x4] =	stream.linear.gather [hbm4b:s5+s4], $0x400, $0x38;
	[tilespmem:$0x10600] =	vst v63  }
0x1e2: {  	s6 =	sadd.s32 $0xF4280, s5;
	s7 =	simm.s32 $0x6000  }
0x1e3: {  	[tilespmem:s7], [sflag:$0x4] =	stream.linear.gather [hbm4b:s6+s4], $0x400, $0x38;
	[tilespmem:$0x10600] =	vst v63  }
0x1e4: {  	s6 =	sadd.s32 $0x1E8500, s5;
	s7 =	simm.s32 $0xA000  }
0x1e5: {  	[tilespmem:s7], [sflag:$0x4] =	stream.linear.gather [hbm4b:s6+s4], $0x400, $0x38;
	[tilespmem:$0x10600] =	vst v63  }
0x1e6: {  	s5 =	sadd.s32 $0x2DC780, s5;
	s7 =	simm.s32 $0xE000  }
0x1e7: {  	[tilespmem:s7], [sflag:$0x4] =	stream.linear.gather [hbm4b:s5+s4], $0x400, $0x38;
	[tilespmem:$0x10600] =	vst v63  }
0x1e8: {  	_ =	swait.ge [sflag:s24], $0x1000  }
0x1e9: {  	[sflag:s24] =	ssyncset.done $0x0  }
0x1ea: {  	[sflag:s24] =	ssyncadd.s32 $0xFFFFF000  }
0x1eb: {  	_ =	swait.ge [sflag:s24], $0x1000  }
0x1ec: {  	(v2sf) =	vpush v37, $0xC;
	_ =	sdelay $0x4  }
0x1ed: {  	v21 =	vld [tilespmem:$0x1FF00]  }
0x1ee: {  	v22 =	vld [tilespmem:$0x1FF10]  }
0x1ef: {  	v23 =	vld [tilespmem:$0x1FF20]  }
0x1f0: {  	v0 =	vbroadcast v35, $0x4;
	v24 =	vld [tilespmem:$0x1FF30];
	(v2sf) =	vpush v36, $0xC;
	_ =	sdelay $0x1  }
0x1f1: {  	v56 =	vbroadcast v34, $0x4;
	v1 =	vor.u32 v21, v0  }
0x1f2: {  	v57 =	vor.u32 v22, v0  }
0x1f3: {  	v58 =	vor.u32 v23, v56  }
0x1f4: {  	[sflag:s24] =	ssyncset.done $0x0;
	v59 =	vor.u32 v24, v56  }
0x1f5: {  	[sflag:s24] =	ssyncadd.s32 $0xFFFFF000  }
0x1f6: {  	v54 =	vld.idx.msk [tilespmem:v1+s10+$0x0], $0xffff;
	s6 =	spop (v2sf)  }
0x1f7: {  	v55 =	vld.idx.msk [tilespmem:v57+s10+$0x0], $0xffff;
	s5 =	sand.u32 $0xFFFFF80, s6  }
0x1f8: {  	s7 =	simm.s32 $0x2400;
	v56 =	vld.idx.msk [tilespmem:v58+s10+$0x0], $0xffff;
	s5 =	sadd.s32 s0, s5  }
0x1f9: {  	v57 =	vld.idx.msk [tilespmem:v59+s10+$0x0], $0xffff;
	[tilespmem:s7], [sflag:$0x5] =	stream.linear.gather [hbm4b:s5+s4], $0x400, $0x38  }
0x1fa: {  	s6 =	sadd.s32 $0xF4280, s5;
	s7 =	simm.s32 $0x6400  }
0x1fb: {  	[tilespmem:s7], [sflag:$0x5] =	stream.linear.gather [hbm4b:s6+s4], $0x400, $0x38;
	[tilespmem:$0x10600] =	vst v63  }
0x1fc: {  	s6 =	sadd.s32 $0x1E8500, s5;
	s7 =	simm.s32 $0xA400  }
0x1fd: {  	[tilespmem:s7], [sflag:$0x5] =	stream.linear.gather [hbm4b:s6+s4], $0x400, $0x38;
	[tilespmem:$0x10600] =	vst v63  }
0x1fe: {  	s5 =	sadd.s32 $0x2DC780, s5;
	s7 =	simm.s32 $0xE400;
	s6 =	spop (v2sf)  }
0x1ff: {  	[tilespmem:s7], [sflag:$0x5] =	stream.linear.gather [hbm4b:s5+s4], $0x400, $0x38;
	[tilespmem:$0x10600] =	vst v63  }
0x200: {  	s5 =	sand.u32 $0xFFFFF80, s6  }
0x201: {  	s7 =	simm.s32 $0x2800;
	s5 =	sadd.s32 s1, s5  }
0x202: {  	[tilespmem:s7], [sflag:$0x5] =	stream.linear.gather [hbm4b:s5+s4], $0x400, $0x38;
	[tilespmem:$0x10600] =	vst v63  }
0x203: {  	s6 =	sadd.s32 $0xF4280, s5;
	s7 =	simm.s32 $0x6800  }
0x204: {  	[tilespmem:s7], [sflag:$0x5] =	stream.linear.gather [hbm4b:s6+s4], $0x400, $0x38;
	[tilespmem:$0x10600] =	vst v63  }
0x205: {  	s6 =	sadd.s32 $0x1E8500, s5;
	s7 =	simm.s32 $0xA800  }
0x206: {  	[tilespmem:s7], [sflag:$0x5] =	stream.linear.gather [hbm4b:s6+s4], $0x400, $0x38;
	[tilespmem:$0x10600] =	vst v63  }
0x207: {  	s5 =	sadd.s32 $0x2DC780, s5;
	s7 =	simm.s32 $0xE800  }
0x208: {  	[tilespmem:s7], [sflag:$0x5] =	stream.linear.gather [hbm4b:s5+s4], $0x400, $0x38;
	[tilespmem:$0x10600] =	vst v63  }
0x209: {  	_ =	swait.ge [sflag:s25], $0x1000  }
0x20a: {  	[sflag:s25] =	ssyncset.done $0x0  }
0x20b: {  	[sflag:s25] =	ssyncadd.s32 $0xFFFFF000  }
0x20c: {  	_ =	swait.ge [sflag:s25], $0x1000  }
0x20d: {  	(v2sf) =	vpush v37, $0xD;
	_ =	sdelay $0x4  }
0x20e: {  	v25 =	vld [tilespmem:$0x1FF40]  }
0x20f: {  	v26 =	vld [tilespmem:$0x1FF50]  }
0x210: {  	v27 =	vld [tilespmem:$0x1FF60]  }
0x211: {  	v2 =	vbroadcast v35, $0x5;
	v28 =	vld [tilespmem:$0x1FF70];
	(v2sf) =	vpush v36, $0xD;
	_ =	sdelay $0x1  }
0x212: {  	v60 =	vbroadcast v34, $0x5;
	v3 =	vor.u32 v25, v2  }
0x213: {  	v58 =	vor.u32 v26, v2  }
0x214: {  	v61 =	vor.u32 v27, v60  }
0x215: {  	[sflag:s25] =	ssyncset.done $0x0;
	v60 =	vor.u32 v28, v60  }
0x216: {  	[sflag:s25] =	ssyncadd.s32 $0xFFFFF000  }
0x217: {  	v59 =	vld.idx.msk [tilespmem:v3+s10+$0x0], $0xffff;
	s6 =	spop (v2sf)  }
0x218: {  	v58 =	vld.idx.msk [tilespmem:v58+s10+$0x0], $0xffff;
	s5 =	sand.u32 $0xFFFFF80, s6  }
0x219: {  	s7 =	simm.s32 $0x2C00;
	v61 =	vld.idx.msk [tilespmem:v61+s10+$0x0], $0xffff;
	s5 =	sadd.s32 s0, s5  }
0x21a: {  	v60 =	vld.idx.msk [tilespmem:v60+s10+$0x0], $0xffff;
	[tilespmem:s7], [sflag:$0x6] =	stream.linear.gather [hbm4b:s5+s4], $0x400, $0x38  }
0x21b: {  	s6 =	sadd.s32 $0xF4280, s5;
	s7 =	simm.s32 $0x6C00  }
0x21c: {  	[tilespmem:s7], [sflag:$0x6] =	stream.linear.gather [hbm4b:s6+s4], $0x400, $0x38;
	[tilespmem:$0x10600] =	vst v63  }
0x21d: {  	s6 =	sadd.s32 $0x1E8500, s5;
	s7 =	simm.s32 $0xAC00  }
0x21e: {  	[tilespmem:s7], [sflag:$0x6] =	stream.linear.gather [hbm4b:s6+s4], $0x400, $0x38;
	[tilespmem:$0x10600] =	vst v63  }
0x21f: {  	s5 =	sadd.s32 $0x2DC780, s5;
	s7 =	simm.s32 $0xEC00;
	s6 =	spop (v2sf)  }
0x220: {  	[tilespmem:s7], [sflag:$0x6] =	stream.linear.gather [hbm4b:s5+s4], $0x400, $0x38;
	[tilespmem:$0x10600] =	vst v63  }
0x221: {  	s5 =	sand.u32 $0xFFFFF80, s6  }
0x222: {  	s7 =	simm.s32 $0x3000;
	s5 =	sadd.s32 s1, s5  }
0x223: {  	[tilespmem:s7], [sflag:$0x6] =	stream.linear.gather [hbm4b:s5+s4], $0x400, $0x38;
	[tilespmem:$0x10600] =	vst v63  }
0x224: {  	s6 =	sadd.s32 $0xF4280, s5;
	s7 =	simm.s32 $0x7000  }
0x225: {  	[tilespmem:s7], [sflag:$0x6] =	stream.linear.gather [hbm4b:s6+s4], $0x400, $0x38;
	[tilespmem:$0x10600] =	vst v63  }
0x226: {  	s6 =	sadd.s32 $0x1E8500, s5;
	s7 =	simm.s32 $0xB000  }
0x227: {  	[tilespmem:s7], [sflag:$0x6] =	stream.linear.gather [hbm4b:s6+s4], $0x400, $0x38;
	[tilespmem:$0x10600] =	vst v63  }
0x228: {  	s5 =	sadd.s32 $0x2DC780, s5;
	s7 =	simm.s32 $0xF000  }
0x229: {  	[tilespmem:s7], [sflag:$0x6] =	stream.linear.gather [hbm4b:s5+s4], $0x400, $0x38;
	[tilespmem:$0x10600] =	vst v63  }
0x22a: {  	_ =	swait.ge [sflag:s26], $0x1000  }
0x22b: {  	[sflag:s26] =	ssyncset.done $0x0  }
0x22c: {  	[sflag:s26] =	ssyncadd.s32 $0xFFFFF000  }
0x22d: {  	_ =	swait.ge [sflag:s26], $0x1000  }
0x22e: {  	(v2sf) =	vpush v37, $0xE;
	_ =	sdelay $0x4  }
0x22f: {  	v0 =	vld [tilespmem:$0x1FF80]  }
0x230: {  	v1 =	vld [tilespmem:$0x1FF90]  }
0x231: {  	v31 =	vld [tilespmem:$0x1FFA0]  }
0x232: {  	v62 =	vbroadcast v35, $0x6;
	v29 =	vld [tilespmem:$0x1FFB0];
	(v2sf) =	vpush v36, $0xE;
	_ =	sdelay $0x1  }
0x233: {  	v63 =	vor.u32 v0, v62;
	v0 =	vbroadcast v34, $0x6  }
0x234: {  	v62 =	vor.u32 v1, v62  }
0x235: {  	v4 =	vor.u32 v31, v0  }
0x236: {  	[sflag:s26] =	ssyncset.done $0x0;
	v0 =	vor.u32 v29, v0  }
0x237: {  	[sflag:s26] =	ssyncadd.s32 $0xFFFFF000  }
0x238: {  	v63 =	vld.idx.msk [tilespmem:v63+s10+$0x0], $0xffff;
	s6 =	spop (v2sf)  }
0x239: {  	v62 =	vld.idx.msk [tilespmem:v62+s10+$0x0], $0xffff;
	s5 =	sand.u32 $0xFFFFF80, s6  }
0x23a: {  	s7 =	simm.s32 $0x3400;
	v1 =	vld.idx.msk [tilespmem:v4+s10+$0x0], $0xffff;
	s5 =	sadd.s32 s0, s5  }
0x23b: {  	v0 =	vld.idx.msk [tilespmem:v0+s10+$0x0], $0xffff;
	[tilespmem:s7], [sflag:$0x7] =	stream.linear.gather [hbm4b:s5+s4], $0x400, $0x38  }
0x23c: {  	s6 =	sadd.s32 $0xF4280, s5;
	s7 =	simm.s32 $0x7400  }
0x23d: {  	[tilespmem:s7], [sflag:$0x7] =	stream.linear.gather [hbm4b:s6+s4], $0x400, $0x38;
	[tilespmem:$0x10600] =	vst v63  }
0x23e: {  	s6 =	sadd.s32 $0x1E8500, s5;
	s7 =	simm.s32 $0xB400  }
0x23f: {  	[tilespmem:s7], [sflag:$0x7] =	stream.linear.gather [hbm4b:s6+s4], $0x400, $0x38;
	[tilespmem:$0x10600] =	vst v63  }
0x240: {  	s5 =	sadd.s32 $0x2DC780, s5;
	s7 =	simm.s32 $0xF400;
	s6 =	spop (v2sf)  }
0x241: {  	[tilespmem:s7], [sflag:$0x7] =	stream.linear.gather [hbm4b:s5+s4], $0x400, $0x38;
	[tilespmem:$0x10600] =	vst v63  }
0x242: {  	s5 =	sand.u32 $0xFFFFF80, s6  }
0x243: {  	s7 =	simm.s32 $0x3800;
	s5 =	sadd.s32 s1, s5  }
0x244: {  	[tilespmem:s7], [sflag:$0x7] =	stream.linear.gather [hbm4b:s5+s4], $0x400, $0x38;
	[tilespmem:$0x10600] =	vst v63  }
0x245: {  	s7 =	sadd.s32 $0xF4280, s5  }
0x246: {  	[tilespmem:s8], [sflag:$0x7] =	stream.linear.gather [hbm4b:s7+s4], $0x400, $0x38;
	[tilespmem:$0x10600] =	vst v63  }
0x247: {  	s7 =	sadd.s32 $0x1E8500, s5  }
0x248: {  	[tilespmem:s9], [sflag:$0x7] =	stream.linear.gather [hbm4b:s7+s4], $0x400, $0x38;
	[tilespmem:$0x10600] =	vst v63  }
0x249: {  	s5 =	sadd.s32 $0x2DC780, s5  }
0x24a: {  	[tilespmem:s11], [sflag:$0x7] =	stream.linear.gather [hbm4b:s5+s4], $0x400, $0x38;
	[tilespmem:$0x10600] =	vst v63  }
0x24b: {  	_ =	swait.ge [sflag:s28], $0x1000  }
0x24c: {  	[sflag:s28] =	ssyncset.done $0x0  }
0x24d: {  	[sflag:s28] =	ssyncadd.s32 $0xFFFFF000  }
0x24e: {  	_ =	swait.ge [sflag:s28], $0x1000  }
0x24f: {  	v2 =	vld [tilespmem:$0x1FFC0]  }
0x250: {  	(v2sf) =	vpush v37, $0xF;
	v4 =	vld [tilespmem:$0x1FFD0];
	_ =	sdelay $0x2  }
0x251: {  	v32 =	vbroadcast v35, $0x7;
	_ =	sdelay $0x1  }
0x252: {  	v2 =	vor.u32 v2, v32;
	v37 =	vor.u32 v4, v32;
	v32 =	vld [tilespmem:$0x1FFE0];
	_ =	sdelay $0x2  }
0x253: {  	v3 =	vbroadcast v34, $0x7;
	_ =	sdelay $0x1  }
0x254: {  	v4 =	vor.u32 v32, v3;
	v32 =	vld [tilespmem:$0x1FFF0];
	_ =	sdelay $0x2  }
0x255: {  	v40 =	vmul.f32 v40, v38  }
0x256: {  	v41 =	vmul.f32 v41, v39;
	v44 =	vmul.f32 v44, v42  }
0x257: {  	v45 =	vmul.f32 v45, v43;
	[sflag:s28] =	ssyncset.done $0x0;
	v3 =	vor.u32 v32, v3;
	s6 =	spop (v2sf);
	(v2sf) =	vpush v36, $0xF  }
0x258: {  	v46 =	vmul.f32 v48, v46;
	v48 =	vmul.f32 v49, v47;
	[sflag:s28] =	ssyncadd.s32 $0xFFFFF000;
	v36 =	vadd.f32 v41, v40  }
0x259: {  	v49 =	vadd.f32 v45, v44;
	v52 =	vmul.f32 v52, v50;
	v2 =	vld.idx.msk [tilespmem:v2+s10+$0x0], $0xffff  }
0x25a: {  	v53 =	vmul.f32 v53, v51;
	v37 =	vld.idx.msk [tilespmem:v37+s10+$0x0], $0xffff;
	v40 =	vadd.f32 v48, v46;
	(xrf2) =	vadd.scan.msk.f32 $0xffff, v36  }
0x25b: {  	v56 =	vmul.f32 v56, v54;
	v57 =	vmul.f32 v57, v55;
	v4 =	vld.idx.msk [tilespmem:v4+s10+$0x0], $0xffff;
	s5 =	sand.u32 $0xFFFFF80, s6;
	(xrf2) =	vadd.scan.msk.f32 $0xffff, v49  }
0x25c: {  	v45 =	vadd.f32 v53, v52;
	s5 =	sadd.s32 s0, s5;
	(xrf2) =	vadd.scan.msk.f32 $0xffff, v40;
	v3 =	vld.idx.msk [tilespmem:v3+s10+$0x0], $0xffff  }
0x25d: {  	v47 =	vmul.f32 v60, v58;
	v46 =	vmul.f32 v61, v59;
	v48 =	vadd.f32 v57, v56;
	[tilespmem:s12], [sflag:$0x8] =	stream.linear.gather [hbm4b:s5+s4], $0x400, $0x38;
	[tilespmem:$0x10600] =	vst v63  }
0x25e: {  	(xrf2) =	vadd.scan.msk.f32 $0xffff, v45  }
0x25f: {  	v1 =	vmul.f32 v1, v63;
	v0 =	vmul.f32 v0, v62;
	s7 =	sadd.s32 $0xF4280, s5;
	v49 =	vadd.f32 v47, v46;
	(xrf2) =	vadd.scan.msk.f32 $0xffff, v48  }
0x260: {  	[tilespmem:s13], [sflag:$0x8] =	stream.linear.gather [hbm4b:s7+s4], $0x400, $0x38;
	[tilespmem:$0x10600] =	vst v63  }
0x261: {  	v0 =	vadd.f32 v0, v1;
	v2 =	vmul.f32 v4, v2;
	s7 =	sadd.s32 $0x1E8500, s5;
	(xrf2) =	vadd.scan.msk.f32 $0xffff, v49;
	v3 =	vmul.f32 v3, v37  }
0x262: {  	[tilespmem:s14], [sflag:$0x8] =	stream.linear.gather [hbm4b:s7+s4], $0x400, $0x38;
	[tilespmem:$0x10600] =	vst v63  }
0x263: {  	s5 =	sadd.s32 $0x2DC780, s5;
	(xrf2) =	vadd.scan.msk.f32 $0xffff, v0;
	v50 =	vadd.f32 v3, v2  }
0x264: {  	[tilespmem:s15], [sflag:$0x8] =	stream.linear.gather [hbm4b:s5+s4], $0x400, $0x38;
	[tilespmem:$0x10600] =	vst v63  }
0x265: {  	(xrf2) =	vadd.scan.msk.f32 $0xffff, v50  }
0x266: {  	s6 =	spop (v2sf)  }
0x267: {  	s5 =	sand.u32 $0xFFFFF80, s6  }
0x268: {  	v37, _, _ =	vpop (xrf2);
	s5 =	sadd.s32 s1, s5  }
0x269: {  	v41, _, _ =	vpop (xrf2);
	[tilespmem:s16], [sflag:$0x8] =	stream.linear.gather [hbm4b:s5+s4], $0x400, $0x38;
	[tilespmem:$0x10600] =	vst v63  }
0x26a: {  	v42, _, _ =	vpop (xrf2);
	s7 =	sadd.s32 $0xF4280, s5  }
0x26b: {  	v43, _, _ =	vpop (xrf2);
	[tilespmem:s17], [sflag:$0x8] =	stream.linear.gather [hbm4b:s7+s4], $0x400, $0x38;
	[tilespmem:$0x10600] =	vst v63  }
0x26c: {  	v38, _, _ =	vpop (xrf2);
	s7 =	sadd.s32 $0x1E8500, s5  }
0x26d: {  	v39, _, _ =	vpop (xrf2);
	[tilespmem:s18], [sflag:$0x8] =	stream.linear.gather [hbm4b:s7+s4], $0x400, $0x38;
	[tilespmem:$0x10600] =	vst v63  }
0x26e: {  	v36, _, _ =	vpop (xrf2);
	s5 =	sadd.s32 $0x2DC780, s5  }
0x26f: {  	[tilespmem:s19], [sflag:$0x8] =	stream.linear.gather [hbm4b:s5+s4], $0x400, $0x38;
	v40, _, _ =	vpop (xrf2);
	[tilespmem:$0x10600] =	vst v63  }
0x270: {  	_ =	swait.ge [sflag:s20], $0x1000  }
0x271: {  	[sflag:s20] =	ssyncset.done $0x0  }
0x272: {  	[sflag:s20] =	ssyncadd.s32 $0xFFFFF000  }
0x273: {  	p0 =	seq.s32 s30, $0x200;
	_ =	swait.ge [sflag:s20], $0x1000  }
0x274: {  	(v2sf) =	vpush @!p0 v30, $0x0;
	_ =	sdelay $0x4  }
0x275: {  	s3 =	sand.u32 $0x7F, s3  }
0x276: {  	v51 =	vor.u32 s3, v5;
	v52 =	vbroadcast v34, $0x8  }
0x277: {  	v53 =	vor.u32 s3, v6  }
0x278: {  	v54 =	vor.u32 v7, v52  }
0x279: {  	v1 =	vor.u32 v8, v52;
	[sflag:s20] =	ssyncset.done $0x0  }
0x27a: {  	[sflag:s20] =	ssyncadd.s32 $0xFFFFF000;
	(v2sf) =	vpush @!p0 v33, $0x0  }
0x27b: {  	v0 =	vld.idx.msk [tilespmem:v51+s10+$0x0], $0xffff  }
0x27c: {  	v2 =	vld.idx.msk [tilespmem:v53+s10+$0x0], $0xffff  }
0x27d: {  	v3 =	vld.idx.msk [tilespmem:v54+s10+$0x0], $0xffff  }
0x27e: {  	v1 =	vld.idx.msk [tilespmem:v1+s10+$0x0], $0xffff  }
0x27f: {  	s3 =	spop @!p0 (v2sf)  }
0x280: {  	s3 =	sand.u32 @!p0 $0xFFFFF80, s3  }
0x281: {  	s6 =	simm.s32 @!p0 $0x400;
	s5 =	sadd.s32 @!p0 s0, s3;
	s3 =	simm.s32 @!p0 $0x0  }
0x282: {  	[tilespmem:s6], [sflag:$0x1] =	stream.linear.gather @!p0 [hbm4b:s5+s3], $0x400, $0x38;
	[tilespmem:$0x10600] =	vst v63  }
0x283: {  	s7 =	simm.s32 @!p0 $0x4400;
	v0 =	vmul.f32 v3, v0;
	v1 =	vmul.f32 v1, v2;
	s6 =	sadd.s32 @!p0 $0xF4280, s5  }
0x284: {  	[tilespmem:s7], [sflag:$0x1] =	stream.linear.gather @!p0 [hbm4b:s6+s3], $0x400, $0x38;
	[tilespmem:$0x10600] =	vst v63  }
0x285: {  	v0 =	vadd.f32 v1, v0;
	s6 =	sadd.s32 @!p0 $0x1E8500, s5;
	s7 =	simm.s32 @!p0 $0x8400  }
0x286: {  	[tilespmem:s7], [sflag:$0x1] =	stream.linear.gather @!p0 [hbm4b:s6+s3], $0x400, $0x38;
	[tilespmem:$0x10600] =	vst v63  }
0x287: {  	(xrf2) =	vadd.scan.msk.f32 $0xffff, v0;
	s5 =	sadd.s32 @!p0 $0x2DC780, s5;
	s6 =	simm.s32 @!p0 $0xC400  }
0x288: {  	[tilespmem:s6], [sflag:$0x1] =	stream.linear.gather @!p0 [hbm4b:s5+s3], $0x400, $0x38;
	[tilespmem:$0x10600] =	vst v63  }
0x289: {  	s5 =	spop @!p0 (v2sf)  }
0x28a: {  	s5 =	sand.u32 @!p0 $0xFFFFF80, s5  }
0x28b: {  	s6 =	simm.s32 @!p0 $0x800;
	s5 =	sadd.s32 @!p0 s1, s5  }
0x28c: {  	[tilespmem:s6], [sflag:$0x1] =	stream.linear.gather @!p0 [hbm4b:s5+s3], $0x400, $0x38;
	[tilespmem:$0x10600] =	vst v63  }
0x28d: {  	s7 =	simm.s32 @!p0 $0x4800;
	s6 =	sadd.s32 @!p0 $0xF4280, s5  }
0x28e: {  	[tilespmem:s7], [sflag:$0x1] =	stream.linear.gather @!p0 [hbm4b:s6+s3], $0x400, $0x38;
	[tilespmem:$0x10600] =	vst v63  }
0x28f: {  	s6 =	sadd.s32 @!p0 $0x1E8500, s5;
	s7 =	simm.s32 @!p0 $0x8800  }
0x290: {  	[tilespmem:s7], [sflag:$0x1] =	stream.linear.gather @!p0 [hbm4b:s6+s3], $0x400, $0x38;
	[tilespmem:$0x10600] =	vst v63  }
0x291: {  	s5 =	sadd.s32 @!p0 $0x2DC780, s5;
	s6 =	simm.s32 @!p0 $0xC800  }
0x292: {  	v44, _, _ =	vpop (xrf2);
	[tilespmem:s6], [sflag:$0x1] =	stream.linear.gather @!p0 [hbm4b:s5+s3], $0x400, $0x38;
	[tilespmem:$0x10600] =	vst v63  }
0x293: {  	_ =	swait.ge [sflag:s21], $0x1000  }
0x294: {  	[sflag:s21] =	ssyncset.done $0x0  }
0x295: {  	[sflag:s21] =	ssyncadd.s32 $0xFFFFF000  }
0x296: {  	_ =	swait.ge [sflag:s21], $0x1000  }
0x297: {  	(v2sf) =	vpush @!p0 v30, $0x1;
	_ =	sdelay $0x3  }
0x298: {  	v55 =	vbroadcast v35, $0x9;
	_ =	sdelay $0x1  }
0x299: {  	v56 =	vor.u32 v9, v55;
	v57 =	vbroadcast v34, $0x9  }
0x29a: {  	v0 =	vor.u32 v10, v55  }
0x29b: {  	v58 =	vor.u32 v11, v57  }
0x29c: {  	v2 =	vor.u32 v12, v57;
	[sflag:s21] =	ssyncset.done $0x0  }
0x29d: {  	[sflag:s21] =	ssyncadd.s32 $0xFFFFF000;
	(v2sf) =	vpush @!p0 v33, $0x1  }
0x29e: {  	v1 =	vld.idx.msk [tilespmem:v56+s10+$0x0], $0xffff  }
0x29f: {  	v0 =	vld.idx.msk [tilespmem:v0+s10+$0x0], $0xffff  }
0x2a0: {  	v3 =	vld.idx.msk [tilespmem:v58+s10+$0x0], $0xffff  }
0x2a1: {  	v2 =	vld.idx.msk [tilespmem:v2+s10+$0x0], $0xffff  }
0x2a2: {  	s5 =	spop @!p0 (v2sf)  }
0x2a3: {  	s5 =	sand.u32 @!p0 $0xFFFFF80, s5  }
0x2a4: {  	s6 =	simm.s32 @!p0 $0xC00;
	s5 =	sadd.s32 @!p0 s0, s5  }
0x2a5: {  	[tilespmem:s6], [sflag:$0x2] =	stream.linear.gather @!p0 [hbm4b:s5+s3], $0x400, $0x38;
	[tilespmem:$0x10600] =	vst v63  }
0x2a6: {  	s7 =	simm.s32 @!p0 $0x4C00;
	v1 =	vmul.f32 v3, v1;
	v0 =	vmul.f32 v2, v0;
	s6 =	sadd.s32 @!p0 $0xF4280, s5  }
0x2a7: {  	[tilespmem:s7], [sflag:$0x2] =	stream.linear.gather @!p0 [hbm4b:s6+s3], $0x400, $0x38;
	[tilespmem:$0x10600] =	vst v63  }
0x2a8: {  	v0 =	vadd.f32 v0, v1;
	s6 =	sadd.s32 @!p0 $0x1E8500, s5;
	s7 =	simm.s32 @!p0 $0x8C00  }
0x2a9: {  	[tilespmem:s7], [sflag:$0x2] =	stream.linear.gather @!p0 [hbm4b:s6+s3], $0x400, $0x38;
	[tilespmem:$0x10600] =	vst v63  }
0x2aa: {  	(xrf2) =	vadd.scan.msk.f32 $0xffff, v0;
	s5 =	sadd.s32 @!p0 $0x2DC780, s5;
	s6 =	simm.s32 @!p0 $0xCC00  }
0x2ab: {  	[tilespmem:s6], [sflag:$0x2] =	stream.linear.gather @!p0 [hbm4b:s5+s3], $0x400, $0x38;
	[tilespmem:$0x10600] =	vst v63  }
0x2ac: {  	s5 =	spop @!p0 (v2sf)  }
0x2ad: {  	s5 =	sand.u32 @!p0 $0xFFFFF80, s5  }
0x2ae: {  	s6 =	simm.s32 @!p0 $0x1000;
	s5 =	sadd.s32 @!p0 s1, s5  }
0x2af: {  	[tilespmem:s6], [sflag:$0x2] =	stream.linear.gather @!p0 [hbm4b:s5+s3], $0x400, $0x38;
	[tilespmem:$0x10600] =	vst v63  }
0x2b0: {  	s7 =	simm.s32 @!p0 $0x5000;
	s6 =	sadd.s32 @!p0 $0xF4280, s5  }
0x2b1: {  	[tilespmem:s7], [sflag:$0x2] =	stream.linear.gather @!p0 [hbm4b:s6+s3], $0x400, $0x38;
	[tilespmem:$0x10600] =	vst v63  }
0x2b2: {  	s6 =	sadd.s32 @!p0 $0x1E8500, s5;
	s7 =	simm.s32 @!p0 $0x9000  }
0x2b3: {  	[tilespmem:s7], [sflag:$0x2] =	stream.linear.gather @!p0 [hbm4b:s6+s3], $0x400, $0x38;
	[tilespmem:$0x10600] =	vst v63  }
0x2b4: {  	s5 =	sadd.s32 @!p0 $0x2DC780, s5;
	s6 =	simm.s32 @!p0 $0xD000  }
0x2b5: {  	v45, _, _ =	vpop (xrf2);
	[tilespmem:s6], [sflag:$0x2] =	stream.linear.gather @!p0 [hbm4b:s5+s3], $0x400, $0x38;
	[tilespmem:$0x10600] =	vst v63  }
0x2b6: {  	_ =	swait.ge [sflag:s22], $0x1000  }
0x2b7: {  	[sflag:s22] =	ssyncset.done $0x0  }
0x2b8: {  	[sflag:s22] =	ssyncadd.s32 $0xFFFFF000  }
0x2b9: {  	_ =	swait.ge [sflag:s22], $0x1000  }
0x2ba: {  	(v2sf) =	vpush @!p0 v30, $0x2;
	_ =	sdelay $0x3  }
0x2bb: {  	v59 =	vbroadcast v35, $0xA;
	_ =	sdelay $0x1  }
0x2bc: {  	v61 =	vbroadcast v34, $0xA;
	v60 =	vor.u32 v13, v59  }
0x2bd: {  	v0 =	vor.u32 v14, v59  }
0x2be: {  	v62 =	vor.u32 v15, v61  }
0x2bf: {  	v2 =	vor.u32 v16, v61;
	[sflag:s22] =	ssyncset.done $0x0  }
0x2c0: {  	[sflag:s22] =	ssyncadd.s32 $0xFFFFF000;
	(v2sf) =	vpush @!p0 v33, $0x2  }
0x2c1: {  	v1 =	vld.idx.msk [tilespmem:v60+s10+$0x0], $0xffff  }
0x2c2: {  	v0 =	vld.idx.msk [tilespmem:v0+s10+$0x0], $0xffff  }
0x2c3: {  	v3 =	vld.idx.msk [tilespmem:v62+s10+$0x0], $0xffff  }
0x2c4: {  	v2 =	vld.idx.msk [tilespmem:v2+s10+$0x0], $0xffff  }
0x2c5: {  	s5 =	spop @!p0 (v2sf)  }
0x2c6: {  	s5 =	sand.u32 @!p0 $0xFFFFF80, s5  }
0x2c7: {  	s6 =	simm.s32 @!p0 $0x1400;
	s5 =	sadd.s32 @!p0 s0, s5  }
0x2c8: {  	[tilespmem:s6], [sflag:$0x3] =	stream.linear.gather @!p0 [hbm4b:s5+s3], $0x400, $0x38;
	[tilespmem:$0x10600] =	vst v63  }
0x2c9: {  	s7 =	simm.s32 @!p0 $0x5400;
	v1 =	vmul.f32 v3, v1;
	v0 =	vmul.f32 v2, v0;
	s6 =	sadd.s32 @!p0 $0xF4280, s5  }
0x2ca: {  	[tilespmem:s7], [sflag:$0x3] =	stream.linear.gather @!p0 [hbm4b:s6+s3], $0x400, $0x38;
	[tilespmem:$0x10600] =	vst v63  }
0x2cb: {  	v0 =	vadd.f32 v0, v1;
	s6 =	sadd.s32 @!p0 $0x1E8500, s5;
	s7 =	simm.s32 @!p0 $0x9400  }
0x2cc: {  	[tilespmem:s7], [sflag:$0x3] =	stream.linear.gather @!p0 [hbm4b:s6+s3], $0x400, $0x38;
	[tilespmem:$0x10600] =	vst v63  }
0x2cd: {  	(xrf2) =	vadd.scan.msk.f32 $0xffff, v0;
	s5 =	sadd.s32 @!p0 $0x2DC780, s5;
	s6 =	simm.s32 @!p0 $0xD400  }
0x2ce: {  	[tilespmem:s6], [sflag:$0x3] =	stream.linear.gather @!p0 [hbm4b:s5+s3], $0x400, $0x38;
	[tilespmem:$0x10600] =	vst v63  }
0x2cf: {  	s5 =	spop @!p0 (v2sf)  }
0x2d0: {  	s5 =	sand.u32 @!p0 $0xFFFFF80, s5  }
0x2d1: {  	s6 =	simm.s32 @!p0 $0x1800;
	s5 =	sadd.s32 @!p0 s1, s5  }
0x2d2: {  	[tilespmem:s6], [sflag:$0x3] =	stream.linear.gather @!p0 [hbm4b:s5+s3], $0x400, $0x38;
	[tilespmem:$0x10600] =	vst v63  }
0x2d3: {  	s7 =	simm.s32 @!p0 $0x5800;
	s6 =	sadd.s32 @!p0 $0xF4280, s5  }
0x2d4: {  	[tilespmem:s7], [sflag:$0x3] =	stream.linear.gather @!p0 [hbm4b:s6+s3], $0x400, $0x38;
	[tilespmem:$0x10600] =	vst v63  }
0x2d5: {  	s6 =	sadd.s32 @!p0 $0x1E8500, s5;
	s7 =	simm.s32 @!p0 $0x9800  }
0x2d6: {  	[tilespmem:s7], [sflag:$0x3] =	stream.linear.gather @!p0 [hbm4b:s6+s3], $0x400, $0x38;
	[tilespmem:$0x10600] =	vst v63  }
0x2d7: {  	s5 =	sadd.s32 @!p0 $0x2DC780, s5;
	s6 =	simm.s32 @!p0 $0xD800  }
0x2d8: {  	v63, _, _ =	vpop (xrf2);
	[tilespmem:s6], [sflag:$0x3] =	stream.linear.gather @!p0 [hbm4b:s5+s3], $0x400, $0x38;
	[tilespmem:$0x10600] =	vst v63  }
0x2d9: {  	_ =	swait.ge [sflag:s23], $0x1000  }
0x2da: {  	[sflag:s23] =	ssyncset.done $0x0  }
0x2db: {  	[sflag:s23] =	ssyncadd.s32 $0xFFFFF000  }
0x2dc: {  	_ =	swait.ge [sflag:s23], $0x1000  }
0x2dd: {  	(v2sf) =	vpush @!p0 v30, $0x3;
	_ =	sdelay $0x3  }
0x2de: {  	v7 =	vbroadcast v35, $0xB;
	_ =	sdelay $0x1  }
0x2df: {  	v8 =	vor.u32 v17, v7;
	v9 =	vbroadcast v34, $0xB  }
0x2e0: {  	v0 =	vor.u32 v18, v7  }
0x2e1: {  	v10 =	vor.u32 v19, v9  }
0x2e2: {  	v2 =	vor.u32 v20, v9;
	[sflag:s23] =	ssyncset.done $0x0  }
0x2e3: {  	[sflag:s23] =	ssyncadd.s32 $0xFFFFF000;
	(v2sf) =	vpush @!p0 v33, $0x3  }
0x2e4: {  	v1 =	vld.idx.msk [tilespmem:v8+s10+$0x0], $0xffff  }
0x2e5: {  	v0 =	vld.idx.msk [tilespmem:v0+s10+$0x0], $0xffff  }
0x2e6: {  	v3 =	vld.idx.msk [tilespmem:v10+s10+$0x0], $0xffff  }
0x2e7: {  	v2 =	vld.idx.msk [tilespmem:v2+s10+$0x0], $0xffff  }
0x2e8: {  	s5 =	spop @!p0 (v2sf)  }
0x2e9: {  	s5 =	sand.u32 @!p0 $0xFFFFF80, s5  }
0x2ea: {  	s6 =	simm.s32 @!p0 $0x1C00;
	s5 =	sadd.s32 @!p0 s0, s5  }
0x2eb: {  	[tilespmem:s6], [sflag:$0x4] =	stream.linear.gather @!p0 [hbm4b:s5+s3], $0x400, $0x38;
	[tilespmem:$0x10600] =	vst v63  }
0x2ec: {  	s7 =	simm.s32 @!p0 $0x5C00;
	v1 =	vmul.f32 v3, v1;
	v0 =	vmul.f32 v2, v0;
	s6 =	sadd.s32 @!p0 $0xF4280, s5  }
0x2ed: {  	[tilespmem:s7], [sflag:$0x4] =	stream.linear.gather @!p0 [hbm4b:s6+s3], $0x400, $0x38;
	[tilespmem:$0x10600] =	vst v63  }
0x2ee: {  	v0 =	vadd.f32 v0, v1;
	s6 =	sadd.s32 @!p0 $0x1E8500, s5;
	s7 =	simm.s32 @!p0 $0x9C00  }
0x2ef: {  	[tilespmem:s7], [sflag:$0x4] =	stream.linear.gather @!p0 [hbm4b:s6+s3], $0x400, $0x38;
	[tilespmem:$0x10600] =	vst v63  }
0x2f0: {  	(xrf2) =	vadd.scan.msk.f32 $0xffff, v0;
	s5 =	sadd.s32 @!p0 $0x2DC780, s5;
	s6 =	simm.s32 @!p0 $0xDC00  }
0x2f1: {  	[tilespmem:s6], [sflag:$0x4] =	stream.linear.gather @!p0 [hbm4b:s5+s3], $0x400, $0x38;
	[tilespmem:$0x10600] =	vst v63  }
0x2f2: {  	s5 =	spop @!p0 (v2sf)  }
0x2f3: {  	s5 =	sand.u32 @!p0 $0xFFFFF80, s5  }
0x2f4: {  	s6 =	simm.s32 @!p0 $0x2000;
	s5 =	sadd.s32 @!p0 s1, s5  }
0x2f5: {  	[tilespmem:s6], [sflag:$0x4] =	stream.linear.gather @!p0 [hbm4b:s5+s3], $0x400, $0x38;
	[tilespmem:$0x10600] =	vst v63  }
0x2f6: {  	s7 =	simm.s32 @!p0 $0x6000;
	s6 =	sadd.s32 @!p0 $0xF4280, s5  }
0x2f7: {  	[tilespmem:s7], [sflag:$0x4] =	stream.linear.gather @!p0 [hbm4b:s6+s3], $0x400, $0x38;
	[tilespmem:$0x10600] =	vst v63  }
0x2f8: {  	s6 =	sadd.s32 @!p0 $0x1E8500, s5;
	s7 =	simm.s32 @!p0 $0xA000  }
0x2f9: {  	[tilespmem:s7], [sflag:$0x4] =	stream.linear.gather @!p0 [hbm4b:s6+s3], $0x400, $0x38;
	[tilespmem:$0x10600] =	vst v63  }
0x2fa: {  	s5 =	sadd.s32 @!p0 $0x2DC780, s5;
	s6 =	simm.s32 @!p0 $0xE000  }
0x2fb: {  	v11, _, _ =	vpop (xrf2);
	[tilespmem:s6], [sflag:$0x4] =	stream.linear.gather @!p0 [hbm4b:s5+s3], $0x400, $0x38;
	[tilespmem:$0x10600] =	vst v63  }
0x2fc: {  	_ =	swait.ge [sflag:s24], $0x1000  }
0x2fd: {  	[sflag:s24] =	ssyncset.done $0x0  }
0x2fe: {  	[sflag:s24] =	ssyncadd.s32 $0xFFFFF000  }
0x2ff: {  	_ =	swait.ge [sflag:s24], $0x1000  }
0x300: {  	(v2sf) =	vpush @!p0 v30, $0x4;
	_ =	sdelay $0x3  }
0x301: {  	v12 =	vbroadcast v35, $0xC;
	_ =	sdelay $0x1  }
0x302: {  	v13 =	vor.u32 v21, v12;
	v14 =	vbroadcast v34, $0xC  }
0x303: {  	v0 =	vor.u32 v22, v12  }
0x304: {  	v15 =	vor.u32 v23, v14  }
0x305: {  	v2 =	vor.u32 v24, v14;
	[sflag:s24] =	ssyncset.done $0x0  }
0x306: {  	[sflag:s24] =	ssyncadd.s32 $0xFFFFF000;
	(v2sf) =	vpush @!p0 v33, $0x4  }
0x307: {  	v1 =	vld.idx.msk [tilespmem:v13+s10+$0x0], $0xffff  }
0x308: {  	v0 =	vld.idx.msk [tilespmem:v0+s10+$0x0], $0xffff  }
0x309: {  	v3 =	vld.idx.msk [tilespmem:v15+s10+$0x0], $0xffff  }
0x30a: {  	v2 =	vld.idx.msk [tilespmem:v2+s10+$0x0], $0xffff  }
0x30b: {  	s5 =	spop @!p0 (v2sf)  }
0x30c: {  	s5 =	sand.u32 @!p0 $0xFFFFF80, s5  }
0x30d: {  	s6 =	simm.s32 @!p0 $0x2400;
	s5 =	sadd.s32 @!p0 s0, s5  }
0x30e: {  	[tilespmem:s6], [sflag:$0x5] =	stream.linear.gather @!p0 [hbm4b:s5+s3], $0x400, $0x38;
	[tilespmem:$0x10600] =	vst v63  }
0x30f: {  	s7 =	simm.s32 @!p0 $0x6400;
	v1 =	vmul.f32 v3, v1;
	v0 =	vmul.f32 v2, v0;
	s6 =	sadd.s32 @!p0 $0xF4280, s5  }
0x310: {  	[tilespmem:s7], [sflag:$0x5] =	stream.linear.gather @!p0 [hbm4b:s6+s3], $0x400, $0x38;
	[tilespmem:$0x10600] =	vst v63  }
0x311: {  	v0 =	vadd.f32 v0, v1;
	s6 =	sadd.s32 @!p0 $0x1E8500, s5;
	s7 =	simm.s32 @!p0 $0xA400  }
0x312: {  	[tilespmem:s7], [sflag:$0x5] =	stream.linear.gather @!p0 [hbm4b:s6+s3], $0x400, $0x38;
	[tilespmem:$0x10600] =	vst v63  }
0x313: {  	(xrf2) =	vadd.scan.msk.f32 $0xffff, v0;
	s5 =	sadd.s32 @!p0 $0x2DC780, s5;
	s6 =	simm.s32 @!p0 $0xE400  }
0x314: {  	[tilespmem:s6], [sflag:$0x5] =	stream.linear.gather @!p0 [hbm4b:s5+s3], $0x400, $0x38;
	[tilespmem:$0x10600] =	vst v63  }
0x315: {  	s5 =	spop @!p0 (v2sf)  }
0x316: {  	s5 =	sand.u32 @!p0 $0xFFFFF80, s5  }
0x317: {  	s6 =	simm.s32 @!p0 $0x2800;
	s5 =	sadd.s32 @!p0 s1, s5  }
0x318: {  	[tilespmem:s6], [sflag:$0x5] =	stream.linear.gather @!p0 [hbm4b:s5+s3], $0x400, $0x38;
	[tilespmem:$0x10600] =	vst v63  }
0x319: {  	s7 =	simm.s32 @!p0 $0x6800;
	s6 =	sadd.s32 @!p0 $0xF4280, s5  }
0x31a: {  	[tilespmem:s7], [sflag:$0x5] =	stream.linear.gather @!p0 [hbm4b:s6+s3], $0x400, $0x38;
	[tilespmem:$0x10600] =	vst v63  }
0x31b: {  	s6 =	sadd.s32 @!p0 $0x1E8500, s5;
	s7 =	simm.s32 @!p0 $0xA800  }
0x31c: {  	[tilespmem:s7], [sflag:$0x5] =	stream.linear.gather @!p0 [hbm4b:s6+s3], $0x400, $0x38;
	[tilespmem:$0x10600] =	vst v63  }
0x31d: {  	s5 =	sadd.s32 @!p0 $0x2DC780, s5;
	s6 =	simm.s32 @!p0 $0xE800  }
0x31e: {  	v16, _, _ =	vpop (xrf2);
	[tilespmem:s6], [sflag:$0x5] =	stream.linear.gather @!p0 [hbm4b:s5+s3], $0x400, $0x38;
	[tilespmem:$0x10600] =	vst v63  }
0x31f: {  	_ =	swait.ge [sflag:s25], $0x1000  }
0x320: {  	[sflag:s25] =	ssyncset.done $0x0  }
0x321: {  	[sflag:s25] =	ssyncadd.s32 $0xFFFFF000  }
0x322: {  	_ =	swait.ge [sflag:s25], $0x1000  }
0x323: {  	(v2sf) =	vpush @!p0 v30, $0x5;
	_ =	sdelay $0x3  }
0x324: {  	v17 =	vbroadcast v35, $0xD;
	_ =	sdelay $0x1  }
0x325: {  	v19 =	vbroadcast v34, $0xD;
	v18 =	vor.u32 v25, v17  }
0x326: {  	v0 =	vor.u32 v26, v17  }
0x327: {  	v20 =	vor.u32 v27, v19  }
0x328: {  	v2 =	vor.u32 v28, v19;
	[sflag:s25] =	ssyncset.done $0x0  }
0x329: {  	[sflag:s25] =	ssyncadd.s32 $0xFFFFF000;
	(v2sf) =	vpush @!p0 v33, $0x5  }
0x32a: {  	v1 =	vld.idx.msk [tilespmem:v18+s10+$0x0], $0xffff  }
0x32b: {  	v0 =	vld.idx.msk [tilespmem:v0+s10+$0x0], $0xffff  }
0x32c: {  	v3 =	vld.idx.msk [tilespmem:v20+s10+$0x0], $0xffff  }
0x32d: {  	v2 =	vld.idx.msk [tilespmem:v2+s10+$0x0], $0xffff  }
0x32e: {  	s5 =	spop @!p0 (v2sf)  }
0x32f: {  	s5 =	sand.u32 @!p0 $0xFFFFF80, s5  }
0x330: {  	s6 =	simm.s32 @!p0 $0x2C00;
	s5 =	sadd.s32 @!p0 s0, s5  }
0x331: {  	[tilespmem:s6], [sflag:$0x6] =	stream.linear.gather @!p0 [hbm4b:s5+s3], $0x400, $0x38;
	[tilespmem:$0x10600] =	vst v63  }
0x332: {  	s7 =	simm.s32 @!p0 $0x6C00;
	v1 =	vmul.f32 v3, v1;
	v0 =	vmul.f32 v2, v0;
	s6 =	sadd.s32 @!p0 $0xF4280, s5  }
0x333: {  	[tilespmem:s7], [sflag:$0x6] =	stream.linear.gather @!p0 [hbm4b:s6+s3], $0x400, $0x38;
	[tilespmem:$0x10600] =	vst v63  }
0x334: {  	v0 =	vadd.f32 v0, v1;
	s6 =	sadd.s32 @!p0 $0x1E8500, s5;
	s7 =	simm.s32 @!p0 $0xAC00  }
0x335: {  	[tilespmem:s7], [sflag:$0x6] =	stream.linear.gather @!p0 [hbm4b:s6+s3], $0x400, $0x38;
	[tilespmem:$0x10600] =	vst v63  }
0x336: {  	(xrf2) =	vadd.scan.msk.f32 $0xffff, v0;
	s5 =	sadd.s32 @!p0 $0x2DC780, s5;
	s6 =	simm.s32 @!p0 $0xEC00  }
0x337: {  	[tilespmem:s6], [sflag:$0x6] =	stream.linear.gather @!p0 [hbm4b:s5+s3], $0x400, $0x38;
	[tilespmem:$0x10600] =	vst v63  }
0x338: {  	s5 =	spop @!p0 (v2sf)  }
0x339: {  	s5 =	sand.u32 @!p0 $0xFFFFF80, s5  }
0x33a: {  	s6 =	simm.s32 @!p0 $0x3000;
	s5 =	sadd.s32 @!p0 s1, s5  }
0x33b: {  	[tilespmem:s6], [sflag:$0x6] =	stream.linear.gather @!p0 [hbm4b:s5+s3], $0x400, $0x38;
	[tilespmem:$0x10600] =	vst v63  }
0x33c: {  	s7 =	simm.s32 @!p0 $0x7000;
	s6 =	sadd.s32 @!p0 $0xF4280, s5  }
0x33d: {  	[tilespmem:s7], [sflag:$0x6] =	stream.linear.gather @!p0 [hbm4b:s6+s3], $0x400, $0x38;
	[tilespmem:$0x10600] =	vst v63  }
0x33e: {  	s6 =	sadd.s32 @!p0 $0x1E8500, s5;
	s7 =	simm.s32 @!p0 $0xB000  }
0x33f: {  	[tilespmem:s7], [sflag:$0x6] =	stream.linear.gather @!p0 [hbm4b:s6+s3], $0x400, $0x38;
	[tilespmem:$0x10600] =	vst v63  }
0x340: {  	s5 =	sadd.s32 @!p0 $0x2DC780, s5;
	s6 =	simm.s32 @!p0 $0xF000  }
0x341: {  	v0, _, _ =	vpop (xrf2);
	[tilespmem:s6], [sflag:$0x6] =	stream.linear.gather @!p0 [hbm4b:s5+s3], $0x400, $0x38;
	[tilespmem:$0x10600] =	vst v63  }
0x342: {  	_ =	swait.ge [sflag:s26], $0x1000  }
0x343: {  	[sflag:s26] =	ssyncset.done $0x0  }
0x344: {  	[sflag:s26] =	ssyncadd.s32 $0xFFFFF000  }
0x345: {  	_ =	swait.ge [sflag:s26], $0x1000  }
0x346: {  	(v2sf) =	vpush @!p0 v30, $0x6;
	_ =	sdelay $0x2  }
0x347: {  	v22 =	vld [tilespmem:$0x1FF80]  }
0x348: {  	v23 =	vbroadcast v34, $0xE;
	v24 =	vld [tilespmem:$0x1FF90];
	_ =	sdelay $0x1  }
0x349: {  	v21 =	vbroadcast v35, $0xE;
	v25 =	vor.u32 v31, v23  }
0x34a: {  	v3 =	vor.u32 v29, v23  }
0x34b: {  	v2 =	vor.u32 v22, v21  }
0x34c: {  	[sflag:s26] =	ssyncset.done $0x0;
	v1 =	vor.u32 v24, v21  }
0x34d: {  	[sflag:s26] =	ssyncadd.s32 $0xFFFFF000;
	(v2sf) =	vpush @!p0 v33, $0x6  }
0x34e: {  	v4 =	vld.idx.msk [tilespmem:v25+s10+$0x0], $0xffff  }
0x34f: {  	v3 =	vld.idx.msk [tilespmem:v3+s10+$0x0], $0xffff  }
0x350: {  	v2 =	vld.idx.msk [tilespmem:v2+s10+$0x0], $0xffff  }
0x351: {  	v1 =	vld.idx.msk [tilespmem:v1+s10+$0x0], $0xffff  }
0x352: {  	s5 =	spop @!p0 (v2sf)  }
0x353: {  	s5 =	sand.u32 @!p0 $0xFFFFF80, s5  }
0x354: {  	s6 =	simm.s32 @!p0 $0x3400;
	s5 =	sadd.s32 @!p0 s0, s5  }
0x355: {  	[tilespmem:s6], [sflag:$0x7] =	stream.linear.gather @!p0 [hbm4b:s5+s3], $0x400, $0x38;
	[tilespmem:$0x10600] =	vst v63  }
0x356: {  	s7 =	simm.s32 @!p0 $0x7400;
	v2 =	vmul.f32 v4, v2;
	v1 =	vmul.f32 v3, v1;
	s6 =	sadd.s32 @!p0 $0xF4280, s5  }
0x357: {  	[tilespmem:s7], [sflag:$0x7] =	stream.linear.gather @!p0 [hbm4b:s6+s3], $0x400, $0x38;
	[tilespmem:$0x10600] =	vst v63  }
0x358: {  	v1 =	vadd.f32 v1, v2;
	s6 =	sadd.s32 @!p0 $0x1E8500, s5;
	s7 =	simm.s32 @!p0 $0xB400  }
0x359: {  	[tilespmem:s7], [sflag:$0x7] =	stream.linear.gather @!p0 [hbm4b:s6+s3], $0x400, $0x38;
	[tilespmem:$0x10600] =	vst v63  }
0x35a: {  	(xrf2) =	vadd.scan.msk.f32 $0xffff, v1;
	s5 =	sadd.s32 @!p0 $0x2DC780, s5;
	s6 =	simm.s32 @!p0 $0xF400  }
0x35b: {  	[tilespmem:s6], [sflag:$0x7] =	stream.linear.gather @!p0 [hbm4b:s5+s3], $0x400, $0x38;
	[tilespmem:$0x10600] =	vst v63  }
0x35c: {  	s5 =	spop @!p0 (v2sf)  }
0x35d: {  	s5 =	sand.u32 @!p0 $0xFFFFF80, s5  }
0x35e: {  	s6 =	simm.s32 @!p0 $0x3800;
	s5 =	sadd.s32 @!p0 s1, s5  }
0x35f: {  	[tilespmem:s6], [sflag:$0x7] =	stream.linear.gather @!p0 [hbm4b:s5+s3], $0x400, $0x38;
	[tilespmem:$0x10600] =	vst v63  }
0x360: {  	s7 =	simm.s32 @!p0 $0x7800;
	s6 =	sadd.s32 @!p0 $0xF4280, s5  }
0x361: {  	[tilespmem:s7], [sflag:$0x7] =	stream.linear.gather @!p0 [hbm4b:s6+s3], $0x400, $0x38;
	[tilespmem:$0x10600] =	vst v63  }
0x362: {  	s6 =	sadd.s32 @!p0 $0x1E8500, s5;
	s7 =	simm.s32 @!p0 $0xB800  }
0x363: {  	[tilespmem:s7], [sflag:$0x7] =	stream.linear.gather @!p0 [hbm4b:s6+s3], $0x400, $0x38;
	[tilespmem:$0x10600] =	vst v63  }
0x364: {  	s5 =	sadd.s32 @!p0 $0x2DC780, s5;
	s6 =	simm.s32 @!p0 $0xF800  }
0x365: {  	v1, _, _ =	vpop (xrf2);
	[tilespmem:s6], [sflag:$0x7] =	stream.linear.gather @!p0 [hbm4b:s5+s3], $0x400, $0x38;
	[tilespmem:$0x10600] =	vst v63  }
0x366: {  	_ =	swait.ge [sflag:s28], $0x1000  }
0x367: {  	[sflag:s28] =	ssyncset.done $0x0  }
0x368: {  	v27 =	vbroadcast v34, $0xF;
	v34 =	vld [tilespmem:$0x1FFC0];
	[sflag:s28] =	ssyncadd.s32 $0xFFFFF000  }
0x369: {  	v26 =	vbroadcast v35, $0xF;
	v35 =	vld [tilespmem:$0x1FFE0];
	_ =	swait.ge [sflag:s28], $0x1000  }
0x36a: {  	v49 =	vld [tilespmem:$0x1FFD0];
	_ =	sdelay $0x1  }
0x36b: {  	v3 =	vor.u32 v32, v27  }
0x36c: {  	v4 =	vor.u32 v34, v26  }
0x36d: {  	v34 =	vor.u32 v35, v27  }
0x36e: {  	[sflag:s28] =	ssyncset.done $0x0;
	v2 =	vor.u32 v49, v26  }
0x36f: {  	[sflag:s28] =	ssyncadd.s32 $0xFFFFF000  }
0x370: {  	v3 =	vld.idx.msk [tilespmem:v3+s10+$0x0], $0xffff  }
0x371: {  	v4 =	vld.idx.msk [tilespmem:v4+s10+$0x0], $0xffff  }
0x372: {  	v34 =	vld.idx.msk [tilespmem:v34+s10+$0x0], $0xffff  }
0x373: {  	v2 =	vld.idx.msk [tilespmem:v2+s10+$0x0], $0xffff;
	_ =	sdelay $0x2  }
0x374: {  	v50 =	vbroadcast v37, $0xF  }
0x375: {  	v52 =	vbroadcast v42, $0xF;
	v51 =	vbroadcast v41, $0xF  }
0x376: {  	v4 =	vmul.f32 v34, v4;
	v2 =	vmul.f32 v3, v2  }
0x377: {  	v53 =	vbroadcast v43, $0xF;
	v34 =	vsel vm6, v50, v51  }
0x378: {  	v54 =	vbroadcast v38, $0xF;
	v3 =	vsel vm7, v34, v52;
	v2 =	vadd.f32 v2, v4  }
0x379: {  	v55 =	vbroadcast v39, $0xF;
	v3 =	vsel vm8, v3, v53  }
0x37a: {  	v56 =	vbroadcast v36, $0xF;
	v3 =	vsel vm9, v3, v54;
	(xrf2) =	vadd.scan.msk.f32 $0xffff, v2  }
0x37b: {  	v57 =	vbroadcast v40, $0xF;
	v3 =	vsel vm10, v3, v55  }
0x37c: {  	v58 =	vbroadcast v44, $0xF;
	v2 =	vsel vm11, v3, v56  }
0x37d: {  	v59 =	vbroadcast v45, $0xF;
	v2 =	vsel vm12, v2, v57  }
0x37e: {  	v60 =	vbroadcast v63, $0xF;
	v2 =	vsel vm13, v2, v58  }
0x37f: {  	v61 =	vbroadcast v11, $0xF;
	v2 =	vsel vm0, v59, v2  }
0x380: {  	v62 =	vbroadcast v16, $0xF;
	p0 =	sne.s32 s30, $0x200;
	v2 =	vsel vm1, v60, v2  }
.Ltmp2:
0x381: {  	v0 =	vbroadcast v0, $0xF;
	v2 =	vsel vm2, v61, v2;
	(pc) =	sbr.rel @!p0 .LBB2_3-.Ltmp2, $4  }
0x382: {  	v1 =	vbroadcast v1, $0xF;
	v2 =	vsel vm3, v62, v2  }
0x383: {  	v0 =	vsel vm4, v0, v2  }
0x384: {  	v0 =	vsel vm5, v1, v0;
	v63, _, _ =	vpop (xrf2)  }
0x385: {  	v34 =	vsel vm14, v0, v63  }
0x386: {  	(v2sf) =	vpush v30, $0x7;
	_ =	sdelay $0x7  }
0x387: {  	(v2sf) =	vpush v33, $0x7;
	_ =	sdelay $0x6  }
0x388: {  	s3 =	spop (v2sf)  }
0x389: {  	s3 =	sand.u32 $0xFFFFF80, s3  }
0x38a: {  	s3 =	sadd.s32 s0, s3  }
0x38b: {  	[tilespmem:s12], [sflag:$0x8] =	stream.linear.gather [hbm4b:s3+s4], $0x400, $0x38;
	[tilespmem:$0x10600] =	vst v63  }
0x38c: {  	s5 =	sadd.s32 $0xF4280, s3  }
0x38d: {  	[tilespmem:s13], [sflag:$0x8] =	stream.linear.gather [hbm4b:s5+s4], $0x400, $0x38;
	[tilespmem:$0x10600] =	vst v63  }
0x38e: {  	s7 =	sadd.s32 $0x1E8500, s3  }
0x38f: {  	[tilespmem:s14], [sflag:$0x8] =	stream.linear.gather [hbm4b:s7+s4], $0x400, $0x38;
	[tilespmem:$0x10600] =	vst v63  }
0x390: {  	s3 =	sadd.s32 $0x2DC780, s3;
	s5 =	spop (v2sf)  }
0x391: {  	[tilespmem:s15], [sflag:$0x8] =	stream.linear.gather [hbm4b:s3+s4], $0x400, $0x38;
	[tilespmem:$0x10600] =	vst v63  }
0x392: {  	s3 =	sand.u32 $0xFFFFF80, s5  }
0x393: {  	s3 =	sadd.s32 s1, s3  }
0x394: {  	[tilespmem:s16], [sflag:$0x8] =	stream.linear.gather [hbm4b:s3+s4], $0x400, $0x38;
	[tilespmem:$0x10600] =	vst v63  }
0x395: {  	s30 =	sadd.s32 $0x10, s30;
	s6 =	sadd.s32 $0xF4280, s3  }
0x396: {  	[tilespmem:s17], [sflag:$0x8] =	stream.linear.gather [hbm4b:s6+s4], $0x400, $0x38;
	[tilespmem:$0x10600] =	vst v63  }
0x397: {  	p0 =	sne.s32 s30, $0x210;
	s7 =	sadd.s32 $0x1E8500, s3  }
0x398: {  	[tilespmem:s18], [sflag:$0x8] =	stream.linear.gather [hbm4b:s7+s4], $0x400, $0x38;
	[tilespmem:$0x10600] =	vst v63  }
.Ltmp3:
0x399: {  	_ = 	snop;
	(pc) =	sbr.rel @p0 .LBB2_2-.Ltmp3, $4  }
.Ltmp4:
0x39a: {  	_ = 	snop;
	(pc) =	sbr.rel @!p0 .LBB2_5-.Ltmp4, $4  }
0x39b: {  	s3 =	sadd.s32 $0x2DC780, s3  }
0x39c: {  	[tilespmem:s19], [sflag:$0x8] =	stream.linear.gather [hbm4b:s3+s4], $0x400, $0x38;
	[tilespmem:$0x10600] =	vst v63  }
0x39d: {  	s2 =	sadd.s32 $0x10, s2;
	s29 =	sadd.s32 $0x10, s29;
	[tilespmem:s31+$0x0] =	vst v34;
	s31 =	sadd.s32 $0x10, s31  }
0x39e: {  	_ = 	snop  }
.LBB2_6:
0x39f: {  	_ =	sfence.sel $0x180000  }
0x3a0: {  	[bflag:$0x0] =	sbarrier.arrive $0xFFFF  }
0x3a1: {  	_ =	strace $0x90000047  }
0x3a2: {  	s0 =	stileid.u32;
	[bflag:$0x2] =	sbarrier.arrive $0xFFFF  }
0x3a3: {  	p0 =	sne.s32 s0, $0x0;
	s0 =	rddreg [dreg:$0x5]  }
0x3a4: {  	s0 =	sadd.s32 @!p0 $0x100000, s0  }
0x3a5: {  	[sflag:s0] =	ssyncadd.tile.s32 @!p0 $0x1;
	_ =	shalt  }
.Lfunc_end2:
_tile_overlayer_lowered:
.L_overlay_start_2:
0x3a6: {  	(tag) =	ssettag $0x2  }
0x3a7: {  	s0 =	rddreg [dreg:$0x0];
	s2 =	stileid.u32  }
0x3a8: {  	s1 =	rddreg [dreg:$0x1];
	p0 =	sne.s32 s2, $0x0  }
0x3a9: {  	s3 =	rddreg [dreg:$0x2];
	[bflag:$0x3] =	sbarrier.arrive $0xFFFF;
	s2 =	simm.s32 @!p0 $0x1C09  }
0x3aa: {  	[timem:s3], [sflag:s2] =	dma.local @!p0 [hbm:s0], s1  }
0x3ab: {  	s0 =	simm.s32 @!p0 $0x9  }
0x3ac: {  	_ =	swait.ge @!p0 [sflag:s0], s1  }
0x3ad: {  	s1 =	ssub.s32 @!p0 $0x0, s1;
	[sflag:s0] =	ssyncset.done @!p0 $0x0  }
0x3ae: {  	[sflag:s0] =	ssyncadd.s32 @!p0 s1  }
0x3af: {  	[bflag:$0x3] =	sbarrier.arrive $0xFFFF  }
0x3b0: {  	_ =	shalt  }

</sc_bundles>
